<compile_context>
chip_gen: v7x
topology: tpu7x:2x2x1
jax: 0.10.2.dev20260603
libtpu: 0.0.44.dev20260713+nightly
codegen_flags: <defaults>
</compile_context>

<pallas_src>
import functools

import jax
import jax.numpy as jnp
from jax import lax
from jax.experimental import pallas as pl
from jax.experimental.pallas import tpu as pltpu
from jax.experimental.pallas import tpu_sc as plsc

B, S, D = 16, 4096, 1024
NC, NS, L = 2, 16, 16

S_TC = 3328
S_SC = S - S_TC
ROWS_W = S_SC // NC

R = 32
NBUF = 2
NCHUNK = ROWS_W // R
NJ = D // L
GPP = 16
NPASS = NJ // GPP

TBLK = 1664

_mesh = plsc.VectorSubcoreMesh(core_axis_name="c", subcore_axis_name="s")


@functools.partial(
    pl.kernel,
    mesh=_mesh,
    out_type=jax.ShapeDtypeStruct((NC, B, D), jnp.float32),
    scratch_types=[
        pltpu.VMEM((NBUF, R, D), jnp.float32),
        pltpu.VMEM((D,), jnp.float32),
        pltpu.SemaphoreType.DMA,
        pltpu.SemaphoreType.DMA,
    ],
)
def _sc_partial(x_hbm, out_hbm, buf, acc, sem0, sem1):
    c = lax.axis_index("c")
    s = lax.axis_index("s")
    b = s
    row0 = S_TC + c * ROWS_W
    sems = [sem0, sem1]

    zero = jnp.zeros((L,), jnp.float32)
    for j in range(NJ):
        acc[pl.ds(j * L, L)] = zero

    def chunk_copy(k, i):
        return pltpu.make_async_copy(
            x_hbm.at[b, pl.ds(row0 + k * R, R)], buf.at[i], sems[i]
        )

    for i in range(NBUF):
        chunk_copy(i, i).start()

    zeros_pass = (zero,) * GPP

    def outer(kk, carry):
        for i in range(NBUF):
            ki = kk * NBUF + i
            chunk_copy(ki, i).wait()

            for p in range(NPASS):
                cb = p * GPP * L

                @plsc.parallel_loop(0, R, unroll=2, carry=zeros_pass)
                def sums(r, accs, i=i, cb=cb):
                    return tuple(
                        accs[j] + buf[i, r, pl.ds(cb + j * L, L)]
                        for j in range(GPP)
                    )

                for j in range(GPP):
                    plsc.addupdate(acc.at[pl.ds(cb + j * L, L)], sums[j])

            @pl.when(ki + NBUF < NCHUNK)
            def _():
                chunk_copy(ki + NBUF, i).start()

        return carry

    lax.fori_loop(0, NCHUNK // NBUF, outer, 0)

    pltpu.sync_copy(acc, out_hbm.at[c, b])


def _tc_body(x_ref, o_ref):
    @pl.when(pl.program_id(1) == 0)
    def _():
        o_ref[...] = jnp.zeros_like(o_ref)

    o_ref[...] += jnp.sum(x_ref[...], axis=1, keepdims=True)


_tc_partial = pl.pallas_call(
    _tc_body,
    grid=(B, S_TC // TBLK),
    in_specs=[pl.BlockSpec((1, TBLK, D), lambda b, k: (b, k, 0))],
    out_specs=pl.BlockSpec((1, 1, D), lambda b, k: (b, 0, 0)),
    out_shape=jax.ShapeDtypeStruct((B, 1, D), jnp.float32),
    compiler_params=pltpu.CompilerParams(
        dimension_semantics=("parallel", "arbitrary")
    ),
)


def _combine_body(t_ref, s_ref, o_ref):
    o_ref[...] = (t_ref[:, 0, :] + s_ref[0] + s_ref[1]) * (1.0 / S)


_combine = pl.pallas_call(
    _combine_body,
    out_shape=jax.ShapeDtypeStruct((B, D), jnp.float32),
)


def kernel(inputs):
    sc_sum = _sc_partial(inputs)
    tc_sum = _tc_partial(inputs)
    return _combine(tc_sum, sc_sum)

# --- scband reference (transcript-rebuilt; emitter-appended) ---
"""Pipeline reference for scband-permop-ragged-8864812499389 (READ-ONLY COPY).

The authoritative reference and input builder live on the scoring server;
editing this copy changes nothing except your own understanding.
"""

import jax, jax.numpy as jnp
import numpy as np


def setup_inputs(seed: int = 0) -> dict:
    key = jax.random.key(seed)
    inputs = jax.random.normal(key, (16, 4096, 1024), dtype=jnp.float32)
    return {"inputs": inputs}


def reference(inputs):
    # PermopRagged.forward for dense tensor input: mean pooling along dim=1
    return jnp.mean(inputs, axis=1)

if __name__ == "__main__":
    import jax
    _d = setup_inputs()
    print(jax.jit(kernel)(*tuple(_d.values())))

</pallas_src>

<mosaic_0001>
#map = affine_map<(d0, d1) -> (0, 0, 0)>
module attributes {stable_mosaic.version = 14 : i64} {
  func.func @_sc_partial(%arg0: i32, %arg1: i32, %arg2: memref<16x4096x1024xf32, #tpu.memory_space<hbm>>, %arg3: memref<2x16x1024xf32, #tpu.memory_space<hbm>>, %arg4: memref<2x32x1024xf32, #tpu.memory_space<vmem>>, %arg5: memref<1024xf32, #tpu.memory_space<vmem>>, %arg6: memref<!tpu.dma_semaphore, #tpu.memory_space<semaphore_mem>>, %arg7: memref<!tpu.dma_semaphore, #tpu.memory_space<semaphore_mem>>) attributes {dimension_semantics = [#tpu.dimension_semantics<core_parallel>, #tpu.dimension_semantics<subcore_parallel>], iteration_bounds = array<i64: 2, 16>, scalar_prefetch = 0 : i64, scratch_operands = 4 : i64, tpu.core_type = #tpu.core_type<sc_vector_subcore>, window_params = [{transform_indices = #map}, {transform_indices = #map}]} {
    %mul3A = arith.constant 384 : i32
    %mul3A_0 = arith.muli %arg0, %mul3A : i32
    %add3A = arith.constant 3328 : i32
    %add3A_1 = arith.addi %add3A, %mul3A_0 : i32
    %broadcast_in_dim3A = arith.constant 0.000000e+00 : f32
    %broadcast_in_dim3A_2 = vector.broadcast %broadcast_in_dim3A : f32 to vector<16xf32>
    %swap3A = arith.constant 0 : index
    %swap3A_3 = tpu.vector_load %arg5[%swap3A] {strides = array<i32>} : memref<1024xf32, #tpu.memory_space<vmem>>, vector<16xf32>,
    %swap3A_4 = vector.shape_cast %swap3A_3 : vector<16xf32> to vector<16xf32>
    %swap3A_5 = vector.shape_cast %broadcast_in_dim3A_2 : vector<16xf32> to vector<16xf32>
    tpu.vector_store %arg5[%swap3A], %swap3A_5 {strides = array<i32>} : memref<1024xf32, #tpu.memory_space<vmem>>, vector<16xf32>,
    %swap3A_6 = arith.constant 16 : index
    %swap3A_7 = tpu.vector_load %arg5[%swap3A_6] {strides = array<i32>} : memref<1024xf32, #tpu.memory_space<vmem>>, vector<16xf32>,
    %swap3A_8 = vector.shape_cast %swap3A_7 : vector<16xf32> to vector<16xf32>
    %swap3A_9 = vector.shape_cast %broadcast_in_dim3A_2 : vector<16xf32> to vector<16xf32>
    tpu.vector_store %arg5[%swap3A_6], %swap3A_9 {strides = array<i32>} : memref<1024xf32, #tpu.memory_space<vmem>>, vector<16xf32>,
    %swap3A_10 = arith.constant 32 : index
    %swap3A_11 = tpu.vector_load %arg5[%swap3A_10] {strides = array<i32>} : memref<1024xf32, #tpu.memory_space<vmem>>, vector<16xf32>,
    %swap3A_12 = vector.shape_cast %swap3A_11 : vector<16xf32> to vector<16xf32>
    %swap3A_13 = vector.shape_cast %broadcast_in_dim3A_2 : vector<16xf32> to vector<16xf32>
    tpu.vector_store %arg5[%swap3A_10], %swap3A_13 {strides = array<i32>} : memref<1024xf32, #tpu.memory_space<vmem>>, vector<16xf32>,
    %swap3A_14 = arith.constant 48 : index
    %swap3A_15 = tpu.vector_load %arg5[%swap3A_14] {strides = array<i32>} : memref<1024xf32, #tpu.memory_space<vmem>>, vector<16xf32>,
    %swap3A_16 = vector.shape_cast %swap3A_15 : vector<16xf32> to vector<16xf32>
    %swap3A_17 = vector.shape_cast %broadcast_in_dim3A_2 : vector<16xf32> to vector<16xf32>
    tpu.vector_store %arg5[%swap3A_14], %swap3A_17 {strides = array<i32>} : memref<1024xf32, #tpu.memory_space<vmem>>, vector<16xf32>,
    %swap3A_18 = arith.constant 64 : index
    %swap3A_19 = tpu.vector_load %arg5[%swap3A_18] {strides = array<i32>} : memref<1024xf32, #tpu.memory_space<vmem>>, vector<16xf32>,
    %swap3A_20 = vector.shape_cast %swap3A_19 : vector<16xf32> to vector<16xf32>
    %swap3A_21 = vector.shape_cast %broadcast_in_dim3A_2 : vector<16xf32> to vector<16xf32>
    tpu.vector_store %arg5[%swap3A_18], %swap3A_21 {strides = array<i32>} : memref<1024xf32, #tpu.memory_space<vmem>>, vector<16xf32>,
    %swap3A_22 = arith.constant 80 : index
    %swap3A_23 = tpu.vector_load %arg5[%swap3A_22] {strides = array<i32>} : memref<1024xf32, #tpu.memory_space<vmem>>, vector<16xf32>,
    %swap3A_24 = vector.shape_cast %swap3A_23 : vector<16xf32> to vector<16xf32>
    %swap3A_25 = vector.shape_cast %broadcast_in_dim3A_2 : vector<16xf32> to vector<16xf32>
    tpu.vector_store %arg5[%swap3A_22], %swap3A_25 {strides = array<i32>} : memref<1024xf32, #tpu.memory_space<vmem>>, vector<16xf32>,
    %swap3A_26 = arith.constant 96 : index
    %swap3A_27 = tpu.vector_load %arg5[%swap3A_26] {strides = array<i32>} : memref<1024xf32, #tpu.memory_space<vmem>>, vector<16xf32>,
    %swap3A_28 = vector.shape_cast %swap3A_27 : vector<16xf32> to vector<16xf32>
    %swap3A_29 = vector.shape_cast %broadcast_in_dim3A_2 : vector<16xf32> to vector<16xf32>
    tpu.vector_store %arg5[%swap3A_26], %swap3A_29 {strides = array<i32>} : memref<1024xf32, #tpu.memory_space<vmem>>, vector<16xf32>,
    %swap3A_30 = arith.constant 112 : index
    %swap3A_31 = tpu.vector_load %arg5[%swap3A_30] {strides = array<i32>} : memref<1024xf32, #tpu.memory_space<vmem>>, vector<16xf32>,
    %swap3A_32 = vector.shape_cast %swap3A_31 : vector<16xf32> to vector<16xf32>
    %swap3A_33 = vector.shape_cast %broadcast_in_dim3A_2 : vector<16xf32> to vector<16xf32>
    tpu.vector_store %arg5[%swap3A_30], %swap3A_33 {strides = array<i32>} : memref<1024xf32, #tpu.memory_space<vmem>>, vector<16xf32>,
    %swap3A_34 = arith.constant 128 : index
    %swap3A_35 = tpu.vector_load %arg5[%swap3A_34] {strides = array<i32>} : memref<1024xf32, #tpu.memory_space<vmem>>, vector<16xf32>,
    %swap3A_36 = vector.shape_cast %swap3A_35 : vector<16xf32> to vector<16xf32>
    %swap3A_37 = vector.shape_cast %broadcast_in_dim3A_2 : vector<16xf32> to vector<16xf32>
    tpu.vector_store %arg5[%swap3A_34], %swap3A_37 {strides = array<i32>} : memref<1024xf32, #tpu.memory_space<vmem>>, vector<16xf32>,
    %swap3A_38 = arith.constant 144 : index
    %swap3A_39 = tpu.vector_load %arg5[%swap3A_38] {strides = array<i32>} : memref<1024xf32, #tpu.memory_space<vmem>>, vector<16xf32>,
    %swap3A_40 = vector.shape_cast %swap3A_39 : vector<16xf32> to vector<16xf32>
    %swap3A_41 = vector.shape_cast %broadcast_in_dim3A_2 : vector<16xf32> to vector<16xf32>
    tpu.vector_store %arg5[%swap3A_38], %swap3A_41 {strides = array<i32>} : memref<1024xf32, #tpu.memory_space<vmem>>, vector<16xf32>,
    %swap3A_42 = arith.constant 160 : index
    %swap3A_43 = tpu.vector_load %arg5[%swap3A_42] {strides = array<i32>} : memref<1024xf32, #tpu.memory_space<vmem>>, vector<16xf32>,
    %swap3A_44 = vector.shape_cast %swap3A_43 : vector<16xf32> to vector<16xf32>
    %swap3A_45 = vector.shape_cast %broadcast_in_dim3A_2 : vector<16xf32> to vector<16xf32>
    tpu.vector_store %arg5[%swap3A_42], %swap3A_45 {strides = array<i32>} : memref<1024xf32, #tpu.memory_space<vmem>>, vector<16xf32>,
    %swap3A_46 = arith.constant 176 : index
    %swap3A_47 = tpu.vector_load %arg5[%swap3A_46] {strides = array<i32>} : memref<1024xf32, #tpu.memory_space<vmem>>, vector<16xf32>,
    %swap3A_48 = vector.shape_cast %swap3A_47 : vector<16xf32> to vector<16xf32>
    %swap3A_49 = vector.shape_cast %broadcast_in_dim3A_2 : vector<16xf32> to vector<16xf32>
    tpu.vector_store %arg5[%swap3A_46], %swap3A_49 {strides = array<i32>} : memref<1024xf32, #tpu.memory_space<vmem>>, vector<16xf32>,
    %swap3A_50 = arith.constant 192 : index
    %swap3A_51 = tpu.vector_load %arg5[%swap3A_50] {strides = array<i32>} : memref<1024xf32, #tpu.memory_space<vmem>>, vector<16xf32>,
    %swap3A_52 = vector.shape_cast %swap3A_51 : vector<16xf32> to vector<16xf32>
    %swap3A_53 = vector.shape_cast %broadcast_in_dim3A_2 : vector<16xf32> to vector<16xf32>
    tpu.vector_store %arg5[%swap3A_50], %swap3A_53 {strides = array<i32>} : memref<1024xf32, #tpu.memory_space<vmem>>, vector<16xf32>,
    %swap3A_54 = arith.constant 208 : index
    %swap3A_55 = tpu.vector_load %arg5[%swap3A_54] {strides = array<i32>} : memref<1024xf32, #tpu.memory_space<vmem>>, vector<16xf32>,
    %swap3A_56 = vector.shape_cast %swap3A_55 : vector<16xf32> to vector<16xf32>
    %swap3A_57 = vector.shape_cast %broadcast_in_dim3A_2 : vector<16xf32> to vector<16xf32>
    tpu.vector_store %arg5[%swap3A_54], %swap3A_57 {strides = array<i32>} : memref<1024xf32, #tpu.memory_space<vmem>>, vector<16xf32>,
    %swap3A_58 = arith.constant 224 : index
    %swap3A_59 = tpu.vector_load %arg5[%swap3A_58] {strides = array<i32>} : memref<1024xf32, #tpu.memory_space<vmem>>, vector<16xf32>,
    %swap3A_60 = vector.shape_cast %swap3A_59 : vector<16xf32> to vector<16xf32>
    %swap3A_61 = vector.shape_cast %broadcast_in_dim3A_2 : vector<16xf32> to vector<16xf32>
    tpu.vector_store %arg5[%swap3A_58], %swap3A_61 {strides = array<i32>} : memref<1024xf32, #tpu.memory_space<vmem>>, vector<16xf32>,
    %swap3A_62 = arith.constant 240 : index
    %swap3A_63 = tpu.vector_load %arg5[%swap3A_62] {strides = array<i32>} : memref<1024xf32, #tpu.memory_space<vmem>>, vector<16xf32>,
    %swap3A_64 = vector.shape_cast %swap3A_63 : vector<16xf32> to vector<16xf32>
    %swap3A_65 = vector.shape_cast %broadcast_in_dim3A_2 : vector<16xf32> to vector<16xf32>
    tpu.vector_store %arg5[%swap3A_62], %swap3A_65 {strides = array<i32>} : memref<1024xf32, #tpu.memory_space<vmem>>, vector<16xf32>,
    %swap3A_66 = arith.constant 256 : index
    %swap3A_67 = tpu.vector_load %arg5[%swap3A_66] {strides = array<i32>} : memref<1024xf32, #tpu.memory_space<vmem>>, vector<16xf32>,
    %swap3A_68 = vector.shape_cast %swap3A_67 : vector<16xf32> to vector<16xf32>
    %swap3A_69 = vector.shape_cast %broadcast_in_dim3A_2 : vector<16xf32> to vector<16xf32>
    tpu.vector_store %arg5[%swap3A_66], %swap3A_69 {strides = array<i32>} : memref<1024xf32, #tpu.memory_space<vmem>>, vector<16xf32>,
    %swap3A_70 = arith.constant 272 : index
    %swap3A_71 = tpu.vector_load %arg5[%swap3A_70] {strides = array<i32>} : memref<1024xf32, #tpu.memory_space<vmem>>, vector<16xf32>,
    %swap3A_72 = vector.shape_cast %swap3A_71 : vector<16xf32> to vector<16xf32>
    %swap3A_73 = vector.shape_cast %broadcast_in_dim3A_2 : vector<16xf32> to vector<16xf32>
    tpu.vector_store %arg5[%swap3A_70], %swap3A_73 {strides = array<i32>} : memref<1024xf32, #tpu.memory_space<vmem>>, vector<16xf32>,
    %swap3A_74 = arith.constant 288 : index
    %swap3A_75 = tpu.vector_load %arg5[%swap3A_74] {strides = array<i32>} : memref<1024xf32, #tpu.memory_space<vmem>>, vector<16xf32>,
    %swap3A_76 = vector.shape_cast %swap3A_75 : vector<16xf32> to vector<16xf32>
    %swap3A_77 = vector.shape_cast %broadcast_in_dim3A_2 : vector<16xf32> to vector<16xf32>
    tpu.vector_store %arg5[%swap3A_74], %swap3A_77 {strides = array<i32>} : memref<1024xf32, #tpu.memory_space<vmem>>, vector<16xf32>,
    %swap3A_78 = arith.constant 304 : index
    %swap3A_79 = tpu.vector_load %arg5[%swap3A_78] {strides = array<i32>} : memref<1024xf32, #tpu.memory_space<vmem>>, vector<16xf32>,
    %swap3A_80 = vector.shape_cast %swap3A_79 : vector<16xf32> to vector<16xf32>
    %swap3A_81 = vector.shape_cast %broadcast_in_dim3A_2 : vector<16xf32> to vector<16xf32>
    tpu.vector_store %arg5[%swap3A_78], %swap3A_81 {strides = array<i32>} : memref<1024xf32, #tpu.memory_space<vmem>>, vector<16xf32>,
    %swap3A_82 = arith.constant 320 : index
    %swap3A_83 = tpu.vector_load %arg5[%swap3A_82] {strides = array<i32>} : memref<1024xf32, #tpu.memory_space<vmem>>, vector<16xf32>,
    %swap3A_84 = vector.shape_cast %swap3A_83 : vector<16xf32> to vector<16xf32>
    %swap3A_85 = vector.shape_cast %broadcast_in_dim3A_2 : vector<16xf32> to vector<16xf32>
    tpu.vector_store %arg5[%swap3A_82], %swap3A_85 {strides = array<i32>} : memref<1024xf32, #tpu.memory_space<vmem>>, vector<16xf32>,
    %swap3A_86 = arith.constant 336 : index
    %swap3A_87 = tpu.vector_load %arg5[%swap3A_86] {strides = array<i32>} : memref<1024xf32, #tpu.memory_space<vmem>>, vector<16xf32>,
    %swap3A_88 = vector.shape_cast %swap3A_87 : vector<16xf32> to vector<16xf32>
    %swap3A_89 = vector.shape_cast %broadcast_in_dim3A_2 : vector<16xf32> to vector<16xf32>
    tpu.vector_store %arg5[%swap3A_86], %swap3A_89 {strides = array<i32>} : memref<1024xf32, #tpu.memory_space<vmem>>, vector<16xf32>,
    %swap3A_90 = arith.constant 352 : index
    %swap3A_91 = tpu.vector_load %arg5[%swap3A_90] {strides = array<i32>} : memref<1024xf32, #tpu.memory_space<vmem>>, vector<16xf32>,
    %swap3A_92 = vector.shape_cast %swap3A_91 : vector<16xf32> to vector<16xf32>
    %swap3A_93 = vector.shape_cast %broadcast_in_dim3A_2 : vector<16xf32> to vector<16xf32>
    tpu.vector_store %arg5[%swap3A_90], %swap3A_93 {strides = array<i32>} : memref<1024xf32, #tpu.memory_space<vmem>>, vector<16xf32>,
    %swap3A_94 = arith.constant 368 : index
    %swap3A_95 = tpu.vector_load %arg5[%swap3A_94] {strides = array<i32>} : memref<1024xf32, #tpu.memory_space<vmem>>, vector<16xf32>,
    %swap3A_96 = vector.shape_cast %swap3A_95 : vector<16xf32> to vector<16xf32>
    %swap3A_97 = vector.shape_cast %broadcast_in_dim3A_2 : vector<16xf32> to vector<16xf32>
    tpu.vector_store %arg5[%swap3A_94], %swap3A_97 {strides = array<i32>} : memref<1024xf32, #tpu.memory_space<vmem>>, vector<16xf32>,
    %swap3A_98 = arith.constant 384 : index
    %swap3A_99 = tpu.vector_load %arg5[%swap3A_98] {strides = array<i32>} : memref<1024xf32, #tpu.memory_space<vmem>>, vector<16xf32>,
    %swap3A_100 = vector.shape_cast %swap3A_99 : vector<16xf32> to vector<16xf32>
    %swap3A_101 = vector.shape_cast %broadcast_in_dim3A_2 : vector<16xf32> to vector<16xf32>
    tpu.vector_store %arg5[%swap3A_98], %swap3A_101 {strides = array<i32>} : memref<1024xf32, #tpu.memory_space<vmem>>, vector<16xf32>,
    %swap3A_102 = arith.constant 400 : index
    %swap3A_103 = tpu.vector_load %arg5[%swap3A_102] {strides = array<i32>} : memref<1024xf32, #tpu.memory_space<vmem>>, vector<16xf32>,
    %swap3A_104 = vector.shape_cast %swap3A_103 : vector<16xf32> to vector<16xf32>
    %swap3A_105 = vector.shape_cast %broadcast_in_dim3A_2 : vector<16xf32> to vector<16xf32>
    tpu.vector_store %arg5[%swap3A_102], %swap3A_105 {strides = array<i32>} : memref<1024xf32, #tpu.memory_space<vmem>>, vector<16xf32>,
    %swap3A_106 = arith.constant 416 : index
    %swap3A_107 = tpu.vector_load %arg5[%swap3A_106] {strides = array<i32>} : memref<1024xf32, #tpu.memory_space<vmem>>, vector<16xf32>,
    %swap3A_108 = vector.shape_cast %swap3A_107 : vector<16xf32> to vector<16xf32>
    %swap3A_109 = vector.shape_cast %broadcast_in_dim3A_2 : vector<16xf32> to vector<16xf32>
    tpu.vector_store %arg5[%swap3A_106], %swap3A_109 {strides = array<i32>} : memref<1024xf32, #tpu.memory_space<vmem>>, vector<16xf32>,
    %swap3A_110 = arith.constant 432 : index
    %swap3A_111 = tpu.vector_load %arg5[%swap3A_110] {strides = array<i32>} : memref<1024xf32, #tpu.memory_space<vmem>>, vector<16xf32>,
    %swap3A_112 = vector.shape_cast %swap3A_111 : vector<16xf32> to vector<16xf32>
    %swap3A_113 = vector.shape_cast %broadcast_in_dim3A_2 : vector<16xf32> to vector<16xf32>
    tpu.vector_store %arg5[%swap3A_110], %swap3A_113 {strides = array<i32>} : memref<1024xf32, #tpu.memory_space<vmem>>, vector<16xf32>,
    %swap3A_114 = arith.constant 448 : index
    %swap3A_115 = tpu.vector_load %arg5[%swap3A_114] {strides = array<i32>} : memref<1024xf32, #tpu.memory_space<vmem>>, vector<16xf32>,
    %swap3A_116 = vector.shape_cast %swap3A_115 : vector<16xf32> to vector<16xf32>
    %swap3A_117 = vector.shape_cast %broadcast_in_dim3A_2 : vector<16xf32> to vector<16xf32>
    tpu.vector_store %arg5[%swap3A_114], %swap3A_117 {strides = array<i32>} : memref<1024xf32, #tpu.memory_space<vmem>>, vector<16xf32>,
    %swap3A_118 = arith.constant 464 : index
    %swap3A_119 = tpu.vector_load %arg5[%swap3A_118] {strides = array<i32>} : memref<1024xf32, #tpu.memory_space<vmem>>, vector<16xf32>,
    %swap3A_120 = vector.shape_cast %swap3A_119 : vector<16xf32> to vector<16xf32>
    %swap3A_121 = vector.shape_cast %broadcast_in_dim3A_2 : vector<16xf32> to vector<16xf32>
    tpu.vector_store %arg5[%swap3A_118], %swap3A_121 {strides = array<i32>} : memref<1024xf32, #tpu.memory_space<vmem>>, vector<16xf32>,
    %swap3A_122 = arith.constant 480 : index
    %swap3A_123 = tpu.vector_load %arg5[%swap3A_122] {strides = array<i32>} : memref<1024xf32, #tpu.memory_space<vmem>>, vector<16xf32>,
    %swap3A_124 = vector.shape_cast %swap3A_123 : vector<16xf32> to vector<16xf32>
    %swap3A_125 = vector.shape_cast %broadcast_in_dim3A_2 : vector<16xf32> to vector<16xf32>
    tpu.vector_store %arg5[%swap3A_122], %swap3A_125 {strides = array<i32>} : memref<1024xf32, #tpu.memory_space<vmem>>, vector<16xf32>,
    %swap3A_126 = arith.constant 496 : index
    %swap3A_127 = tpu.vector_load %arg5[%swap3A_126] {strides = array<i32>} : memref<1024xf32, #tpu.memory_space<vmem>>, vector<16xf32>,
    %swap3A_128 = vector.shape_cast %swap3A_127 : vector<16xf32> to vector<16xf32>
    %swap3A_129 = vector.shape_cast %broadcast_in_dim3A_2 : vector<16xf32> to vector<16xf32>
    tpu.vector_store %arg5[%swap3A_126], %swap3A_129 {strides = array<i32>} : memref<1024xf32, #tpu.memory_space<vmem>>, vector<16xf32>,
    %swap3A_130 = arith.constant 512 : index
    %swap3A_131 = tpu.vector_load %arg5[%swap3A_130] {strides = array<i32>} : memref<1024xf32, #tpu.memory_space<vmem>>, vector<16xf32>,
    %swap3A_132 = vector.shape_cast %swap3A_131 : vector<16xf32> to vector<16xf32>
    %swap3A_133 = vector.shape_cast %broadcast_in_dim3A_2 : vector<16xf32> to vector<16xf32>
    tpu.vector_store %arg5[%swap3A_130], %swap3A_133 {strides = array<i32>} : memref<1024xf32, #tpu.memory_space<vmem>>, vector<16xf32>,
    %swap3A_134 = arith.constant 528 : index
    %swap3A_135 = tpu.vector_load %arg5[%swap3A_134] {strides = array<i32>} : memref<1024xf32, #tpu.memory_space<vmem>>, vector<16xf32>,
    %swap3A_136 = vector.shape_cast %swap3A_135 : vector<16xf32> to vector<16xf32>
    %swap3A_137 = vector.shape_cast %broadcast_in_dim3A_2 : vector<16xf32> to vector<16xf32>
    tpu.vector_store %arg5[%swap3A_134], %swap3A_137 {strides = array<i32>} : memref<1024xf32, #tpu.memory_space<vmem>>, vector<16xf32>,
    %swap3A_138 = arith.constant 544 : index
    %swap3A_139 = tpu.vector_load %arg5[%swap3A_138] {strides = array<i32>} : memref<1024xf32, #tpu.memory_space<vmem>>, vector<16xf32>,
    %swap3A_140 = vector.shape_cast %swap3A_139 : vector<16xf32> to vector<16xf32>
    %swap3A_141 = vector.shape_cast %broadcast_in_dim3A_2 : vector<16xf32> to vector<16xf32>
    tpu.vector_store %arg5[%swap3A_138], %swap3A_141 {strides = array<i32>} : memref<1024xf32, #tpu.memory_space<vmem>>, vector<16xf32>,
    %swap3A_142 = arith.constant 560 : index
    %swap3A_143 = tpu.vector_load %arg5[%swap3A_142] {strides = array<i32>} : memref<1024xf32, #tpu.memory_space<vmem>>, vector<16xf32>,
    %swap3A_144 = vector.shape_cast %swap3A_143 : vector<16xf32> to vector<16xf32>
    %swap3A_145 = vector.shape_cast %broadcast_in_dim3A_2 : vector<16xf32> to vector<16xf32>
    tpu.vector_store %arg5[%swap3A_142], %swap3A_145 {strides = array<i32>} : memref<1024xf32, #tpu.memory_space<vmem>>, vector<16xf32>,
    %swap3A_146 = arith.constant 576 : index
    %swap3A_147 = tpu.vector_load %arg5[%swap3A_146] {strides = array<i32>} : memref<1024xf32, #tpu.memory_space<vmem>>, vector<16xf32>,
    %swap3A_148 = vector.shape_cast %swap3A_147 : vector<16xf32> to vector<16xf32>
    %swap3A_149 = vector.shape_cast %broadcast_in_dim3A_2 : vector<16xf32> to vector<16xf32>
    tpu.vector_store %arg5[%swap3A_146], %swap3A_149 {strides = array<i32>} : memref<1024xf32, #tpu.memory_space<vmem>>, vector<16xf32>,
    %swap3A_150 = arith.constant 592 : index
    %swap3A_151 = tpu.vector_load %arg5[%swap3A_150] {strides = array<i32>} : memref<1024xf32, #tpu.memory_space<vmem>>, vector<16xf32>,
    %swap3A_152 = vector.shape_cast %swap3A_151 : vector<16xf32> to vector<16xf32>
    %swap3A_153 = vector.shape_cast %broadcast_in_dim3A_2 : vector<16xf32> to vector<16xf32>
    tpu.vector_store %arg5[%swap3A_150], %swap3A_153 {strides = array<i32>} : memref<1024xf32, #tpu.memory_space<vmem>>, vector<16xf32>,
    %swap3A_154 = arith.constant 608 : index
    %swap3A_155 = tpu.vector_load %arg5[%swap3A_154] {strides = array<i32>} : memref<1024xf32, #tpu.memory_space<vmem>>, vector<16xf32>,
    %swap3A_156 = vector.shape_cast %swap3A_155 : vector<16xf32> to vector<16xf32>
    %swap3A_157 = vector.shape_cast %broadcast_in_dim3A_2 : vector<16xf32> to vector<16xf32>
    tpu.vector_store %arg5[%swap3A_154], %swap3A_157 {strides = array<i32>} : memref<1024xf32, #tpu.memory_space<vmem>>, vector<16xf32>,
    %swap3A_158 = arith.constant 624 : index
    %swap3A_159 = tpu.vector_load %arg5[%swap3A_158] {strides = array<i32>} : memref<1024xf32, #tpu.memory_space<vmem>>, vector<16xf32>,
    %swap3A_160 = vector.shape_cast %swap3A_159 : vector<16xf32> to vector<16xf32>
    %swap3A_161 = vector.shape_cast %broadcast_in_dim3A_2 : vector<16xf32> to vector<16xf32>
    tpu.vector_store %arg5[%swap3A_158], %swap3A_161 {strides = array<i32>} : memref<1024xf32, #tpu.memory_space<vmem>>, vector<16xf32>,
    %swap3A_162 = arith.constant 640 : index
    %swap3A_163 = tpu.vector_load %arg5[%swap3A_162] {strides = array<i32>} : memref<1024xf32, #tpu.memory_space<vmem>>, vector<16xf32>,
    %swap3A_164 = vector.shape_cast %swap3A_163 : vector<16xf32> to vector<16xf32>
    %swap3A_165 = vector.shape_cast %broadcast_in_dim3A_2 : vector<16xf32> to vector<16xf32>
    tpu.vector_store %arg5[%swap3A_162], %swap3A_165 {strides = array<i32>} : memref<1024xf32, #tpu.memory_space<vmem>>, vector<16xf32>,
    %swap3A_166 = arith.constant 656 : index
    %swap3A_167 = tpu.vector_load %arg5[%swap3A_166] {strides = array<i32>} : memref<1024xf32, #tpu.memory_space<vmem>>, vector<16xf32>,
    %swap3A_168 = vector.shape_cast %swap3A_167 : vector<16xf32> to vector<16xf32>
    %swap3A_169 = vector.shape_cast %broadcast_in_dim3A_2 : vector<16xf32> to vector<16xf32>
    tpu.vector_store %arg5[%swap3A_166], %swap3A_169 {strides = array<i32>} : memref<1024xf32, #tpu.memory_space<vmem>>, vector<16xf32>,
    %swap3A_170 = arith.constant 672 : index
    %swap3A_171 = tpu.vector_load %arg5[%swap3A_170] {strides = array<i32>} : memref<1024xf32, #tpu.memory_space<vmem>>, vector<16xf32>,
    %swap3A_172 = vector.shape_cast %swap3A_171 : vector<16xf32> to vector<16xf32>
    %swap3A_173 = vector.shape_cast %broadcast_in_dim3A_2 : vector<16xf32> to vector<16xf32>
    tpu.vector_store %arg5[%swap3A_170], %swap3A_173 {strides = array<i32>} : memref<1024xf32, #tpu.memory_space<vmem>>, vector<16xf32>,
    %swap3A_174 = arith.constant 688 : index
    %swap3A_175 = tpu.vector_load %arg5[%swap3A_174] {strides = array<i32>} : memref<1024xf32, #tpu.memory_space<vmem>>, vector<16xf32>,
    %swap3A_176 = vector.shape_cast %swap3A_175 : vector<16xf32> to vector<16xf32>
    %swap3A_177 = vector.shape_cast %broadcast_in_dim3A_2 : vector<16xf32> to vector<16xf32>
    tpu.vector_store %arg5[%swap3A_174], %swap3A_177 {strides = array<i32>} : memref<1024xf32, #tpu.memory_space<vmem>>, vector<16xf32>,
    %swap3A_178 = arith.constant 704 : index
    %swap3A_179 = tpu.vector_load %arg5[%swap3A_178] {strides = array<i32>} : memref<1024xf32, #tpu.memory_space<vmem>>, vector<16xf32>,
    %swap3A_180 = vector.shape_cast %swap3A_179 : vector<16xf32> to vector<16xf32>
    %swap3A_181 = vector.shape_cast %broadcast_in_dim3A_2 : vector<16xf32> to vector<16xf32>
    tpu.vector_store %arg5[%swap3A_178], %swap3A_181 {strides = array<i32>} : memref<1024xf32, #tpu.memory_space<vmem>>, vector<16xf32>,
    %swap3A_182 = arith.constant 720 : index
    %swap3A_183 = tpu.vector_load %arg5[%swap3A_182] {strides = array<i32>} : memref<1024xf32, #tpu.memory_space<vmem>>, vector<16xf32>,
    %swap3A_184 = vector.shape_cast %swap3A_183 : vector<16xf32> to vector<16xf32>
    %swap3A_185 = vector.shape_cast %broadcast_in_dim3A_2 : vector<16xf32> to vector<16xf32>
    tpu.vector_store %arg5[%swap3A_182], %swap3A_185 {strides = array<i32>} : memref<1024xf32, #tpu.memory_space<vmem>>, vector<16xf32>,
    %swap3A_186 = arith.constant 736 : index
    %swap3A_187 = tpu.vector_load %arg5[%swap3A_186] {strides = array<i32>} : memref<1024xf32, #tpu.memory_space<vmem>>, vector<16xf32>,
    %swap3A_188 = vector.shape_cast %swap3A_187 : vector<16xf32> to vector<16xf32>
    %swap3A_189 = vector.shape_cast %broadcast_in_dim3A_2 : vector<16xf32> to vector<16xf32>
    tpu.vector_store %arg5[%swap3A_186], %swap3A_189 {strides = array<i32>} : memref<1024xf32, #tpu.memory_space<vmem>>, vector<16xf32>,
    %swap3A_190 = arith.constant 752 : index
    %swap3A_191 = tpu.vector_load %arg5[%swap3A_190] {strides = array<i32>} : memref<1024xf32, #tpu.memory_space<vmem>>, vector<16xf32>,
    %swap3A_192 = vector.shape_cast %swap3A_191 : vector<16xf32> to vector<16xf32>
    %swap3A_193 = vector.shape_cast %broadcast_in_dim3A_2 : vector<16xf32> to vector<16xf32>
    tpu.vector_store %arg5[%swap3A_190], %swap3A_193 {strides = array<i32>} : memref<1024xf32, #tpu.memory_space<vmem>>, vector<16xf32>,
    %swap3A_194 = arith.constant 768 : index
    %swap3A_195 = tpu.vector_load %arg5[%swap3A_194] {strides = array<i32>} : memref<1024xf32, #tpu.memory_space<vmem>>, vector<16xf32>,
    %swap3A_196 = vector.shape_cast %swap3A_195 : vector<16xf32> to vector<16xf32>
    %swap3A_197 = vector.shape_cast %broadcast_in_dim3A_2 : vector<16xf32> to vector<16xf32>
    tpu.vector_store %arg5[%swap3A_194], %swap3A_197 {strides = array<i32>} : memref<1024xf32, #tpu.memory_space<vmem>>, vector<16xf32>,
    %swap3A_198 = arith.constant 784 : index
    %swap3A_199 = tpu.vector_load %arg5[%swap3A_198] {strides = array<i32>} : memref<1024xf32, #tpu.memory_space<vmem>>, vector<16xf32>,
    %swap3A_200 = vector.shape_cast %swap3A_199 : vector<16xf32> to vector<16xf32>
    %swap3A_201 = vector.shape_cast %broadcast_in_dim3A_2 : vector<16xf32> to vector<16xf32>
    tpu.vector_store %arg5[%swap3A_198], %swap3A_201 {strides = array<i32>} : memref<1024xf32, #tpu.memory_space<vmem>>, vector<16xf32>,
    %swap3A_202 = arith.constant 800 : index
    %swap3A_203 = tpu.vector_load %arg5[%swap3A_202] {strides = array<i32>} : memref<1024xf32, #tpu.memory_space<vmem>>, vector<16xf32>,
    %swap3A_204 = vector.shape_cast %swap3A_203 : vector<16xf32> to vector<16xf32>
    %swap3A_205 = vector.shape_cast %broadcast_in_dim3A_2 : vector<16xf32> to vector<16xf32>
    tpu.vector_store %arg5[%swap3A_202], %swap3A_205 {strides = array<i32>} : memref<1024xf32, #tpu.memory_space<vmem>>, vector<16xf32>,
    %swap3A_206 = arith.constant 816 : index
    %swap3A_207 = tpu.vector_load %arg5[%swap3A_206] {strides = array<i32>} : memref<1024xf32, #tpu.memory_space<vmem>>, vector<16xf32>,
    %swap3A_208 = vector.shape_cast %swap3A_207 : vector<16xf32> to vector<16xf32>
    %swap3A_209 = vector.shape_cast %broadcast_in_dim3A_2 : vector<16xf32> to vector<16xf32>
    tpu.vector_store %arg5[%swap3A_206], %swap3A_209 {strides = array<i32>} : memref<1024xf32, #tpu.memory_space<vmem>>, vector<16xf32>,
    %swap3A_210 = arith.constant 832 : index
    %swap3A_211 = tpu.vector_load %arg5[%swap3A_210] {strides = array<i32>} : memref<1024xf32, #tpu.memory_space<vmem>>, vector<16xf32>,
    %swap3A_212 = vector.shape_cast %swap3A_211 : vector<16xf32> to vector<16xf32>
    %swap3A_213 = vector.shape_cast %broadcast_in_dim3A_2 : vector<16xf32> to vector<16xf32>
    tpu.vector_store %arg5[%swap3A_210], %swap3A_213 {strides = array<i32>} : memref<1024xf32, #tpu.memory_space<vmem>>, vector<16xf32>,
    %swap3A_214 = arith.constant 848 : index
    %swap3A_215 = tpu.vector_load %arg5[%swap3A_214] {strides = array<i32>} : memref<1024xf32, #tpu.memory_space<vmem>>, vector<16xf32>,
    %swap3A_216 = vector.shape_cast %swap3A_215 : vector<16xf32> to vector<16xf32>
    %swap3A_217 = vector.shape_cast %broadcast_in_dim3A_2 : vector<16xf32> to vector<16xf32>
    tpu.vector_store %arg5[%swap3A_214], %swap3A_217 {strides = array<i32>} : memref<1024xf32, #tpu.memory_space<vmem>>, vector<16xf32>,
    %swap3A_218 = arith.constant 864 : index
    %swap3A_219 = tpu.vector_load %arg5[%swap3A_218] {strides = array<i32>} : memref<1024xf32, #tpu.memory_space<vmem>>, vector<16xf32>,
    %swap3A_220 = vector.shape_cast %swap3A_219 : vector<16xf32> to vector<16xf32>
    %swap3A_221 = vector.shape_cast %broadcast_in_dim3A_2 : vector<16xf32> to vector<16xf32>
    tpu.vector_store %arg5[%swap3A_218], %swap3A_221 {strides = array<i32>} : memref<1024xf32, #tpu.memory_space<vmem>>, vector<16xf32>,
    %swap3A_222 = arith.constant 880 : index
    %swap3A_223 = tpu.vector_load %arg5[%swap3A_222] {strides = array<i32>} : memref<1024xf32, #tpu.memory_space<vmem>>, vector<16xf32>,
    %swap3A_224 = vector.shape_cast %swap3A_223 : vector<16xf32> to vector<16xf32>
    %swap3A_225 = vector.shape_cast %broadcast_in_dim3A_2 : vector<16xf32> to vector<16xf32>
    tpu.vector_store %arg5[%swap3A_222], %swap3A_225 {strides = array<i32>} : memref<1024xf32, #tpu.memory_space<vmem>>, vector<16xf32>,
    %swap3A_226 = arith.constant 896 : index
    %swap3A_227 = tpu.vector_load %arg5[%swap3A_226] {strides = array<i32>} : memref<1024xf32, #tpu.memory_space<vmem>>, vector<16xf32>,
    %swap3A_228 = vector.shape_cast %swap3A_227 : vector<16xf32> to vector<16xf32>
    %swap3A_229 = vector.shape_cast %broadcast_in_dim3A_2 : vector<16xf32> to vector<16xf32>
    tpu.vector_store %arg5[%swap3A_226], %swap3A_229 {strides = array<i32>} : memref<1024xf32, #tpu.memory_space<vmem>>, vector<16xf32>,
    %swap3A_230 = arith.constant 912 : index
    %swap3A_231 = tpu.vector_load %arg5[%swap3A_230] {strides = array<i32>} : memref<1024xf32, #tpu.memory_space<vmem>>, vector<16xf32>,
    %swap3A_232 = vector.shape_cast %swap3A_231 : vector<16xf32> to vector<16xf32>
    %swap3A_233 = vector.shape_cast %broadcast_in_dim3A_2 : vector<16xf32> to vector<16xf32>
    tpu.vector_store %arg5[%swap3A_230], %swap3A_233 {strides = array<i32>} : memref<1024xf32, #tpu.memory_space<vmem>>, vector<16xf32>,
    %swap3A_234 = arith.constant 928 : index
    %swap3A_235 = tpu.vector_load %arg5[%swap3A_234] {strides = array<i32>} : memref<1024xf32, #tpu.memory_space<vmem>>, vector<16xf32>,
    %swap3A_236 = vector.shape_cast %swap3A_235 : vector<16xf32> to vector<16xf32>
    %swap3A_237 = vector.shape_cast %broadcast_in_dim3A_2 : vector<16xf32> to vector<16xf32>
    tpu.vector_store %arg5[%swap3A_234], %swap3A_237 {strides = array<i32>} : memref<1024xf32, #tpu.memory_space<vmem>>, vector<16xf32>,
    %swap3A_238 = arith.constant 944 : index
    %swap3A_239 = tpu.vector_load %arg5[%swap3A_238] {strides = array<i32>} : memref<1024xf32, #tpu.memory_space<vmem>>, vector<16xf32>,
    %swap3A_240 = vector.shape_cast %swap3A_239 : vector<16xf32> to vector<16xf32>
    %swap3A_241 = vector.shape_cast %broadcast_in_dim3A_2 : vector<16xf32> to vector<16xf32>
    tpu.vector_store %arg5[%swap3A_238], %swap3A_241 {strides = array<i32>} : memref<1024xf32, #tpu.memory_space<vmem>>, vector<16xf32>,
    %swap3A_242 = arith.constant 960 : index
    %swap3A_243 = tpu.vector_load %arg5[%swap3A_242] {strides = array<i32>} : memref<1024xf32, #tpu.memory_space<vmem>>, vector<16xf32>,
    %swap3A_244 = vector.shape_cast %swap3A_243 : vector<16xf32> to vector<16xf32>
    %swap3A_245 = vector.shape_cast %broadcast_in_dim3A_2 : vector<16xf32> to vector<16xf32>
    tpu.vector_store %arg5[%swap3A_242], %swap3A_245 {strides = array<i32>} : memref<1024xf32, #tpu.memory_space<vmem>>, vector<16xf32>,
    %swap3A_246 = arith.constant 976 : index
    %swap3A_247 = tpu.vector_load %arg5[%swap3A_246] {strides = array<i32>} : memref<1024xf32, #tpu.memory_space<vmem>>, vector<16xf32>,
    %swap3A_248 = vector.shape_cast %swap3A_247 : vector<16xf32> to vector<16xf32>
    %swap3A_249 = vector.shape_cast %broadcast_in_dim3A_2 : vector<16xf32> to vector<16xf32>
    tpu.vector_store %arg5[%swap3A_246], %swap3A_249 {strides = array<i32>} : memref<1024xf32, #tpu.memory_space<vmem>>, vector<16xf32>,
    %swap3A_250 = arith.constant 992 : index
    %swap3A_251 = tpu.vector_load %arg5[%swap3A_250] {strides = array<i32>} : memref<1024xf32, #tpu.memory_space<vmem>>, vector<16xf32>,
    %swap3A_252 = vector.shape_cast %swap3A_251 : vector<16xf32> to vector<16xf32>
    %swap3A_253 = vector.shape_cast %broadcast_in_dim3A_2 : vector<16xf32> to vector<16xf32>
    tpu.vector_store %arg5[%swap3A_250], %swap3A_253 {strides = array<i32>} : memref<1024xf32, #tpu.memory_space<vmem>>, vector<16xf32>,
    %swap3A_254 = arith.constant 1008 : index
    %swap3A_255 = tpu.vector_load %arg5[%swap3A_254] {strides = array<i32>} : memref<1024xf32, #tpu.memory_space<vmem>>, vector<16xf32>,
    %swap3A_256 = vector.shape_cast %swap3A_255 : vector<16xf32> to vector<16xf32>
    %swap3A_257 = vector.shape_cast %broadcast_in_dim3A_2 : vector<16xf32> to vector<16xf32>
    tpu.vector_store %arg5[%swap3A_254], %swap3A_257 {strides = array<i32>} : memref<1024xf32, #tpu.memory_space<vmem>>, vector<16xf32>,
    %add3A_258 = arith.constant 0 : i32
    %add3A_259 = arith.addi %add3A_1, %add3A_258 : i32
    %dma_start3A = arith.constant 0 : i32
    %dma_start3A_260 = arith.constant 0 : i32
    %dma_start3A_261 = arith.constant 0 : i32
    %dma_start3A_262 = tpu.memref_slice %arg4[%dma_start3A, %dma_start3A_260, %dma_start3A_261] : memref<2x32x1024xf32, #tpu.memory_space<vmem>> -> memref<1x32x1024xf32, #tpu.memory_space<vmem>>
    %dma_start3A_263 = tpu.memref_squeeze %dma_start3A_262 : memref<1x32x1024xf32, #tpu.memory_space<vmem>> -> memref<32x1024xf32, #tpu.memory_space<vmem>>
    %dma_start3A_264 = arith.constant 0 : i32
    %dma_start3A_265 = tpu.memref_slice %arg2[%arg1, %add3A_259, %dma_start3A_264] : memref<16x4096x1024xf32, #tpu.memory_space<hbm>> -> memref<1x32x1024xf32, #tpu.memory_space<hbm>>
    %dma_start3A_266 = tpu.memref_squeeze %dma_start3A_265 : memref<1x32x1024xf32, #tpu.memory_space<hbm>> -> memref<32x1024xf32, #tpu.memory_space<hbm>>
    %dma_start3A_267 = arith.constant 0 : i32
    %dma_start3A_268 = arith.constant 0 : i32
    %dma_start3A_269 = tpu.memref_slice %arg4[%dma_start3A, %dma_start3A_267, %dma_start3A_268] : memref<2x32x1024xf32, #tpu.memory_space<vmem>> -> memref<1x32x1024xf32, #tpu.memory_space<vmem>>
    %dma_start3A_270 = tpu.memref_squeeze %dma_start3A_269 : memref<1x32x1024xf32, #tpu.memory_space<vmem>> -> memref<32x1024xf32, #tpu.memory_space<vmem>>
    %dma_start3A_271 = arith.constant 0 : i32
    %dma_start3A_272 = tpu.memref_slice %arg2[%arg1, %add3A_259, %dma_start3A_271] : memref<16x4096x1024xf32, #tpu.memory_space<hbm>> -> memref<1x32x1024xf32, #tpu.memory_space<hbm>>
    %dma_start3A_273 = tpu.memref_squeeze %dma_start3A_272 : memref<1x32x1024xf32, #tpu.memory_space<hbm>> -> memref<32x1024xf32, #tpu.memory_space<hbm>>
    tpu.enqueue_dma source(%dma_start3A_273 : memref<32x1024xf32, #tpu.memory_space<hbm>>) target(%dma_start3A_270 : memref<32x1024xf32, #tpu.memory_space<vmem>>) target_semaphore(%arg6 : memref<!tpu.dma_semaphore, #tpu.memory_space<semaphore_mem>>)
    %add3A_274 = arith.constant 32 : i32
    %add3A_275 = arith.addi %add3A_1, %add3A_274 : i32
    %dma_start3A_276 = arith.constant 1 : i32
    %dma_start3A_277 = arith.constant 0 : i32
    %dma_start3A_278 = arith.constant 0 : i32
    %dma_start3A_279 = tpu.memref_slice %arg4[%dma_start3A_276, %dma_start3A_277, %dma_start3A_278] : memref<2x32x1024xf32, #tpu.memory_space<vmem>> -> memref<1x32x1024xf32, #tpu.memory_space<vmem>>
    %dma_start3A_280 = tpu.memref_squeeze %dma_start3A_279 : memref<1x32x1024xf32, #tpu.memory_space<vmem>> -> memref<32x1024xf32, #tpu.memory_space<vmem>>
    %dma_start3A_281 = arith.constant 0 : i32
    %dma_start3A_282 = tpu.memref_slice %arg2[%arg1, %add3A_275, %dma_start3A_281] : memref<16x4096x1024xf32, #tpu.memory_space<hbm>> -> memref<1x32x1024xf32, #tpu.memory_space<hbm>>
    %dma_start3A_283 = tpu.memref_squeeze %dma_start3A_282 : memref<1x32x1024xf32, #tpu.memory_space<hbm>> -> memref<32x1024xf32, #tpu.memory_space<hbm>>
    %dma_start3A_284 = arith.constant 0 : i32
    %dma_start3A_285 = arith.constant 0 : i32
    %dma_start3A_286 = tpu.memref_slice %arg4[%dma_start3A_276, %dma_start3A_284, %dma_start3A_285] : memref<2x32x1024xf32, #tpu.memory_space<vmem>> -> memref<1x32x1024xf32, #tpu.memory_space<vmem>>
    %dma_start3A_287 = tpu.memref_squeeze %dma_start3A_286 : memref<1x32x1024xf32, #tpu.memory_space<vmem>> -> memref<32x1024xf32, #tpu.memory_space<vmem>>
    %dma_start3A_288 = arith.constant 0 : i32
    %dma_start3A_289 = tpu.memref_slice %arg2[%arg1, %add3A_275, %dma_start3A_288] : memref<16x4096x1024xf32, #tpu.memory_space<hbm>> -> memref<1x32x1024xf32, #tpu.memory_space<hbm>>
    %dma_start3A_290 = tpu.memref_squeeze %dma_start3A_289 : memref<1x32x1024xf32, #tpu.memory_space<hbm>> -> memref<32x1024xf32, #tpu.memory_space<hbm>>
    tpu.enqueue_dma source(%dma_start3A_290 : memref<32x1024xf32, #tpu.memory_space<hbm>>) target(%dma_start3A_287 : memref<32x1024xf32, #tpu.memory_space<vmem>>) target_semaphore(%arg7 : memref<!tpu.dma_semaphore, #tpu.memory_space<semaphore_mem>>)
    %scan3A = arith.constant 0 : i32
    %scan3A_291 = arith.constant 0 : i32
    %scan3A_292 = arith.constant 6 : i32
    %scan3A_293 = arith.addi %scan3A_291, %scan3A_292 : i32
    %scan3A_294 = arith.constant 1 : i32
    scf.for %scan3A_296 = %scan3A_291 to %scan3A_293 step %scan3A_294  : i32 {
      %mul3A_297 = arith.constant 2 : i32
      %mul3A_298 = arith.muli %scan3A_296, %mul3A_297 : i32
      %add3A_299 = arith.constant 0 : i32
      %add3A_300 = arith.addi %mul3A_298, %add3A_299 : i32
      %mul3A_301 = arith.constant 32 : i32
      %mul3A_302 = arith.muli %add3A_300, %mul3A_301 : i32
      %add3A_303 = arith.addi %add3A_1, %mul3A_302 : i32
      %dma_wait3A = arith.constant 0 : i32
      %dma_wait3A_304 = arith.constant 0 : i32
      %dma_wait3A_305 = arith.constant 0 : i32
      %dma_wait3A_306 = tpu.memref_slice %arg4[%dma_wait3A, %dma_wait3A_304, %dma_wait3A_305] : memref<2x32x1024xf32, #tpu.memory_space<vmem>> -> memref<1x32x1024xf32, #tpu.memory_space<vmem>>
      %dma_wait3A_307 = tpu.memref_squeeze %dma_wait3A_306 : memref<1x32x1024xf32, #tpu.memory_space<vmem>> -> memref<32x1024xf32, #tpu.memory_space<vmem>>
      %dma_wait3A_308 = arith.constant 0 : i32
      %dma_wait3A_309 = tpu.memref_slice %arg2[%arg1, %add3A_303, %dma_wait3A_308] : memref<16x4096x1024xf32, #tpu.memory_space<hbm>> -> memref<1x32x1024xf32, #tpu.memory_space<hbm>>
      %dma_wait3A_310 = tpu.memref_squeeze %dma_wait3A_309 : memref<1x32x1024xf32, #tpu.memory_space<hbm>> -> memref<32x1024xf32, #tpu.memory_space<hbm>>
      %dma_wait3A_311 = arith.constant 0 : i32
      %dma_wait3A_312 = arith.constant 0 : i32
      %dma_wait3A_313 = tpu.memref_slice %arg4[%dma_wait3A, %dma_wait3A_311, %dma_wait3A_312] : memref<2x32x1024xf32, #tpu.memory_space<vmem>> -> memref<1x32x1024xf32, #tpu.memory_space<vmem>>
      %dma_wait3A_314 = tpu.memref_squeeze %dma_wait3A_313 : memref<1x32x1024xf32, #tpu.memory_space<vmem>> -> memref<32x1024xf32, #tpu.memory_space<vmem>>
      %dma_wait3A_315 = arith.constant 0 : i32
      %dma_wait3A_316 = tpu.memref_slice %arg2[%arg1, %add3A_303, %dma_wait3A_315] : memref<16x4096x1024xf32, #tpu.memory_space<hbm>> -> memref<1x32x1024xf32, #tpu.memory_space<hbm>>
      %dma_wait3A_317 = tpu.memref_squeeze %dma_wait3A_316 : memref<1x32x1024xf32, #tpu.memory_space<hbm>> -> memref<32x1024xf32, #tpu.memory_space<hbm>>
      tpu.wait_dma2 semaphore(%arg6 : memref<!tpu.dma_semaphore, #tpu.memory_space<semaphore_mem>>) src(%dma_wait3A_317 : memref<32x1024xf32, #tpu.memory_space<hbm>>) dst(%dma_wait3A_314 : memref<32x1024xf32, #tpu.memory_space<vmem>>)
      %parallel_loop3A = arith.constant 0 : i32
      %parallel_loop3A_318 = arith.constant 32 : i32
      %parallel_loop3A_319 = arith.constant 1 : i32
      %parallel_loop3A_320:16 = scf.for %parallel_loop3A_894 = %parallel_loop3A to %parallel_loop3A_318 step %parallel_loop3A_319 iter_args(%parallel_loop3A_895 = %broadcast_in_dim3A_2, %parallel_loop3A_896 = %broadcast_in_dim3A_2, %parallel_loop3A_897 = %broadcast_in_dim3A_2, %parallel_loop3A_898 = %broadcast_in_dim3A_2, %parallel_loop3A_899 = %broadcast_in_dim3A_2, %parallel_loop3A_900 = %broadcast_in_dim3A_2, %parallel_loop3A_901 = %broadcast_in_dim3A_2, %parallel_loop3A_902 = %broadcast_in_dim3A_2, %parallel_loop3A_903 = %broadcast_in_dim3A_2, %parallel_loop3A_904 = %broadcast_in_dim3A_2, %parallel_loop3A_905 = %broadcast_in_dim3A_2, %parallel_loop3A_906 = %broadcast_in_dim3A_2, %parallel_loop3A_907 = %broadcast_in_dim3A_2, %parallel_loop3A_908 = %broadcast_in_dim3A_2, %parallel_loop3A_909 = %broadcast_in_dim3A_2, %parallel_loop3A_910 = %broadcast_in_dim3A_2) -> (vector<16xf32>, vector<16xf32>, vector<16xf32>, vector<16xf32>, vector<16xf32>, vector<16xf32>, vector<16xf32>, vector<16xf32>, vector<16xf32>, vector<16xf32>, vector<16xf32>, vector<16xf32>, vector<16xf32>, vector<16xf32>, vector<16xf32>, vector<16xf32>)  : i32 {
        %parallel_loop3A_911 = arith.constant 0 : i32
        %parallel_loop3A_912 = arith.index_cast %parallel_loop3A_911 : i32 to index
        %parallel_loop3A_913 = arith.index_cast %parallel_loop3A_894 : i32 to index
        %parallel_loop3A_914 = arith.constant 0 : index
        %parallel_loop3A_915 = tpu.vector_load %arg4[%parallel_loop3A_912, %parallel_loop3A_913, %parallel_loop3A_914] {strides = array<i32>} : memref<2x32x1024xf32, #tpu.memory_space<vmem>>, vector<1x1x16xf32>,
        %parallel_loop3A_916 = vector.shape_cast %parallel_loop3A_915 : vector<1x1x16xf32> to vector<16xf32>
        %parallel_loop3A_917 = arith.addf %parallel_loop3A_895, %parallel_loop3A_916 : vector<16xf32>
        %parallel_loop3A_918 = arith.constant 0 : i32
        %parallel_loop3A_919 = arith.index_cast %parallel_loop3A_918 : i32 to index
        %parallel_loop3A_920 = arith.index_cast %parallel_loop3A_894 : i32 to index
        %parallel_loop3A_921 = arith.constant 16 : index
        %parallel_loop3A_922 = tpu.vector_load %arg4[%parallel_loop3A_919, %parallel_loop3A_920, %parallel_loop3A_921] {strides = array<i32>} : memref<2x32x1024xf32, #tpu.memory_space<vmem>>, vector<1x1x16xf32>,
        %parallel_loop3A_923 = vector.shape_cast %parallel_loop3A_922 : vector<1x1x16xf32> to vector<16xf32>
        %parallel_loop3A_924 = arith.addf %parallel_loop3A_896, %parallel_loop3A_923 : vector<16xf32>
        %parallel_loop3A_925 = arith.constant 0 : i32
        %parallel_loop3A_926 = arith.index_cast %parallel_loop3A_925 : i32 to index
        %parallel_loop3A_927 = arith.index_cast %parallel_loop3A_894 : i32 to index
        %parallel_loop3A_928 = arith.constant 32 : index
        %parallel_loop3A_929 = tpu.vector_load %arg4[%parallel_loop3A_926, %parallel_loop3A_927, %parallel_loop3A_928] {strides = array<i32>} : memref<2x32x1024xf32, #tpu.memory_space<vmem>>, vector<1x1x16xf32>,
        %parallel_loop3A_930 = vector.shape_cast %parallel_loop3A_929 : vector<1x1x16xf32> to vector<16xf32>
        %parallel_loop3A_931 = arith.addf %parallel_loop3A_897, %parallel_loop3A_930 : vector<16xf32>
        %parallel_loop3A_932 = arith.constant 0 : i32
        %parallel_loop3A_933 = arith.index_cast %parallel_loop3A_932 : i32 to index
        %parallel_loop3A_934 = arith.index_cast %parallel_loop3A_894 : i32 to index
        %parallel_loop3A_935 = arith.constant 48 : index
        %parallel_loop3A_936 = tpu.vector_load %arg4[%parallel_loop3A_933, %parallel_loop3A_934, %parallel_loop3A_935] {strides = array<i32>} : memref<2x32x1024xf32, #tpu.memory_space<vmem>>, vector<1x1x16xf32>,
        %parallel_loop3A_937 = vector.shape_cast %parallel_loop3A_936 : vector<1x1x16xf32> to vector<16xf32>
        %parallel_loop3A_938 = arith.addf %parallel_loop3A_898, %parallel_loop3A_937 : vector<16xf32>
        %parallel_loop3A_939 = arith.constant 0 : i32
        %parallel_loop3A_940 = arith.index_cast %parallel_loop3A_939 : i32 to index
        %parallel_loop3A_941 = arith.index_cast %parallel_loop3A_894 : i32 to index
        %parallel_loop3A_942 = arith.constant 64 : index
        %parallel_loop3A_943 = tpu.vector_load %arg4[%parallel_loop3A_940, %parallel_loop3A_941, %parallel_loop3A_942] {strides = array<i32>} : memref<2x32x1024xf32, #tpu.memory_space<vmem>>, vector<1x1x16xf32>,
        %parallel_loop3A_944 = vector.shape_cast %parallel_loop3A_943 : vector<1x1x16xf32> to vector<16xf32>
        %parallel_loop3A_945 = arith.addf %parallel_loop3A_899, %parallel_loop3A_944 : vector<16xf32>
        %parallel_loop3A_946 = arith.constant 0 : i32
        %parallel_loop3A_947 = arith.index_cast %parallel_loop3A_946 : i32 to index
        %parallel_loop3A_948 = arith.index_cast %parallel_loop3A_894 : i32 to index
        %parallel_loop3A_949 = arith.constant 80 : index
        %parallel_loop3A_950 = tpu.vector_load %arg4[%parallel_loop3A_947, %parallel_loop3A_948, %parallel_loop3A_949] {strides = array<i32>} : memref<2x32x1024xf32, #tpu.memory_space<vmem>>, vector<1x1x16xf32>,
        %parallel_loop3A_951 = vector.shape_cast %parallel_loop3A_950 : vector<1x1x16xf32> to vector<16xf32>
        %parallel_loop3A_952 = arith.addf %parallel_loop3A_900, %parallel_loop3A_951 : vector<16xf32>
        %parallel_loop3A_953 = arith.constant 0 : i32
        %parallel_loop3A_954 = arith.index_cast %parallel_loop3A_953 : i32 to index
        %parallel_loop3A_955 = arith.index_cast %parallel_loop3A_894 : i32 to index
        %parallel_loop3A_956 = arith.constant 96 : index
        %parallel_loop3A_957 = tpu.vector_load %arg4[%parallel_loop3A_954, %parallel_loop3A_955, %parallel_loop3A_956] {strides = array<i32>} : memref<2x32x1024xf32, #tpu.memory_space<vmem>>, vector<1x1x16xf32>,
        %parallel_loop3A_958 = vector.shape_cast %parallel_loop3A_957 : vector<1x1x16xf32> to vector<16xf32>
        %parallel_loop3A_959 = arith.addf %parallel_loop3A_901, %parallel_loop3A_958 : vector<16xf32>
        %parallel_loop3A_960 = arith.constant 0 : i32
        %parallel_loop3A_961 = arith.index_cast %parallel_loop3A_960 : i32 to index
        %parallel_loop3A_962 = arith.index_cast %parallel_loop3A_894 : i32 to index
        %parallel_loop3A_963 = arith.constant 112 : index
        %parallel_loop3A_964 = tpu.vector_load %arg4[%parallel_loop3A_961, %parallel_loop3A_962, %parallel_loop3A_963] {strides = array<i32>} : memref<2x32x1024xf32, #tpu.memory_space<vmem>>, vector<1x1x16xf32>,
        %parallel_loop3A_965 = vector.shape_cast %parallel_loop3A_964 : vector<1x1x16xf32> to vector<16xf32>
        %parallel_loop3A_966 = arith.addf %parallel_loop3A_902, %parallel_loop3A_965 : vector<16xf32>
        %parallel_loop3A_967 = arith.constant 0 : i32
        %parallel_loop3A_968 = arith.index_cast %parallel_loop3A_967 : i32 to index
        %parallel_loop3A_969 = arith.index_cast %parallel_loop3A_894 : i32 to index
        %parallel_loop3A_970 = arith.constant 128 : index
        %parallel_loop3A_971 = tpu.vector_load %arg4[%parallel_loop3A_968, %parallel_loop3A_969, %parallel_loop3A_970] {strides = array<i32>} : memref<2x32x1024xf32, #tpu.memory_space<vmem>>, vector<1x1x16xf32>,
        %parallel_loop3A_972 = vector.shape_cast %parallel_loop3A_971 : vector<1x1x16xf32> to vector<16xf32>
        %parallel_loop3A_973 = arith.addf %parallel_loop3A_903, %parallel_loop3A_972 : vector<16xf32>
        %parallel_loop3A_974 = arith.constant 0 : i32
        %parallel_loop3A_975 = arith.index_cast %parallel_loop3A_974 : i32 to index
        %parallel_loop3A_976 = arith.index_cast %parallel_loop3A_894 : i32 to index
        %parallel_loop3A_977 = arith.constant 144 : index
        %parallel_loop3A_978 = tpu.vector_load %arg4[%parallel_loop3A_975, %parallel_loop3A_976, %parallel_loop3A_977] {strides = array<i32>} : memref<2x32x1024xf32, #tpu.memory_space<vmem>>, vector<1x1x16xf32>,
        %parallel_loop3A_979 = vector.shape_cast %parallel_loop3A_978 : vector<1x1x16xf32> to vector<16xf32>
        %parallel_loop3A_980 = arith.addf %parallel_loop3A_904, %parallel_loop3A_979 : vector<16xf32>
        %parallel_loop3A_981 = arith.constant 0 : i32
        %parallel_loop3A_982 = arith.index_cast %parallel_loop3A_981 : i32 to index
        %parallel_loop3A_983 = arith.index_cast %parallel_loop3A_894 : i32 to index
        %parallel_loop3A_984 = arith.constant 160 : index
        %parallel_loop3A_985 = tpu.vector_load %arg4[%parallel_loop3A_982, %parallel_loop3A_983, %parallel_loop3A_984] {strides = array<i32>} : memref<2x32x1024xf32, #tpu.memory_space<vmem>>, vector<1x1x16xf32>,
        %parallel_loop3A_986 = vector.shape_cast %parallel_loop3A_985 : vector<1x1x16xf32> to vector<16xf32>
        %parallel_loop3A_987 = arith.addf %parallel_loop3A_905, %parallel_loop3A_986 : vector<16xf32>
        %parallel_loop3A_988 = arith.constant 0 : i32
        %parallel_loop3A_989 = arith.index_cast %parallel_loop3A_988 : i32 to index
        %parallel_loop3A_990 = arith.index_cast %parallel_loop3A_894 : i32 to index
        %parallel_loop3A_991 = arith.constant 176 : index
        %parallel_loop3A_992 = tpu.vector_load %arg4[%parallel_loop3A_989, %parallel_loop3A_990, %parallel_loop3A_991] {strides = array<i32>} : memref<2x32x1024xf32, #tpu.memory_space<vmem>>, vector<1x1x16xf32>,
        %parallel_loop3A_993 = vector.shape_cast %parallel_loop3A_992 : vector<1x1x16xf32> to vector<16xf32>
        %parallel_loop3A_994 = arith.addf %parallel_loop3A_906, %parallel_loop3A_993 : vector<16xf32>
        %parallel_loop3A_995 = arith.constant 0 : i32
        %parallel_loop3A_996 = arith.index_cast %parallel_loop3A_995 : i32 to index
        %parallel_loop3A_997 = arith.index_cast %parallel_loop3A_894 : i32 to index
        %parallel_loop3A_998 = arith.constant 192 : index
        %parallel_loop3A_999 = tpu.vector_load %arg4[%parallel_loop3A_996, %parallel_loop3A_997, %parallel_loop3A_998] {strides = array<i32>} : memref<2x32x1024xf32, #tpu.memory_space<vmem>>, vector<1x1x16xf32>,
        %parallel_loop3A_1000 = vector.shape_cast %parallel_loop3A_999 : vector<1x1x16xf32> to vector<16xf32>
        %parallel_loop3A_1001 = arith.addf %parallel_loop3A_907, %parallel_loop3A_1000 : vector<16xf32>
        %parallel_loop3A_1002 = arith.constant 0 : i32
        %parallel_loop3A_1003 = arith.index_cast %parallel_loop3A_1002 : i32 to index
        %parallel_loop3A_1004 = arith.index_cast %parallel_loop3A_894 : i32 to index
        %parallel_loop3A_1005 = arith.constant 208 : index
        %parallel_loop3A_1006 = tpu.vector_load %arg4[%parallel_loop3A_1003, %parallel_loop3A_1004, %parallel_loop3A_1005] {strides = array<i32>} : memref<2x32x1024xf32, #tpu.memory_space<vmem>>, vector<1x1x16xf32>,
        %parallel_loop3A_1007 = vector.shape_cast %parallel_loop3A_1006 : vector<1x1x16xf32> to vector<16xf32>
        %parallel_loop3A_1008 = arith.addf %parallel_loop3A_908, %parallel_loop3A_1007 : vector<16xf32>
        %parallel_loop3A_1009 = arith.constant 0 : i32
        %parallel_loop3A_1010 = arith.index_cast %parallel_loop3A_1009 : i32 to index
        %parallel_loop3A_1011 = arith.index_cast %parallel_loop3A_894 : i32 to index
        %parallel_loop3A_1012 = arith.constant 224 : index
        %parallel_loop3A_1013 = tpu.vector_load %arg4[%parallel_loop3A_1010, %parallel_loop3A_1011, %parallel_loop3A_1012] {strides = array<i32>} : memref<2x32x1024xf32, #tpu.memory_space<vmem>>, vector<1x1x16xf32>,
        %parallel_loop3A_1014 = vector.shape_cast %parallel_loop3A_1013 : vector<1x1x16xf32> to vector<16xf32>
        %parallel_loop3A_1015 = arith.addf %parallel_loop3A_909, %parallel_loop3A_1014 : vector<16xf32>
        %parallel_loop3A_1016 = arith.constant 0 : i32
        %parallel_loop3A_1017 = arith.index_cast %parallel_loop3A_1016 : i32 to index
        %parallel_loop3A_1018 = arith.index_cast %parallel_loop3A_894 : i32 to index
        %parallel_loop3A_1019 = arith.constant 240 : index
        %parallel_loop3A_1020 = tpu.vector_load %arg4[%parallel_loop3A_1017, %parallel_loop3A_1018, %parallel_loop3A_1019] {strides = array<i32>} : memref<2x32x1024xf32, #tpu.memory_space<vmem>>, vector<1x1x16xf32>,
        %parallel_loop3A_1021 = vector.shape_cast %parallel_loop3A_1020 : vector<1x1x16xf32> to vector<16xf32>
        %parallel_loop3A_1022 = arith.addf %parallel_loop3A_910, %parallel_loop3A_1021 : vector<16xf32>
        scf.yield %parallel_loop3A_917, %parallel_loop3A_924, %parallel_loop3A_931, %parallel_loop3A_938, %parallel_loop3A_945, %parallel_loop3A_952, %parallel_loop3A_959, %parallel_loop3A_966, %parallel_loop3A_973, %parallel_loop3A_980, %parallel_loop3A_987, %parallel_loop3A_994, %parallel_loop3A_1001, %parallel_loop3A_1008, %parallel_loop3A_1015, %parallel_loop3A_1022 : vector<16xf32>, vector<16xf32>, vector<16xf32>, vector<16xf32>, vector<16xf32>, vector<16xf32>, vector<16xf32>, vector<16xf32>, vector<16xf32>, vector<16xf32>, vector<16xf32>, vector<16xf32>, vector<16xf32>, vector<16xf32>, vector<16xf32>, vector<16xf32>
      } {sc.loop_unroll_factor = 2 : i64, sc.parallel_access}
      %swap3A_321 = arith.constant 0 : index
      %swap3A_322 = tpu.vector_load %arg5[%swap3A_321] {strides = array<i32>} : memref<1024xf32, #tpu.memory_space<vmem>>, vector<16xf32>,
      %swap3A_323 = vector.shape_cast %swap3A_322 : vector<16xf32> to vector<16xf32>
      %swap3A_324 = vector.shape_cast %parallel_loop3A_320#0 : vector<16xf32> to vector<16xf32>
      tpu.vector_store %arg5[%swap3A_321], %swap3A_324 {add = true, strides = array<i32>} : memref<1024xf32, #tpu.memory_space<vmem>>, vector<16xf32>,
      %swap3A_325 = arith.constant 16 : index
      %swap3A_326 = tpu.vector_load %arg5[%swap3A_325] {strides = array<i32>} : memref<1024xf32, #tpu.memory_space<vmem>>, vector<16xf32>,
      %swap3A_327 = vector.shape_cast %swap3A_326 : vector<16xf32> to vector<16xf32>
      %swap3A_328 = vector.shape_cast %parallel_loop3A_320#1 : vector<16xf32> to vector<16xf32>
      tpu.vector_store %arg5[%swap3A_325], %swap3A_328 {add = true, strides = array<i32>} : memref<1024xf32, #tpu.memory_space<vmem>>, vector<16xf32>,
      %swap3A_329 = arith.constant 32 : index
      %swap3A_330 = tpu.vector_load %arg5[%swap3A_329] {strides = array<i32>} : memref<1024xf32, #tpu.memory_space<vmem>>, vector<16xf32>,
      %swap3A_331 = vector.shape_cast %swap3A_330 : vector<16xf32> to vector<16xf32>
      %swap3A_332 = vector.shape_cast %parallel_loop3A_320#2 : vector<16xf32> to vector<16xf32>
      tpu.vector_store %arg5[%swap3A_329], %swap3A_332 {add = true, strides = array<i32>} : memref<1024xf32, #tpu.memory_space<vmem>>, vector<16xf32>,
      %swap3A_333 = arith.constant 48 : index
      %swap3A_334 = tpu.vector_load %arg5[%swap3A_333] {strides = array<i32>} : memref<1024xf32, #tpu.memory_space<vmem>>, vector<16xf32>,
      %swap3A_335 = vector.shape_cast %swap3A_334 : vector<16xf32> to vector<16xf32>
      %swap3A_336 = vector.shape_cast %parallel_loop3A_320#3 : vector<16xf32> to vector<16xf32>
      tpu.vector_store %arg5[%swap3A_333], %swap3A_336 {add = true, strides = array<i32>} : memref<1024xf32, #tpu.memory_space<vmem>>, vector<16xf32>,
      %swap3A_337 = arith.constant 64 : index
      %swap3A_338 = tpu.vector_load %arg5[%swap3A_337] {strides = array<i32>} : memref<1024xf32, #tpu.memory_space<vmem>>, vector<16xf32>,
      %swap3A_339 = vector.shape_cast %swap3A_338 : vector<16xf32> to vector<16xf32>
      %swap3A_340 = vector.shape_cast %parallel_loop3A_320#4 : vector<16xf32> to vector<16xf32>
      tpu.vector_store %arg5[%swap3A_337], %swap3A_340 {add = true, strides = array<i32>} : memref<1024xf32, #tpu.memory_space<vmem>>, vector<16xf32>,
      %swap3A_341 = arith.constant 80 : index
      %swap3A_342 = tpu.vector_load %arg5[%swap3A_341] {strides = array<i32>} : memref<1024xf32, #tpu.memory_space<vmem>>, vector<16xf32>,
      %swap3A_343 = vector.shape_cast %swap3A_342 : vector<16xf32> to vector<16xf32>
      %swap3A_344 = vector.shape_cast %parallel_loop3A_320#5 : vector<16xf32> to vector<16xf32>
      tpu.vector_store %arg5[%swap3A_341], %swap3A_344 {add = true, strides = array<i32>} : memref<1024xf32, #tpu.memory_space<vmem>>, vector<16xf32>,
      %swap3A_345 = arith.constant 96 : index
      %swap3A_346 = tpu.vector_load %arg5[%swap3A_345] {strides = array<i32>} : memref<1024xf32, #tpu.memory_space<vmem>>, vector<16xf32>,
      %swap3A_347 = vector.shape_cast %swap3A_346 : vector<16xf32> to vector<16xf32>
      %swap3A_348 = vector.shape_cast %parallel_loop3A_320#6 : vector<16xf32> to vector<16xf32>
      tpu.vector_store %arg5[%swap3A_345], %swap3A_348 {add = true, strides = array<i32>} : memref<1024xf32, #tpu.memory_space<vmem>>, vector<16xf32>,
      %swap3A_349 = arith.constant 112 : index
      %swap3A_350 = tpu.vector_load %arg5[%swap3A_349] {strides = array<i32>} : memref<1024xf32, #tpu.memory_space<vmem>>, vector<16xf32>,
      %swap3A_351 = vector.shape_cast %swap3A_350 : vector<16xf32> to vector<16xf32>
      %swap3A_352 = vector.shape_cast %parallel_loop3A_320#7 : vector<16xf32> to vector<16xf32>
      tpu.vector_store %arg5[%swap3A_349], %swap3A_352 {add = true, strides = array<i32>} : memref<1024xf32, #tpu.memory_space<vmem>>, vector<16xf32>,
      %swap3A_353 = arith.constant 128 : index
      %swap3A_354 = tpu.vector_load %arg5[%swap3A_353] {strides = array<i32>} : memref<1024xf32, #tpu.memory_space<vmem>>, vector<16xf32>,
      %swap3A_355 = vector.shape_cast %swap3A_354 : vector<16xf32> to vector<16xf32>
      %swap3A_356 = vector.shape_cast %parallel_loop3A_320#8 : vector<16xf32> to vector<16xf32>
      tpu.vector_store %arg5[%swap3A_353], %swap3A_356 {add = true, strides = array<i32>} : memref<1024xf32, #tpu.memory_space<vmem>>, vector<16xf32>,
      %swap3A_357 = arith.constant 144 : index
      %swap3A_358 = tpu.vector_load %arg5[%swap3A_357] {strides = array<i32>} : memref<1024xf32, #tpu.memory_space<vmem>>, vector<16xf32>,
      %swap3A_359 = vector.shape_cast %swap3A_358 : vector<16xf32> to vector<16xf32>
      %swap3A_360 = vector.shape_cast %parallel_loop3A_320#9 : vector<16xf32> to vector<16xf32>
      tpu.vector_store %arg5[%swap3A_357], %swap3A_360 {add = true, strides = array<i32>} : memref<1024xf32, #tpu.memory_space<vmem>>, vector<16xf32>,
      %swap3A_361 = arith.constant 160 : index
      %swap3A_362 = tpu.vector_load %arg5[%swap3A_361] {strides = array<i32>} : memref<1024xf32, #tpu.memory_space<vmem>>, vector<16xf32>,
      %swap3A_363 = vector.shape_cast %swap3A_362 : vector<16xf32> to vector<16xf32>
      %swap3A_364 = vector.shape_cast %parallel_loop3A_320#10 : vector<16xf32> to vector<16xf32>
      tpu.vector_store %arg5[%swap3A_361], %swap3A_364 {add = true, strides = array<i32>} : memref<1024xf32, #tpu.memory_space<vmem>>, vector<16xf32>,
      %swap3A_365 = arith.constant 176 : index
      %swap3A_366 = tpu.vector_load %arg5[%swap3A_365] {strides = array<i32>} : memref<1024xf32, #tpu.memory_space<vmem>>, vector<16xf32>,
      %swap3A_367 = vector.shape_cast %swap3A_366 : vector<16xf32> to vector<16xf32>
      %swap3A_368 = vector.shape_cast %parallel_loop3A_320#11 : vector<16xf32> to vector<16xf32>
      tpu.vector_store %arg5[%swap3A_365], %swap3A_368 {add = true, strides = array<i32>} : memref<1024xf32, #tpu.memory_space<vmem>>, vector<16xf32>,
      %swap3A_369 = arith.constant 192 : index
      %swap3A_370 = tpu.vector_load %arg5[%swap3A_369] {strides = array<i32>} : memref<1024xf32, #tpu.memory_space<vmem>>, vector<16xf32>,
      %swap3A_371 = vector.shape_cast %swap3A_370 : vector<16xf32> to vector<16xf32>
      %swap3A_372 = vector.shape_cast %parallel_loop3A_320#12 : vector<16xf32> to vector<16xf32>
      tpu.vector_store %arg5[%swap3A_369], %swap3A_372 {add = true, strides = array<i32>} : memref<1024xf32, #tpu.memory_space<vmem>>, vector<16xf32>,
      %swap3A_373 = arith.constant 208 : index
      %swap3A_374 = tpu.vector_load %arg5[%swap3A_373] {strides = array<i32>} : memref<1024xf32, #tpu.memory_space<vmem>>, vector<16xf32>,
      %swap3A_375 = vector.shape_cast %swap3A_374 : vector<16xf32> to vector<16xf32>
      %swap3A_376 = vector.shape_cast %parallel_loop3A_320#13 : vector<16xf32> to vector<16xf32>
      tpu.vector_store %arg5[%swap3A_373], %swap3A_376 {add = true, strides = array<i32>} : memref<1024xf32, #tpu.memory_space<vmem>>, vector<16xf32>,
      %swap3A_377 = arith.constant 224 : index
      %swap3A_378 = tpu.vector_load %arg5[%swap3A_377] {strides = array<i32>} : memref<1024xf32, #tpu.memory_space<vmem>>, vector<16xf32>,
      %swap3A_379 = vector.shape_cast %swap3A_378 : vector<16xf32> to vector<16xf32>
      %swap3A_380 = vector.shape_cast %parallel_loop3A_320#14 : vector<16xf32> to vector<16xf32>
      tpu.vector_store %arg5[%swap3A_377], %swap3A_380 {add = true, strides = array<i32>} : memref<1024xf32, #tpu.memory_space<vmem>>, vector<16xf32>,
      %swap3A_381 = arith.constant 240 : index
      %swap3A_382 = tpu.vector_load %arg5[%swap3A_381] {strides = array<i32>} : memref<1024xf32, #tpu.memory_space<vmem>>, vector<16xf32>,
      %swap3A_383 = vector.shape_cast %swap3A_382 : vector<16xf32> to vector<16xf32>
      %swap3A_384 = vector.shape_cast %parallel_loop3A_320#15 : vector<16xf32> to vector<16xf32>
      tpu.vector_store %arg5[%swap3A_381], %swap3A_384 {add = true, strides = array<i32>} : memref<1024xf32, #tpu.memory_space<vmem>>, vector<16xf32>,
      %parallel_loop3A_385 = arith.constant 0 : i32
      %parallel_loop3A_386 = arith.constant 32 : i32
      %parallel_loop3A_387 = arith.constant 1 : i32
      %parallel_loop3A_388:16 = scf.for %parallel_loop3A_894 = %parallel_loop3A_385 to %parallel_loop3A_386 step %parallel_loop3A_387 iter_args(%parallel_loop3A_895 = %broadcast_in_dim3A_2, %parallel_loop3A_896 = %broadcast_in_dim3A_2, %parallel_loop3A_897 = %broadcast_in_dim3A_2, %parallel_loop3A_898 = %broadcast_in_dim3A_2, %parallel_loop3A_899 = %broadcast_in_dim3A_2, %parallel_loop3A_900 = %broadcast_in_dim3A_2, %parallel_loop3A_901 = %broadcast_in_dim3A_2, %parallel_loop3A_902 = %broadcast_in_dim3A_2, %parallel_loop3A_903 = %broadcast_in_dim3A_2, %parallel_loop3A_904 = %broadcast_in_dim3A_2, %parallel_loop3A_905 = %broadcast_in_dim3A_2, %parallel_loop3A_906 = %broadcast_in_dim3A_2, %parallel_loop3A_907 = %broadcast_in_dim3A_2, %parallel_loop3A_908 = %broadcast_in_dim3A_2, %parallel_loop3A_909 = %broadcast_in_dim3A_2, %parallel_loop3A_910 = %broadcast_in_dim3A_2) -> (vector<16xf32>, vector<16xf32>, vector<16xf32>, vector<16xf32>, vector<16xf32>, vector<16xf32>, vector<16xf32>, vector<16xf32>, vector<16xf32>, vector<16xf32>, vector<16xf32>, vector<16xf32>, vector<16xf32>, vector<16xf32>, vector<16xf32>, vector<16xf32>)  : i32 {
        %parallel_loop3A_911 = arith.constant 0 : i32
        %parallel_loop3A_912 = arith.index_cast %parallel_loop3A_911 : i32 to index
        %parallel_loop3A_913 = arith.index_cast %parallel_loop3A_894 : i32 to index
        %parallel_loop3A_914 = arith.constant 256 : index
        %parallel_loop3A_915 = tpu.vector_load %arg4[%parallel_loop3A_912, %parallel_loop3A_913, %parallel_loop3A_914] {strides = array<i32>} : memref<2x32x1024xf32, #tpu.memory_space<vmem>>, vector<1x1x16xf32>,
        %parallel_loop3A_916 = vector.shape_cast %parallel_loop3A_915 : vector<1x1x16xf32> to vector<16xf32>
        %parallel_loop3A_917 = arith.addf %parallel_loop3A_895, %parallel_loop3A_916 : vector<16xf32>
        %parallel_loop3A_918 = arith.constant 0 : i32
        %parallel_loop3A_919 = arith.index_cast %parallel_loop3A_918 : i32 to index
        %parallel_loop3A_920 = arith.index_cast %parallel_loop3A_894 : i32 to index
        %parallel_loop3A_921 = arith.constant 272 : index
        %parallel_loop3A_922 = tpu.vector_load %arg4[%parallel_loop3A_919, %parallel_loop3A_920, %parallel_loop3A_921] {strides = array<i32>} : memref<2x32x1024xf32, #tpu.memory_space<vmem>>, vector<1x1x16xf32>,
        %parallel_loop3A_923 = vector.shape_cast %parallel_loop3A_922 : vector<1x1x16xf32> to vector<16xf32>
        %parallel_loop3A_924 = arith.addf %parallel_loop3A_896, %parallel_loop3A_923 : vector<16xf32>
        %parallel_loop3A_925 = arith.constant 0 : i32
        %parallel_loop3A_926 = arith.index_cast %parallel_loop3A_925 : i32 to index
        %parallel_loop3A_927 = arith.index_cast %parallel_loop3A_894 : i32 to index
        %parallel_loop3A_928 = arith.constant 288 : index
        %parallel_loop3A_929 = tpu.vector_load %arg4[%parallel_loop3A_926, %parallel_loop3A_927, %parallel_loop3A_928] {strides = array<i32>} : memref<2x32x1024xf32, #tpu.memory_space<vmem>>, vector<1x1x16xf32>,
        %parallel_loop3A_930 = vector.shape_cast %parallel_loop3A_929 : vector<1x1x16xf32> to vector<16xf32>
        %parallel_loop3A_931 = arith.addf %parallel_loop3A_897, %parallel_loop3A_930 : vector<16xf32>
        %parallel_loop3A_932 = arith.constant 0 : i32
        %parallel_loop3A_933 = arith.index_cast %parallel_loop3A_932 : i32 to index
        %parallel_loop3A_934 = arith.index_cast %parallel_loop3A_894 : i32 to index
        %parallel_loop3A_935 = arith.constant 304 : index
        %parallel_loop3A_936 = tpu.vector_load %arg4[%parallel_loop3A_933, %parallel_loop3A_934, %parallel_loop3A_935] {strides = array<i32>} : memref<2x32x1024xf32, #tpu.memory_space<vmem>>, vector<1x1x16xf32>,
        %parallel_loop3A_937 = vector.shape_cast %parallel_loop3A_936 : vector<1x1x16xf32> to vector<16xf32>
        %parallel_loop3A_938 = arith.addf %parallel_loop3A_898, %parallel_loop3A_937 : vector<16xf32>
        %parallel_loop3A_939 = arith.constant 0 : i32
        %parallel_loop3A_940 = arith.index_cast %parallel_loop3A_939 : i32 to index
        %parallel_loop3A_941 = arith.index_cast %parallel_loop3A_894 : i32 to index
        %parallel_loop3A_942 = arith.constant 320 : index
        %parallel_loop3A_943 = tpu.vector_load %arg4[%parallel_loop3A_940, %parallel_loop3A_941, %parallel_loop3A_942] {strides = array<i32>} : memref<2x32x1024xf32, #tpu.memory_space<vmem>>, vector<1x1x16xf32>,
        %parallel_loop3A_944 = vector.shape_cast %parallel_loop3A_943 : vector<1x1x16xf32> to vector<16xf32>
        %parallel_loop3A_945 = arith.addf %parallel_loop3A_899, %parallel_loop3A_944 : vector<16xf32>
        %parallel_loop3A_946 = arith.constant 0 : i32
        %parallel_loop3A_947 = arith.index_cast %parallel_loop3A_946 : i32 to index
        %parallel_loop3A_948 = arith.index_cast %parallel_loop3A_894 : i32 to index
        %parallel_loop3A_949 = arith.constant 336 : index
        %parallel_loop3A_950 = tpu.vector_load %arg4[%parallel_loop3A_947, %parallel_loop3A_948, %parallel_loop3A_949] {strides = array<i32>} : memref<2x32x1024xf32, #tpu.memory_space<vmem>>, vector<1x1x16xf32>,
        %parallel_loop3A_951 = vector.shape_cast %parallel_loop3A_950 : vector<1x1x16xf32> to vector<16xf32>
        %parallel_loop3A_952 = arith.addf %parallel_loop3A_900, %parallel_loop3A_951 : vector<16xf32>
        %parallel_loop3A_953 = arith.constant 0 : i32
        %parallel_loop3A_954 = arith.index_cast %parallel_loop3A_953 : i32 to index
        %parallel_loop3A_955 = arith.index_cast %parallel_loop3A_894 : i32 to index
        %parallel_loop3A_956 = arith.constant 352 : index
        %parallel_loop3A_957 = tpu.vector_load %arg4[%parallel_loop3A_954, %parallel_loop3A_955, %parallel_loop3A_956] {strides = array<i32>} : memref<2x32x1024xf32, #tpu.memory_space<vmem>>, vector<1x1x16xf32>,
        %parallel_loop3A_958 = vector.shape_cast %parallel_loop3A_957 : vector<1x1x16xf32> to vector<16xf32>
        %parallel_loop3A_959 = arith.addf %parallel_loop3A_901, %parallel_loop3A_958 : vector<16xf32>
        %parallel_loop3A_960 = arith.constant 0 : i32
        %parallel_loop3A_961 = arith.index_cast %parallel_loop3A_960 : i32 to index
        %parallel_loop3A_962 = arith.index_cast %parallel_loop3A_894 : i32 to index
        %parallel_loop3A_963 = arith.constant 368 : index
        %parallel_loop3A_964 = tpu.vector_load %arg4[%parallel_loop3A_961, %parallel_loop3A_962, %parallel_loop3A_963] {strides = array<i32>} : memref<2x32x1024xf32, #tpu.memory_space<vmem>>, vector<1x1x16xf32>,
        %parallel_loop3A_965 = vector.shape_cast %parallel_loop3A_964 : vector<1x1x16xf32> to vector<16xf32>
        %parallel_loop3A_966 = arith.addf %parallel_loop3A_902, %parallel_loop3A_965 : vector<16xf32>
        %parallel_loop3A_967 = arith.constant 0 : i32
        %parallel_loop3A_968 = arith.index_cast %parallel_loop3A_967 : i32 to index
        %parallel_loop3A_969 = arith.index_cast %parallel_loop3A_894 : i32 to index
        %parallel_loop3A_970 = arith.constant 384 : index
        %parallel_loop3A_971 = tpu.vector_load %arg4[%parallel_loop3A_968, %parallel_loop3A_969, %parallel_loop3A_970] {strides = array<i32>} : memref<2x32x1024xf32, #tpu.memory_space<vmem>>, vector<1x1x16xf32>,
        %parallel_loop3A_972 = vector.shape_cast %parallel_loop3A_971 : vector<1x1x16xf32> to vector<16xf32>
        %parallel_loop3A_973 = arith.addf %parallel_loop3A_903, %parallel_loop3A_972 : vector<16xf32>
        %parallel_loop3A_974 = arith.constant 0 : i32
        %parallel_loop3A_975 = arith.index_cast %parallel_loop3A_974 : i32 to index
        %parallel_loop3A_976 = arith.index_cast %parallel_loop3A_894 : i32 to index
        %parallel_loop3A_977 = arith.constant 400 : index
        %parallel_loop3A_978 = tpu.vector_load %arg4[%parallel_loop3A_975, %parallel_loop3A_976, %parallel_loop3A_977] {strides = array<i32>} : memref<2x32x1024xf32, #tpu.memory_space<vmem>>, vector<1x1x16xf32>,
        %parallel_loop3A_979 = vector.shape_cast %parallel_loop3A_978 : vector<1x1x16xf32> to vector<16xf32>
        %parallel_loop3A_980 = arith.addf %parallel_loop3A_904, %parallel_loop3A_979 : vector<16xf32>
        %parallel_loop3A_981 = arith.constant 0 : i32
        %parallel_loop3A_982 = arith.index_cast %parallel_loop3A_981 : i32 to index
        %parallel_loop3A_983 = arith.index_cast %parallel_loop3A_894 : i32 to index
        %parallel_loop3A_984 = arith.constant 416 : index
        %parallel_loop3A_985 = tpu.vector_load %arg4[%parallel_loop3A_982, %parallel_loop3A_983, %parallel_loop3A_984] {strides = array<i32>} : memref<2x32x1024xf32, #tpu.memory_space<vmem>>, vector<1x1x16xf32>,
        %parallel_loop3A_986 = vector.shape_cast %parallel_loop3A_985 : vector<1x1x16xf32> to vector<16xf32>
        %parallel_loop3A_987 = arith.addf %parallel_loop3A_905, %parallel_loop3A_986 : vector<16xf32>
        %parallel_loop3A_988 = arith.constant 0 : i32
        %parallel_loop3A_989 = arith.index_cast %parallel_loop3A_988 : i32 to index
        %parallel_loop3A_990 = arith.index_cast %parallel_loop3A_894 : i32 to index
        %parallel_loop3A_991 = arith.constant 432 : index
        %parallel_loop3A_992 = tpu.vector_load %arg4[%parallel_loop3A_989, %parallel_loop3A_990, %parallel_loop3A_991] {strides = array<i32>} : memref<2x32x1024xf32, #tpu.memory_space<vmem>>, vector<1x1x16xf32>,
        %parallel_loop3A_993 = vector.shape_cast %parallel_loop3A_992 : vector<1x1x16xf32> to vector<16xf32>
        %parallel_loop3A_994 = arith.addf %parallel_loop3A_906, %parallel_loop3A_993 : vector<16xf32>
        %parallel_loop3A_995 = arith.constant 0 : i32
        %parallel_loop3A_996 = arith.index_cast %parallel_loop3A_995 : i32 to index
        %parallel_loop3A_997 = arith.index_cast %parallel_loop3A_894 : i32 to index
        %parallel_loop3A_998 = arith.constant 448 : index
        %parallel_loop3A_999 = tpu.vector_load %arg4[%parallel_loop3A_996, %parallel_loop3A_997, %parallel_loop3A_998] {strides = array<i32>} : memref<2x32x1024xf32, #tpu.memory_space<vmem>>, vector<1x1x16xf32>,
        %parallel_loop3A_1000 = vector.shape_cast %parallel_loop3A_999 : vector<1x1x16xf32> to vector<16xf32>
        %parallel_loop3A_1001 = arith.addf %parallel_loop3A_907, %parallel_loop3A_1000 : vector<16xf32>
        %parallel_loop3A_1002 = arith.constant 0 : i32
        %parallel_loop3A_1003 = arith.index_cast %parallel_loop3A_1002 : i32 to index
        %parallel_loop3A_1004 = arith.index_cast %parallel_loop3A_894 : i32 to index
        %parallel_loop3A_1005 = arith.constant 464 : index
        %parallel_loop3A_1006 = tpu.vector_load %arg4[%parallel_loop3A_1003, %parallel_loop3A_1004, %parallel_loop3A_1005] {strides = array<i32>} : memref<2x32x1024xf32, #tpu.memory_space<vmem>>, vector<1x1x16xf32>,
        %parallel_loop3A_1007 = vector.shape_cast %parallel_loop3A_1006 : vector<1x1x16xf32> to vector<16xf32>
        %parallel_loop3A_1008 = arith.addf %parallel_loop3A_908, %parallel_loop3A_1007 : vector<16xf32>
        %parallel_loop3A_1009 = arith.constant 0 : i32
        %parallel_loop3A_1010 = arith.index_cast %parallel_loop3A_1009 : i32 to index
        %parallel_loop3A_1011 = arith.index_cast %parallel_loop3A_894 : i32 to index
        %parallel_loop3A_1012 = arith.constant 480 : index
        %parallel_loop3A_1013 = tpu.vector_load %arg4[%parallel_loop3A_1010, %parallel_loop3A_1011, %parallel_loop3A_1012] {strides = array<i32>} : memref<2x32x1024xf32, #tpu.memory_space<vmem>>, vector<1x1x16xf32>,
        %parallel_loop3A_1014 = vector.shape_cast %parallel_loop3A_1013 : vector<1x1x16xf32> to vector<16xf32>
        %parallel_loop3A_1015 = arith.addf %parallel_loop3A_909, %parallel_loop3A_1014 : vector<16xf32>
        %parallel_loop3A_1016 = arith.constant 0 : i32
        %parallel_loop3A_1017 = arith.index_cast %parallel_loop3A_1016 : i32 to index
        %parallel_loop3A_1018 = arith.index_cast %parallel_loop3A_894 : i32 to index
        %parallel_loop3A_1019 = arith.constant 496 : index
        %parallel_loop3A_1020 = tpu.vector_load %arg4[%parallel_loop3A_1017, %parallel_loop3A_1018, %parallel_loop3A_1019] {strides = array<i32>} : memref<2x32x1024xf32, #tpu.memory_space<vmem>>, vector<1x1x16xf32>,
        %parallel_loop3A_1021 = vector.shape_cast %parallel_loop3A_1020 : vector<1x1x16xf32> to vector<16xf32>
        %parallel_loop3A_1022 = arith.addf %parallel_loop3A_910, %parallel_loop3A_1021 : vector<16xf32>
        scf.yield %parallel_loop3A_917, %parallel_loop3A_924, %parallel_loop3A_931, %parallel_loop3A_938, %parallel_loop3A_945, %parallel_loop3A_952, %parallel_loop3A_959, %parallel_loop3A_966, %parallel_loop3A_973, %parallel_loop3A_980, %parallel_loop3A_987, %parallel_loop3A_994, %parallel_loop3A_1001, %parallel_loop3A_1008, %parallel_loop3A_1015, %parallel_loop3A_1022 : vector<16xf32>, vector<16xf32>, vector<16xf32>, vector<16xf32>, vector<16xf32>, vector<16xf32>, vector<16xf32>, vector<16xf32>, vector<16xf32>, vector<16xf32>, vector<16xf32>, vector<16xf32>, vector<16xf32>, vector<16xf32>, vector<16xf32>, vector<16xf32>
      } {sc.loop_unroll_factor = 2 : i64, sc.parallel_access}
      %swap3A_389 = arith.constant 256 : index
      %swap3A_390 = tpu.vector_load %arg5[%swap3A_389] {strides = array<i32>} : memref<1024xf32, #tpu.memory_space<vmem>>, vector<16xf32>,
      %swap3A_391 = vector.shape_cast %swap3A_390 : vector<16xf32> to vector<16xf32>
      %swap3A_392 = vector.shape_cast %parallel_loop3A_388#0 : vector<16xf32> to vector<16xf32>
      tpu.vector_store %arg5[%swap3A_389], %swap3A_392 {add = true, strides = array<i32>} : memref<1024xf32, #tpu.memory_space<vmem>>, vector<16xf32>,
      %swap3A_393 = arith.constant 272 : index
      %swap3A_394 = tpu.vector_load %arg5[%swap3A_393] {strides = array<i32>} : memref<1024xf32, #tpu.memory_space<vmem>>, vector<16xf32>,
      %swap3A_395 = vector.shape_cast %swap3A_394 : vector<16xf32> to vector<16xf32>
      %swap3A_396 = vector.shape_cast %parallel_loop3A_388#1 : vector<16xf32> to vector<16xf32>
      tpu.vector_store %arg5[%swap3A_393], %swap3A_396 {add = true, strides = array<i32>} : memref<1024xf32, #tpu.memory_space<vmem>>, vector<16xf32>,
      %swap3A_397 = arith.constant 288 : index
      %swap3A_398 = tpu.vector_load %arg5[%swap3A_397] {strides = array<i32>} : memref<1024xf32, #tpu.memory_space<vmem>>, vector<16xf32>,
      %swap3A_399 = vector.shape_cast %swap3A_398 : vector<16xf32> to vector<16xf32>
      %swap3A_400 = vector.shape_cast %parallel_loop3A_388#2 : vector<16xf32> to vector<16xf32>
      tpu.vector_store %arg5[%swap3A_397], %swap3A_400 {add = true, strides = array<i32>} : memref<1024xf32, #tpu.memory_space<vmem>>, vector<16xf32>,
      %swap3A_401 = arith.constant 304 : index
      %swap3A_402 = tpu.vector_load %arg5[%swap3A_401] {strides = array<i32>} : memref<1024xf32, #tpu.memory_space<vmem>>, vector<16xf32>,
      %swap3A_403 = vector.shape_cast %swap3A_402 : vector<16xf32> to vector<16xf32>
      %swap3A_404 = vector.shape_cast %parallel_loop3A_388#3 : vector<16xf32> to vector<16xf32>
      tpu.vector_store %arg5[%swap3A_401], %swap3A_404 {add = true, strides = array<i32>} : memref<1024xf32, #tpu.memory_space<vmem>>, vector<16xf32>,
      %swap3A_405 = arith.constant 320 : index
      %swap3A_406 = tpu.vector_load %arg5[%swap3A_405] {strides = array<i32>} : memref<1024xf32, #tpu.memory_space<vmem>>, vector<16xf32>,
      %swap3A_407 = vector.shape_cast %swap3A_406 : vector<16xf32> to vector<16xf32>
      %swap3A_408 = vector.shape_cast %parallel_loop3A_388#4 : vector<16xf32> to vector<16xf32>
      tpu.vector_store %arg5[%swap3A_405], %swap3A_408 {add = true, strides = array<i32>} : memref<1024xf32, #tpu.memory_space<vmem>>, vector<16xf32>,
      %swap3A_409 = arith.constant 336 : index
      %swap3A_410 = tpu.vector_load %arg5[%swap3A_409] {strides = array<i32>} : memref<1024xf32, #tpu.memory_space<vmem>>, vector<16xf32>,
      %swap3A_411 = vector.shape_cast %swap3A_410 : vector<16xf32> to vector<16xf32>
      %swap3A_412 = vector.shape_cast %parallel_loop3A_388#5 : vector<16xf32> to vector<16xf32>
      tpu.vector_store %arg5[%swap3A_409], %swap3A_412 {add = true, strides = array<i32>} : memref<1024xf32, #tpu.memory_space<vmem>>, vector<16xf32>,
      %swap3A_413 = arith.constant 352 : index
      %swap3A_414 = tpu.vector_load %arg5[%swap3A_413] {strides = array<i32>} : memref<1024xf32, #tpu.memory_space<vmem>>, vector<16xf32>,
      %swap3A_415 = vector.shape_cast %swap3A_414 : vector<16xf32> to vector<16xf32>
      %swap3A_416 = vector.shape_cast %parallel_loop3A_388#6 : vector<16xf32> to vector<16xf32>
      tpu.vector_store %arg5[%swap3A_413], %swap3A_416 {add = true, strides = array<i32>} : memref<1024xf32, #tpu.memory_space<vmem>>, vector<16xf32>,
      %swap3A_417 = arith.constant 368 : index
      %swap3A_418 = tpu.vector_load %arg5[%swap3A_417] {strides = array<i32>} : memref<1024xf32, #tpu.memory_space<vmem>>, vector<16xf32>,
      %swap3A_419 = vector.shape_cast %swap3A_418 : vector<16xf32> to vector<16xf32>
      %swap3A_420 = vector.shape_cast %parallel_loop3A_388#7 : vector<16xf32> to vector<16xf32>
      tpu.vector_store %arg5[%swap3A_417], %swap3A_420 {add = true, strides = array<i32>} : memref<1024xf32, #tpu.memory_space<vmem>>, vector<16xf32>,
      %swap3A_421 = arith.constant 384 : index
      %swap3A_422 = tpu.vector_load %arg5[%swap3A_421] {strides = array<i32>} : memref<1024xf32, #tpu.memory_space<vmem>>, vector<16xf32>,
      %swap3A_423 = vector.shape_cast %swap3A_422 : vector<16xf32> to vector<16xf32>
      %swap3A_424 = vector.shape_cast %parallel_loop3A_388#8 : vector<16xf32> to vector<16xf32>
      tpu.vector_store %arg5[%swap3A_421], %swap3A_424 {add = true, strides = array<i32>} : memref<1024xf32, #tpu.memory_space<vmem>>, vector<16xf32>,
      %swap3A_425 = arith.constant 400 : index
      %swap3A_426 = tpu.vector_load %arg5[%swap3A_425] {strides = array<i32>} : memref<1024xf32, #tpu.memory_space<vmem>>, vector<16xf32>,
      %swap3A_427 = vector.shape_cast %swap3A_426 : vector<16xf32> to vector<16xf32>
      %swap3A_428 = vector.shape_cast %parallel_loop3A_388#9 : vector<16xf32> to vector<16xf32>
      tpu.vector_store %arg5[%swap3A_425], %swap3A_428 {add = true, strides = array<i32>} : memref<1024xf32, #tpu.memory_space<vmem>>, vector<16xf32>,
      %swap3A_429 = arith.constant 416 : index
      %swap3A_430 = tpu.vector_load %arg5[%swap3A_429] {strides = array<i32>} : memref<1024xf32, #tpu.memory_space<vmem>>, vector<16xf32>,
      %swap3A_431 = vector.shape_cast %swap3A_430 : vector<16xf32> to vector<16xf32>
      %swap3A_432 = vector.shape_cast %parallel_loop3A_388#10 : vector<16xf32> to vector<16xf32>
      tpu.vector_store %arg5[%swap3A_429], %swap3A_432 {add = true, strides = array<i32>} : memref<1024xf32, #tpu.memory_space<vmem>>, vector<16xf32>,
      %swap3A_433 = arith.constant 432 : index
      %swap3A_434 = tpu.vector_load %arg5[%swap3A_433] {strides = array<i32>} : memref<1024xf32, #tpu.memory_space<vmem>>, vector<16xf32>,
      %swap3A_435 = vector.shape_cast %swap3A_434 : vector<16xf32> to vector<16xf32>
      %swap3A_436 = vector.shape_cast %parallel_loop3A_388#11 : vector<16xf32> to vector<16xf32>
      tpu.vector_store %arg5[%swap3A_433], %swap3A_436 {add = true, strides = array<i32>} : memref<1024xf32, #tpu.memory_space<vmem>>, vector<16xf32>,
      %swap3A_437 = arith.constant 448 : index
      %swap3A_438 = tpu.vector_load %arg5[%swap3A_437] {strides = array<i32>} : memref<1024xf32, #tpu.memory_space<vmem>>, vector<16xf32>,
      %swap3A_439 = vector.shape_cast %swap3A_438 : vector<16xf32> to vector<16xf32>
      %swap3A_440 = vector.shape_cast %parallel_loop3A_388#12 : vector<16xf32> to vector<16xf32>
      tpu.vector_store %arg5[%swap3A_437], %swap3A_440 {add = true, strides = array<i32>} : memref<1024xf32, #tpu.memory_space<vmem>>, vector<16xf32>,
      %swap3A_441 = arith.constant 464 : index
      %swap3A_442 = tpu.vector_load %arg5[%swap3A_441] {strides = array<i32>} : memref<1024xf32, #tpu.memory_space<vmem>>, vector<16xf32>,
      %swap3A_443 = vector.shape_cast %swap3A_442 : vector<16xf32> to vector<16xf32>
      %swap3A_444 = vector.shape_cast %parallel_loop3A_388#13 : vector<16xf32> to vector<16xf32>
      tpu.vector_store %arg5[%swap3A_441], %swap3A_444 {add = true, strides = array<i32>} : memref<1024xf32, #tpu.memory_space<vmem>>, vector<16xf32>,
      %swap3A_445 = arith.constant 480 : index
      %swap3A_446 = tpu.vector_load %arg5[%swap3A_445] {strides = array<i32>} : memref<1024xf32, #tpu.memory_space<vmem>>, vector<16xf32>,
      %swap3A_447 = vector.shape_cast %swap3A_446 : vector<16xf32> to vector<16xf32>
      %swap3A_448 = vector.shape_cast %parallel_loop3A_388#14 : vector<16xf32> to vector<16xf32>
      tpu.vector_store %arg5[%swap3A_445], %swap3A_448 {add = true, strides = array<i32>} : memref<1024xf32, #tpu.memory_space<vmem>>, vector<16xf32>,
      %swap3A_449 = arith.constant 496 : index
      %swap3A_450 = tpu.vector_load %arg5[%swap3A_449] {strides = array<i32>} : memref<1024xf32, #tpu.memory_space<vmem>>, vector<16xf32>,
      %swap3A_451 = vector.shape_cast %swap3A_450 : vector<16xf32> to vector<16xf32>
      %swap3A_452 = vector.shape_cast %parallel_loop3A_388#15 : vector<16xf32> to vector<16xf32>
      tpu.vector_store %arg5[%swap3A_449], %swap3A_452 {add = true, strides = array<i32>} : memref<1024xf32, #tpu.memory_space<vmem>>, vector<16xf32>,
      %parallel_loop3A_453 = arith.constant 0 : i32
      %parallel_loop3A_454 = arith.constant 32 : i32
      %parallel_loop3A_455 = arith.constant 1 : i32
      %parallel_loop3A_456:16 = scf.for %parallel_loop3A_894 = %parallel_loop3A_453 to %parallel_loop3A_454 step %parallel_loop3A_455 iter_args(%parallel_loop3A_895 = %broadcast_in_dim3A_2, %parallel_loop3A_896 = %broadcast_in_dim3A_2, %parallel_loop3A_897 = %broadcast_in_dim3A_2, %parallel_loop3A_898 = %broadcast_in_dim3A_2, %parallel_loop3A_899 = %broadcast_in_dim3A_2, %parallel_loop3A_900 = %broadcast_in_dim3A_2, %parallel_loop3A_901 = %broadcast_in_dim3A_2, %parallel_loop3A_902 = %broadcast_in_dim3A_2, %parallel_loop3A_903 = %broadcast_in_dim3A_2, %parallel_loop3A_904 = %broadcast_in_dim3A_2, %parallel_loop3A_905 = %broadcast_in_dim3A_2, %parallel_loop3A_906 = %broadcast_in_dim3A_2, %parallel_loop3A_907 = %broadcast_in_dim3A_2, %parallel_loop3A_908 = %broadcast_in_dim3A_2, %parallel_loop3A_909 = %broadcast_in_dim3A_2, %parallel_loop3A_910 = %broadcast_in_dim3A_2) -> (vector<16xf32>, vector<16xf32>, vector<16xf32>, vector<16xf32>, vector<16xf32>, vector<16xf32>, vector<16xf32>, vector<16xf32>, vector<16xf32>, vector<16xf32>, vector<16xf32>, vector<16xf32>, vector<16xf32>, vector<16xf32>, vector<16xf32>, vector<16xf32>)  : i32 {
        %parallel_loop3A_911 = arith.constant 0 : i32
        %parallel_loop3A_912 = arith.index_cast %parallel_loop3A_911 : i32 to index
        %parallel_loop3A_913 = arith.index_cast %parallel_loop3A_894 : i32 to index
        %parallel_loop3A_914 = arith.constant 512 : index
        %parallel_loop3A_915 = tpu.vector_load %arg4[%parallel_loop3A_912, %parallel_loop3A_913, %parallel_loop3A_914] {strides = array<i32>} : memref<2x32x1024xf32, #tpu.memory_space<vmem>>, vector<1x1x16xf32>,
        %parallel_loop3A_916 = vector.shape_cast %parallel_loop3A_915 : vector<1x1x16xf32> to vector<16xf32>
        %parallel_loop3A_917 = arith.addf %parallel_loop3A_895, %parallel_loop3A_916 : vector<16xf32>
        %parallel_loop3A_918 = arith.constant 0 : i32
        %parallel_loop3A_919 = arith.index_cast %parallel_loop3A_918 : i32 to index
        %parallel_loop3A_920 = arith.index_cast %parallel_loop3A_894 : i32 to index
        %parallel_loop3A_921 = arith.constant 528 : index
        %parallel_loop3A_922 = tpu.vector_load %arg4[%parallel_loop3A_919, %parallel_loop3A_920, %parallel_loop3A_921] {strides = array<i32>} : memref<2x32x1024xf32, #tpu.memory_space<vmem>>, vector<1x1x16xf32>,
        %parallel_loop3A_923 = vector.shape_cast %parallel_loop3A_922 : vector<1x1x16xf32> to vector<16xf32>
        %parallel_loop3A_924 = arith.addf %parallel_loop3A_896, %parallel_loop3A_923 : vector<16xf32>
        %parallel_loop3A_925 = arith.constant 0 : i32
        %parallel_loop3A_926 = arith.index_cast %parallel_loop3A_925 : i32 to index
        %parallel_loop3A_927 = arith.index_cast %parallel_loop3A_894 : i32 to index
        %parallel_loop3A_928 = arith.constant 544 : index
        %parallel_loop3A_929 = tpu.vector_load %arg4[%parallel_loop3A_926, %parallel_loop3A_927, %parallel_loop3A_928] {strides = array<i32>} : memref<2x32x1024xf32, #tpu.memory_space<vmem>>, vector<1x1x16xf32>,
        %parallel_loop3A_930 = vector.shape_cast %parallel_loop3A_929 : vector<1x1x16xf32> to vector<16xf32>
        %parallel_loop3A_931 = arith.addf %parallel_loop3A_897, %parallel_loop3A_930 : vector<16xf32>
        %parallel_loop3A_932 = arith.constant 0 : i32
        %parallel_loop3A_933 = arith.index_cast %parallel_loop3A_932 : i32 to index
        %parallel_loop3A_934 = arith.index_cast %parallel_loop3A_894 : i32 to index
        %parallel_loop3A_935 = arith.constant 560 : index
        %parallel_loop3A_936 = tpu.vector_load %arg4[%parallel_loop3A_933, %parallel_loop3A_934, %parallel_loop3A_935] {strides = array<i32>} : memref<2x32x1024xf32, #tpu.memory_space<vmem>>, vector<1x1x16xf32>,
        %parallel_loop3A_937 = vector.shape_cast %parallel_loop3A_936 : vector<1x1x16xf32> to vector<16xf32>
        %parallel_loop3A_938 = arith.addf %parallel_loop3A_898, %parallel_loop3A_937 : vector<16xf32>
        %parallel_loop3A_939 = arith.constant 0 : i32
        %parallel_loop3A_940 = arith.index_cast %parallel_loop3A_939 : i32 to index
        %parallel_loop3A_941 = arith.index_cast %parallel_loop3A_894 : i32 to index
        %parallel_loop3A_942 = arith.constant 576 : index
        %parallel_loop3A_943 = tpu.vector_load %arg4[%parallel_loop3A_940, %parallel_loop3A_941, %parallel_loop3A_942] {strides = array<i32>} : memref<2x32x1024xf32, #tpu.memory_space<vmem>>, vector<1x1x16xf32>,
        %parallel_loop3A_944 = vector.shape_cast %parallel_loop3A_943 : vector<1x1x16xf32> to vector<16xf32>
        %parallel_loop3A_945 = arith.addf %parallel_loop3A_899, %parallel_loop3A_944 : vector<16xf32>
        %parallel_loop3A_946 = arith.constant 0 : i32
        %parallel_loop3A_947 = arith.index_cast %parallel_loop3A_946 : i32 to index
        %parallel_loop3A_948 = arith.index_cast %parallel_loop3A_894 : i32 to index
        %parallel_loop3A_949 = arith.constant 592 : index
        %parallel_loop3A_950 = tpu.vector_load %arg4[%parallel_loop3A_947, %parallel_loop3A_948, %parallel_loop3A_949] {strides = array<i32>} : memref<2x32x1024xf32, #tpu.memory_space<vmem>>, vector<1x1x16xf32>,
        %parallel_loop3A_951 = vector.shape_cast %parallel_loop3A_950 : vector<1x1x16xf32> to vector<16xf32>
        %parallel_loop3A_952 = arith.addf %parallel_loop3A_900, %parallel_loop3A_951 : vector<16xf32>
        %parallel_loop3A_953 = arith.constant 0 : i32
        %parallel_loop3A_954 = arith.index_cast %parallel_loop3A_953 : i32 to index
        %parallel_loop3A_955 = arith.index_cast %parallel_loop3A_894 : i32 to index
        %parallel_loop3A_956 = arith.constant 608 : index
        %parallel_loop3A_957 = tpu.vector_load %arg4[%parallel_loop3A_954, %parallel_loop3A_955, %parallel_loop3A_956] {strides = array<i32>} : memref<2x32x1024xf32, #tpu.memory_space<vmem>>, vector<1x1x16xf32>,
        %parallel_loop3A_958 = vector.shape_cast %parallel_loop3A_957 : vector<1x1x16xf32> to vector<16xf32>
        %parallel_loop3A_959 = arith.addf %parallel_loop3A_901, %parallel_loop3A_958 : vector<16xf32>
        %parallel_loop3A_960 = arith.constant 0 : i32
        %parallel_loop3A_961 = arith.index_cast %parallel_loop3A_960 : i32 to index
        %parallel_loop3A_962 = arith.index_cast %parallel_loop3A_894 : i32 to index
        %parallel_loop3A_963 = arith.constant 624 : index
        %parallel_loop3A_964 = tpu.vector_load %arg4[%parallel_loop3A_961, %parallel_loop3A_962, %parallel_loop3A_963] {strides = array<i32>} : memref<2x32x1024xf32, #tpu.memory_space<vmem>>, vector<1x1x16xf32>,
        %parallel_loop3A_965 = vector.shape_cast %parallel_loop3A_964 : vector<1x1x16xf32> to vector<16xf32>
        %parallel_loop3A_966 = arith.addf %parallel_loop3A_902, %parallel_loop3A_965 : vector<16xf32>
        %parallel_loop3A_967 = arith.constant 0 : i32
        %parallel_loop3A_968 = arith.index_cast %parallel_loop3A_967 : i32 to index
        %parallel_loop3A_969 = arith.index_cast %parallel_loop3A_894 : i32 to index
        %parallel_loop3A_970 = arith.constant 640 : index
        %parallel_loop3A_971 = tpu.vector_load %arg4[%parallel_loop3A_968, %parallel_loop3A_969, %parallel_loop3A_970] {strides = array<i32>} : memref<2x32x1024xf32, #tpu.memory_space<vmem>>, vector<1x1x16xf32>,
        %parallel_loop3A_972 = vector.shape_cast %parallel_loop3A_971 : vector<1x1x16xf32> to vector<16xf32>
        %parallel_loop3A_973 = arith.addf %parallel_loop3A_903, %parallel_loop3A_972 : vector<16xf32>
        %parallel_loop3A_974 = arith.constant 0 : i32
        %parallel_loop3A_975 = arith.index_cast %parallel_loop3A_974 : i32 to index
        %parallel_loop3A_976 = arith.index_cast %parallel_loop3A_894 : i32 to index
        %parallel_loop3A_977 = arith.constant 656 : index
        %parallel_loop3A_978 = tpu.vector_load %arg4[%parallel_loop3A_975, %parallel_loop3A_976, %parallel_loop3A_977] {strides = array<i32>} : memref<2x32x1024xf32, #tpu.memory_space<vmem>>, vector<1x1x16xf32>,
        %parallel_loop3A_979 = vector.shape_cast %parallel_loop3A_978 : vector<1x1x16xf32> to vector<16xf32>
        %parallel_loop3A_980 = arith.addf %parallel_loop3A_904, %parallel_loop3A_979 : vector<16xf32>
        %parallel_loop3A_981 = arith.constant 0 : i32
        %parallel_loop3A_982 = arith.index_cast %parallel_loop3A_981 : i32 to index
        %parallel_loop3A_983 = arith.index_cast %parallel_loop3A_894 : i32 to index
        %parallel_loop3A_984 = arith.constant 672 : index
        %parallel_loop3A_985 = tpu.vector_load %arg4[%parallel_loop3A_982, %parallel_loop3A_983, %parallel_loop3A_984] {strides = array<i32>} : memref<2x32x1024xf32, #tpu.memory_space<vmem>>, vector<1x1x16xf32>,
        %parallel_loop3A_986 = vector.shape_cast %parallel_loop3A_985 : vector<1x1x16xf32> to vector<16xf32>
        %parallel_loop3A_987 = arith.addf %parallel_loop3A_905, %parallel_loop3A_986 : vector<16xf32>
        %parallel_loop3A_988 = arith.constant 0 : i32
        %parallel_loop3A_989 = arith.index_cast %parallel_loop3A_988 : i32 to index
        %parallel_loop3A_990 = arith.index_cast %parallel_loop3A_894 : i32 to index
        %parallel_loop3A_991 = arith.constant 688 : index
        %parallel_loop3A_992 = tpu.vector_load %arg4[%parallel_loop3A_989, %parallel_loop3A_990, %parallel_loop3A_991] {strides = array<i32>} : memref<2x32x1024xf32, #tpu.memory_space<vmem>>, vector<1x1x16xf32>,
        %parallel_loop3A_993 = vector.shape_cast %parallel_loop3A_992 : vector<1x1x16xf32> to vector<16xf32>
        %parallel_loop3A_994 = arith.addf %parallel_loop3A_906, %parallel_loop3A_993 : vector<16xf32>
        %parallel_loop3A_995 = arith.constant 0 : i32
        %parallel_loop3A_996 = arith.index_cast %parallel_loop3A_995 : i32 to index
        %parallel_loop3A_997 = arith.index_cast %parallel_loop3A_894 : i32 to index
        %parallel_loop3A_998 = arith.constant 704 : index
        %parallel_loop3A_999 = tpu.vector_load %arg4[%parallel_loop3A_996, %parallel_loop3A_997, %parallel_loop3A_998] {strides = array<i32>} : memref<2x32x1024xf32, #tpu.memory_space<vmem>>, vector<1x1x16xf32>,
        %parallel_loop3A_1000 = vector.shape_cast %parallel_loop3A_999 : vector<1x1x16xf32> to vector<16xf32>
        %parallel_loop3A_1001 = arith.addf %parallel_loop3A_907, %parallel_loop3A_1000 : vector<16xf32>
        %parallel_loop3A_1002 = arith.constant 0 : i32
        %parallel_loop3A_1003 = arith.index_cast %parallel_loop3A_1002 : i32 to index
        %parallel_loop3A_1004 = arith.index_cast %parallel_loop3A_894 : i32 to index
        %parallel_loop3A_1005 = arith.constant 720 : index
        %parallel_loop3A_1006 = tpu.vector_load %arg4[%parallel_loop3A_1003, %parallel_loop3A_1004, %parallel_loop3A_1005] {strides = array<i32>} : memref<2x32x1024xf32, #tpu.memory_space<vmem>>, vector<1x1x16xf32>,
        %parallel_loop3A_1007 = vector.shape_cast %parallel_loop3A_1006 : vector<1x1x16xf32> to vector<16xf32>
        %parallel_loop3A_1008 = arith.addf %parallel_loop3A_908, %parallel_loop3A_1007 : vector<16xf32>
        %parallel_loop3A_1009 = arith.constant 0 : i32
        %parallel_loop3A_1010 = arith.index_cast %parallel_loop3A_1009 : i32 to index
        %parallel_loop3A_1011 = arith.index_cast %parallel_loop3A_894 : i32 to index
        %parallel_loop3A_1012 = arith.constant 736 : index
        %parallel_loop3A_1013 = tpu.vector_load %arg4[%parallel_loop3A_1010, %parallel_loop3A_1011, %parallel_loop3A_1012] {strides = array<i32>} : memref<2x32x1024xf32, #tpu.memory_space<vmem>>, vector<1x1x16xf32>,
        %parallel_loop3A_1014 = vector.shape_cast %parallel_loop3A_1013 : vector<1x1x16xf32> to vector<16xf32>
        %parallel_loop3A_1015 = arith.addf %parallel_loop3A_909, %parallel_loop3A_1014 : vector<16xf32>
        %parallel_loop3A_1016 = arith.constant 0 : i32
        %parallel_loop3A_1017 = arith.index_cast %parallel_loop3A_1016 : i32 to index
        %parallel_loop3A_1018 = arith.index_cast %parallel_loop3A_894 : i32 to index
        %parallel_loop3A_1019 = arith.constant 752 : index
        %parallel_loop3A_1020 = tpu.vector_load %arg4[%parallel_loop3A_1017, %parallel_loop3A_1018, %parallel_loop3A_1019] {strides = array<i32>} : memref<2x32x1024xf32, #tpu.memory_space<vmem>>, vector<1x1x16xf32>,
        %parallel_loop3A_1021 = vector.shape_cast %parallel_loop3A_1020 : vector<1x1x16xf32> to vector<16xf32>
        %parallel_loop3A_1022 = arith.addf %parallel_loop3A_910, %parallel_loop3A_1021 : vector<16xf32>
        scf.yield %parallel_loop3A_917, %parallel_loop3A_924, %parallel_loop3A_931, %parallel_loop3A_938, %parallel_loop3A_945, %parallel_loop3A_952, %parallel_loop3A_959, %parallel_loop3A_966, %parallel_loop3A_973, %parallel_loop3A_980, %parallel_loop3A_987, %parallel_loop3A_994, %parallel_loop3A_1001, %parallel_loop3A_1008, %parallel_loop3A_1015, %parallel_loop3A_1022 : vector<16xf32>, vector<16xf32>, vector<16xf32>, vector<16xf32>, vector<16xf32>, vector<16xf32>, vector<16xf32>, vector<16xf32>, vector<16xf32>, vector<16xf32>, vector<16xf32>, vector<16xf32>, vector<16xf32>, vector<16xf32>, vector<16xf32>, vector<16xf32>
      } {sc.loop_unroll_factor = 2 : i64, sc.parallel_access}
      %swap3A_457 = arith.constant 512 : index
      %swap3A_458 = tpu.vector_load %arg5[%swap3A_457] {strides = array<i32>} : memref<1024xf32, #tpu.memory_space<vmem>>, vector<16xf32>,
      %swap3A_459 = vector.shape_cast %swap3A_458 : vector<16xf32> to vector<16xf32>
      %swap3A_460 = vector.shape_cast %parallel_loop3A_456#0 : vector<16xf32> to vector<16xf32>
      tpu.vector_store %arg5[%swap3A_457], %swap3A_460 {add = true, strides = array<i32>} : memref<1024xf32, #tpu.memory_space<vmem>>, vector<16xf32>,
      %swap3A_461 = arith.constant 528 : index
      %swap3A_462 = tpu.vector_load %arg5[%swap3A_461] {strides = array<i32>} : memref<1024xf32, #tpu.memory_space<vmem>>, vector<16xf32>,
      %swap3A_463 = vector.shape_cast %swap3A_462 : vector<16xf32> to vector<16xf32>
      %swap3A_464 = vector.shape_cast %parallel_loop3A_456#1 : vector<16xf32> to vector<16xf32>
      tpu.vector_store %arg5[%swap3A_461], %swap3A_464 {add = true, strides = array<i32>} : memref<1024xf32, #tpu.memory_space<vmem>>, vector<16xf32>,
      %swap3A_465 = arith.constant 544 : index
      %swap3A_466 = tpu.vector_load %arg5[%swap3A_465] {strides = array<i32>} : memref<1024xf32, #tpu.memory_space<vmem>>, vector<16xf32>,
      %swap3A_467 = vector.shape_cast %swap3A_466 : vector<16xf32> to vector<16xf32>
      %swap3A_468 = vector.shape_cast %parallel_loop3A_456#2 : vector<16xf32> to vector<16xf32>
      tpu.vector_store %arg5[%swap3A_465], %swap3A_468 {add = true, strides = array<i32>} : memref<1024xf32, #tpu.memory_space<vmem>>, vector<16xf32>,
      %swap3A_469 = arith.constant 560 : index
      %swap3A_470 = tpu.vector_load %arg5[%swap3A_469] {strides = array<i32>} : memref<1024xf32, #tpu.memory_space<vmem>>, vector<16xf32>,
      %swap3A_471 = vector.shape_cast %swap3A_470 : vector<16xf32> to vector<16xf32>
      %swap3A_472 = vector.shape_cast %parallel_loop3A_456#3 : vector<16xf32> to vector<16xf32>
      tpu.vector_store %arg5[%swap3A_469], %swap3A_472 {add = true, strides = array<i32>} : memref<1024xf32, #tpu.memory_space<vmem>>, vector<16xf32>,
      %swap3A_473 = arith.constant 576 : index
      %swap3A_474 = tpu.vector_load %arg5[%swap3A_473] {strides = array<i32>} : memref<1024xf32, #tpu.memory_space<vmem>>, vector<16xf32>,
      %swap3A_475 = vector.shape_cast %swap3A_474 : vector<16xf32> to vector<16xf32>
      %swap3A_476 = vector.shape_cast %parallel_loop3A_456#4 : vector<16xf32> to vector<16xf32>
      tpu.vector_store %arg5[%swap3A_473], %swap3A_476 {add = true, strides = array<i32>} : memref<1024xf32, #tpu.memory_space<vmem>>, vector<16xf32>,
      %swap3A_477 = arith.constant 592 : index
      %swap3A_478 = tpu.vector_load %arg5[%swap3A_477] {strides = array<i32>} : memref<1024xf32, #tpu.memory_space<vmem>>, vector<16xf32>,
      %swap3A_479 = vector.shape_cast %swap3A_478 : vector<16xf32> to vector<16xf32>
      %swap3A_480 = vector.shape_cast %parallel_loop3A_456#5 : vector<16xf32> to vector<16xf32>
      tpu.vector_store %arg5[%swap3A_477], %swap3A_480 {add = true, strides = array<i32>} : memref<1024xf32, #tpu.memory_space<vmem>>, vector<16xf32>,
      %swap3A_481 = arith.constant 608 : index
      %swap3A_482 = tpu.vector_load %arg5[%swap3A_481] {strides = array<i32>} : memref<1024xf32, #tpu.memory_space<vmem>>, vector<16xf32>,
      %swap3A_483 = vector.shape_cast %swap3A_482 : vector<16xf32> to vector<16xf32>
      %swap3A_484 = vector.shape_cast %parallel_loop3A_456#6 : vector<16xf32> to vector<16xf32>
      tpu.vector_store %arg5[%swap3A_481], %swap3A_484 {add = true, strides = array<i32>} : memref<1024xf32, #tpu.memory_space<vmem>>, vector<16xf32>,
      %swap3A_485 = arith.constant 624 : index
      %swap3A_486 = tpu.vector_load %arg5[%swap3A_485] {strides = array<i32>} : memref<1024xf32, #tpu.memory_space<vmem>>, vector<16xf32>,
      %swap3A_487 = vector.shape_cast %swap3A_486 : vector<16xf32> to vector<16xf32>
      %swap3A_488 = vector.shape_cast %parallel_loop3A_456#7 : vector<16xf32> to vector<16xf32>
      tpu.vector_store %arg5[%swap3A_485], %swap3A_488 {add = true, strides = array<i32>} : memref<1024xf32, #tpu.memory_space<vmem>>, vector<16xf32>,
      %swap3A_489 = arith.constant 640 : index
      %swap3A_490 = tpu.vector_load %arg5[%swap3A_489] {strides = array<i32>} : memref<1024xf32, #tpu.memory_space<vmem>>, vector<16xf32>,
      %swap3A_491 = vector.shape_cast %swap3A_490 : vector<16xf32> to vector<16xf32>
      %swap3A_492 = vector.shape_cast %parallel_loop3A_456#8 : vector<16xf32> to vector<16xf32>
      tpu.vector_store %arg5[%swap3A_489], %swap3A_492 {add = true, strides = array<i32>} : memref<1024xf32, #tpu.memory_space<vmem>>, vector<16xf32>,
      %swap3A_493 = arith.constant 656 : index
      %swap3A_494 = tpu.vector_load %arg5[%swap3A_493] {strides = array<i32>} : memref<1024xf32, #tpu.memory_space<vmem>>, vector<16xf32>,
      %swap3A_495 = vector.shape_cast %swap3A_494 : vector<16xf32> to vector<16xf32>
      %swap3A_496 = vector.shape_cast %parallel_loop3A_456#9 : vector<16xf32> to vector<16xf32>
      tpu.vector_store %arg5[%swap3A_493], %swap3A_496 {add = true, strides = array<i32>} : memref<1024xf32, #tpu.memory_space<vmem>>, vector<16xf32>,
      %swap3A_497 = arith.constant 672 : index
      %swap3A_498 = tpu.vector_load %arg5[%swap3A_497] {strides = array<i32>} : memref<1024xf32, #tpu.memory_space<vmem>>, vector<16xf32>,
      %swap3A_499 = vector.shape_cast %swap3A_498 : vector<16xf32> to vector<16xf32>
      %swap3A_500 = vector.shape_cast %parallel_loop3A_456#10 : vector<16xf32> to vector<16xf32>
      tpu.vector_store %arg5[%swap3A_497], %swap3A_500 {add = true, strides = array<i32>} : memref<1024xf32, #tpu.memory_space<vmem>>, vector<16xf32>,
      %swap3A_501 = arith.constant 688 : index
      %swap3A_502 = tpu.vector_load %arg5[%swap3A_501] {strides = array<i32>} : memref<1024xf32, #tpu.memory_space<vmem>>, vector<16xf32>,
      %swap3A_503 = vector.shape_cast %swap3A_502 : vector<16xf32> to vector<16xf32>
      %swap3A_504 = vector.shape_cast %parallel_loop3A_456#11 : vector<16xf32> to vector<16xf32>
      tpu.vector_store %arg5[%swap3A_501], %swap3A_504 {add = true, strides = array<i32>} : memref<1024xf32, #tpu.memory_space<vmem>>, vector<16xf32>,
      %swap3A_505 = arith.constant 704 : index
      %swap3A_506 = tpu.vector_load %arg5[%swap3A_505] {strides = array<i32>} : memref<1024xf32, #tpu.memory_space<vmem>>, vector<16xf32>,
      %swap3A_507 = vector.shape_cast %swap3A_506 : vector<16xf32> to vector<16xf32>
      %swap3A_508 = vector.shape_cast %parallel_loop3A_456#12 : vector<16xf32> to vector<16xf32>
      tpu.vector_store %arg5[%swap3A_505], %swap3A_508 {add = true, strides = array<i32>} : memref<1024xf32, #tpu.memory_space<vmem>>, vector<16xf32>,
      %swap3A_509 = arith.constant 720 : index
      %swap3A_510 = tpu.vector_load %arg5[%swap3A_509] {strides = array<i32>} : memref<1024xf32, #tpu.memory_space<vmem>>, vector<16xf32>,
      %swap3A_511 = vector.shape_cast %swap3A_510 : vector<16xf32> to vector<16xf32>
      %swap3A_512 = vector.shape_cast %parallel_loop3A_456#13 : vector<16xf32> to vector<16xf32>
      tpu.vector_store %arg5[%swap3A_509], %swap3A_512 {add = true, strides = array<i32>} : memref<1024xf32, #tpu.memory_space<vmem>>, vector<16xf32>,
      %swap3A_513 = arith.constant 736 : index
      %swap3A_514 = tpu.vector_load %arg5[%swap3A_513] {strides = array<i32>} : memref<1024xf32, #tpu.memory_space<vmem>>, vector<16xf32>,
      %swap3A_515 = vector.shape_cast %swap3A_514 : vector<16xf32> to vector<16xf32>
      %swap3A_516 = vector.shape_cast %parallel_loop3A_456#14 : vector<16xf32> to vector<16xf32>
      tpu.vector_store %arg5[%swap3A_513], %swap3A_516 {add = true, strides = array<i32>} : memref<1024xf32, #tpu.memory_space<vmem>>, vector<16xf32>,
      %swap3A_517 = arith.constant 752 : index
      %swap3A_518 = tpu.vector_load %arg5[%swap3A_517] {strides = array<i32>} : memref<1024xf32, #tpu.memory_space<vmem>>, vector<16xf32>,
      %swap3A_519 = vector.shape_cast %swap3A_518 : vector<16xf32> to vector<16xf32>
      %swap3A_520 = vector.shape_cast %parallel_loop3A_456#15 : vector<16xf32> to vector<16xf32>
      tpu.vector_store %arg5[%swap3A_517], %swap3A_520 {add = true, strides = array<i32>} : memref<1024xf32, #tpu.memory_space<vmem>>, vector<16xf32>,
      %parallel_loop3A_521 = arith.constant 0 : i32
      %parallel_loop3A_522 = arith.constant 32 : i32
      %parallel_loop3A_523 = arith.constant 1 : i32
      %parallel_loop3A_524:16 = scf.for %parallel_loop3A_894 = %parallel_loop3A_521 to %parallel_loop3A_522 step %parallel_loop3A_523 iter_args(%parallel_loop3A_895 = %broadcast_in_dim3A_2, %parallel_loop3A_896 = %broadcast_in_dim3A_2, %parallel_loop3A_897 = %broadcast_in_dim3A_2, %parallel_loop3A_898 = %broadcast_in_dim3A_2, %parallel_loop3A_899 = %broadcast_in_dim3A_2, %parallel_loop3A_900 = %broadcast_in_dim3A_2, %parallel_loop3A_901 = %broadcast_in_dim3A_2, %parallel_loop3A_902 = %broadcast_in_dim3A_2, %parallel_loop3A_903 = %broadcast_in_dim3A_2, %parallel_loop3A_904 = %broadcast_in_dim3A_2, %parallel_loop3A_905 = %broadcast_in_dim3A_2, %parallel_loop3A_906 = %broadcast_in_dim3A_2, %parallel_loop3A_907 = %broadcast_in_dim3A_2, %parallel_loop3A_908 = %broadcast_in_dim3A_2, %parallel_loop3A_909 = %broadcast_in_dim3A_2, %parallel_loop3A_910 = %broadcast_in_dim3A_2) -> (vector<16xf32>, vector<16xf32>, vector<16xf32>, vector<16xf32>, vector<16xf32>, vector<16xf32>, vector<16xf32>, vector<16xf32>, vector<16xf32>, vector<16xf32>, vector<16xf32>, vector<16xf32>, vector<16xf32>, vector<16xf32>, vector<16xf32>, vector<16xf32>)  : i32 {
        %parallel_loop3A_911 = arith.constant 0 : i32
        %parallel_loop3A_912 = arith.index_cast %parallel_loop3A_911 : i32 to index
        %parallel_loop3A_913 = arith.index_cast %parallel_loop3A_894 : i32 to index
        %parallel_loop3A_914 = arith.constant 768 : index
        %parallel_loop3A_915 = tpu.vector_load %arg4[%parallel_loop3A_912, %parallel_loop3A_913, %parallel_loop3A_914] {strides = array<i32>} : memref<2x32x1024xf32, #tpu.memory_space<vmem>>, vector<1x1x16xf32>,
        %parallel_loop3A_916 = vector.shape_cast %parallel_loop3A_915 : vector<1x1x16xf32> to vector<16xf32>
        %parallel_loop3A_917 = arith.addf %parallel_loop3A_895, %parallel_loop3A_916 : vector<16xf32>
        %parallel_loop3A_918 = arith.constant 0 : i32
        %parallel_loop3A_919 = arith.index_cast %parallel_loop3A_918 : i32 to index
        %parallel_loop3A_920 = arith.index_cast %parallel_loop3A_894 : i32 to index
        %parallel_loop3A_921 = arith.constant 784 : index
        %parallel_loop3A_922 = tpu.vector_load %arg4[%parallel_loop3A_919, %parallel_loop3A_920, %parallel_loop3A_921] {strides = array<i32>} : memref<2x32x1024xf32, #tpu.memory_space<vmem>>, vector<1x1x16xf32>,
        %parallel_loop3A_923 = vector.shape_cast %parallel_loop3A_922 : vector<1x1x16xf32> to vector<16xf32>
        %parallel_loop3A_924 = arith.addf %parallel_loop3A_896, %parallel_loop3A_923 : vector<16xf32>
        %parallel_loop3A_925 = arith.constant 0 : i32
        %parallel_loop3A_926 = arith.index_cast %parallel_loop3A_925 : i32 to index
        %parallel_loop3A_927 = arith.index_cast %parallel_loop3A_894 : i32 to index
        %parallel_loop3A_928 = arith.constant 800 : index
        %parallel_loop3A_929 = tpu.vector_load %arg4[%parallel_loop3A_926, %parallel_loop3A_927, %parallel_loop3A_928] {strides = array<i32>} : memref<2x32x1024xf32, #tpu.memory_space<vmem>>, vector<1x1x16xf32>,
        %parallel_loop3A_930 = vector.shape_cast %parallel_loop3A_929 : vector<1x1x16xf32> to vector<16xf32>
        %parallel_loop3A_931 = arith.addf %parallel_loop3A_897, %parallel_loop3A_930 : vector<16xf32>
        %parallel_loop3A_932 = arith.constant 0 : i32
        %parallel_loop3A_933 = arith.index_cast %parallel_loop3A_932 : i32 to index
        %parallel_loop3A_934 = arith.index_cast %parallel_loop3A_894 : i32 to index
        %parallel_loop3A_935 = arith.constant 816 : index
        %parallel_loop3A_936 = tpu.vector_load %arg4[%parallel_loop3A_933, %parallel_loop3A_934, %parallel_loop3A_935] {strides = array<i32>} : memref<2x32x1024xf32, #tpu.memory_space<vmem>>, vector<1x1x16xf32>,
        %parallel_loop3A_937 = vector.shape_cast %parallel_loop3A_936 : vector<1x1x16xf32> to vector<16xf32>
        %parallel_loop3A_938 = arith.addf %parallel_loop3A_898, %parallel_loop3A_937 : vector<16xf32>
        %parallel_loop3A_939 = arith.constant 0 : i32
        %parallel_loop3A_940 = arith.index_cast %parallel_loop3A_939 : i32 to index
        %parallel_loop3A_941 = arith.index_cast %parallel_loop3A_894 : i32 to index
        %parallel_loop3A_942 = arith.constant 832 : index
        %parallel_loop3A_943 = tpu.vector_load %arg4[%parallel_loop3A_940, %parallel_loop3A_941, %parallel_loop3A_942] {strides = array<i32>} : memref<2x32x1024xf32, #tpu.memory_space<vmem>>, vector<1x1x16xf32>,
        %parallel_loop3A_944 = vector.shape_cast %parallel_loop3A_943 : vector<1x1x16xf32> to vector<16xf32>
        %parallel_loop3A_945 = arith.addf %parallel_loop3A_899, %parallel_loop3A_944 : vector<16xf32>
        %parallel_loop3A_946 = arith.constant 0 : i32
        %parallel_loop3A_947 = arith.index_cast %parallel_loop3A_946 : i32 to index
        %parallel_loop3A_948 = arith.index_cast %parallel_loop3A_894 : i32 to index
        %parallel_loop3A_949 = arith.constant 848 : index
        %parallel_loop3A_950 = tpu.vector_load %arg4[%parallel_loop3A_947, %parallel_loop3A_948, %parallel_loop3A_949] {strides = array<i32>} : memref<2x32x1024xf32, #tpu.memory_space<vmem>>, vector<1x1x16xf32>,
        %parallel_loop3A_951 = vector.shape_cast %parallel_loop3A_950 : vector<1x1x16xf32> to vector<16xf32>
        %parallel_loop3A_952 = arith.addf %parallel_loop3A_900, %parallel_loop3A_951 : vector<16xf32>
        %parallel_loop3A_953 = arith.constant 0 : i32
        %parallel_loop3A_954 = arith.index_cast %parallel_loop3A_953 : i32 to index
        %parallel_loop3A_955 = arith.index_cast %parallel_loop3A_894 : i32 to index
        %parallel_loop3A_956 = arith.constant 864 : index
        %parallel_loop3A_957 = tpu.vector_load %arg4[%parallel_loop3A_954, %parallel_loop3A_955, %parallel_loop3A_956] {strides = array<i32>} : memref<2x32x1024xf32, #tpu.memory_space<vmem>>, vector<1x1x16xf32>,
        %parallel_loop3A_958 = vector.shape_cast %parallel_loop3A_957 : vector<1x1x16xf32> to vector<16xf32>
        %parallel_loop3A_959 = arith.addf %parallel_loop3A_901, %parallel_loop3A_958 : vector<16xf32>
        %parallel_loop3A_960 = arith.constant 0 : i32
        %parallel_loop3A_961 = arith.index_cast %parallel_loop3A_960 : i32 to index
        %parallel_loop3A_962 = arith.index_cast %parallel_loop3A_894 : i32 to index
        %parallel_loop3A_963 = arith.constant 880 : index
        %parallel_loop3A_964 = tpu.vector_load %arg4[%parallel_loop3A_961, %parallel_loop3A_962, %parallel_loop3A_963] {strides = array<i32>} : memref<2x32x1024xf32, #tpu.memory_space<vmem>>, vector<1x1x16xf32>,
        %parallel_loop3A_965 = vector.shape_cast %parallel_loop3A_964 : vector<1x1x16xf32> to vector<16xf32>
        %parallel_loop3A_966 = arith.addf %parallel_loop3A_902, %parallel_loop3A_965 : vector<16xf32>
        %parallel_loop3A_967 = arith.constant 0 : i32
        %parallel_loop3A_968 = arith.index_cast %parallel_loop3A_967 : i32 to index
        %parallel_loop3A_969 = arith.index_cast %parallel_loop3A_894 : i32 to index
        %parallel_loop3A_970 = arith.constant 896 : index
        %parallel_loop3A_971 = tpu.vector_load %arg4[%parallel_loop3A_968, %parallel_loop3A_969, %parallel_loop3A_970] {strides = array<i32>} : memref<2x32x1024xf32, #tpu.memory_space<vmem>>, vector<1x1x16xf32>,
        %parallel_loop3A_972 = vector.shape_cast %parallel_loop3A_971 : vector<1x1x16xf32> to vector<16xf32>
        %parallel_loop3A_973 = arith.addf %parallel_loop3A_903, %parallel_loop3A_972 : vector<16xf32>
        %parallel_loop3A_974 = arith.constant 0 : i32
        %parallel_loop3A_975 = arith.index_cast %parallel_loop3A_974 : i32 to index
        %parallel_loop3A_976 = arith.index_cast %parallel_loop3A_894 : i32 to index
        %parallel_loop3A_977 = arith.constant 912 : index
        %parallel_loop3A_978 = tpu.vector_load %arg4[%parallel_loop3A_975, %parallel_loop3A_976, %parallel_loop3A_977] {strides = array<i32>} : memref<2x32x1024xf32, #tpu.memory_space<vmem>>, vector<1x1x16xf32>,
        %parallel_loop3A_979 = vector.shape_cast %parallel_loop3A_978 : vector<1x1x16xf32> to vector<16xf32>
        %parallel_loop3A_980 = arith.addf %parallel_loop3A_904, %parallel_loop3A_979 : vector<16xf32>
        %parallel_loop3A_981 = arith.constant 0 : i32
        %parallel_loop3A_982 = arith.index_cast %parallel_loop3A_981 : i32 to index
        %parallel_loop3A_983 = arith.index_cast %parallel_loop3A_894 : i32 to index
        %parallel_loop3A_984 = arith.constant 928 : index
        %parallel_loop3A_985 = tpu.vector_load %arg4[%parallel_loop3A_982, %parallel_loop3A_983, %parallel_loop3A_984] {strides = array<i32>} : memref<2x32x1024xf32, #tpu.memory_space<vmem>>, vector<1x1x16xf32>,
        %parallel_loop3A_986 = vector.shape_cast %parallel_loop3A_985 : vector<1x1x16xf32> to vector<16xf32>
        %parallel_loop3A_987 = arith.addf %parallel_loop3A_905, %parallel_loop3A_986 : vector<16xf32>
        %parallel_loop3A_988 = arith.constant 0 : i32
        %parallel_loop3A_989 = arith.index_cast %parallel_loop3A_988 : i32 to index
        %parallel_loop3A_990 = arith.index_cast %parallel_loop3A_894 : i32 to index
        %parallel_loop3A_991 = arith.constant 944 : index
        %parallel_loop3A_992 = tpu.vector_load %arg4[%parallel_loop3A_989, %parallel_loop3A_990, %parallel_loop3A_991] {strides = array<i32>} : memref<2x32x1024xf32, #tpu.memory_space<vmem>>, vector<1x1x16xf32>,
        %parallel_loop3A_993 = vector.shape_cast %parallel_loop3A_992 : vector<1x1x16xf32> to vector<16xf32>
        %parallel_loop3A_994 = arith.addf %parallel_loop3A_906, %parallel_loop3A_993 : vector<16xf32>
        %parallel_loop3A_995 = arith.constant 0 : i32
        %parallel_loop3A_996 = arith.index_cast %parallel_loop3A_995 : i32 to index
        %parallel_loop3A_997 = arith.index_cast %parallel_loop3A_894 : i32 to index
        %parallel_loop3A_998 = arith.constant 960 : index
        %parallel_loop3A_999 = tpu.vector_load %arg4[%parallel_loop3A_996, %parallel_loop3A_997, %parallel_loop3A_998] {strides = array<i32>} : memref<2x32x1024xf32, #tpu.memory_space<vmem>>, vector<1x1x16xf32>,
        %parallel_loop3A_1000 = vector.shape_cast %parallel_loop3A_999 : vector<1x1x16xf32> to vector<16xf32>
        %parallel_loop3A_1001 = arith.addf %parallel_loop3A_907, %parallel_loop3A_1000 : vector<16xf32>
        %parallel_loop3A_1002 = arith.constant 0 : i32
        %parallel_loop3A_1003 = arith.index_cast %parallel_loop3A_1002 : i32 to index
        %parallel_loop3A_1004 = arith.index_cast %parallel_loop3A_894 : i32 to index
        %parallel_loop3A_1005 = arith.constant 976 : index
        %parallel_loop3A_1006 = tpu.vector_load %arg4[%parallel_loop3A_1003, %parallel_loop3A_1004, %parallel_loop3A_1005] {strides = array<i32>} : memref<2x32x1024xf32, #tpu.memory_space<vmem>>, vector<1x1x16xf32>,
        %parallel_loop3A_1007 = vector.shape_cast %parallel_loop3A_1006 : vector<1x1x16xf32> to vector<16xf32>
        %parallel_loop3A_1008 = arith.addf %parallel_loop3A_908, %parallel_loop3A_1007 : vector<16xf32>
        %parallel_loop3A_1009 = arith.constant 0 : i32
        %parallel_loop3A_1010 = arith.index_cast %parallel_loop3A_1009 : i32 to index
        %parallel_loop3A_1011 = arith.index_cast %parallel_loop3A_894 : i32 to index
        %parallel_loop3A_1012 = arith.constant 992 : index
        %parallel_loop3A_1013 = tpu.vector_load %arg4[%parallel_loop3A_1010, %parallel_loop3A_1011, %parallel_loop3A_1012] {strides = array<i32>} : memref<2x32x1024xf32, #tpu.memory_space<vmem>>, vector<1x1x16xf32>,
        %parallel_loop3A_1014 = vector.shape_cast %parallel_loop3A_1013 : vector<1x1x16xf32> to vector<16xf32>
        %parallel_loop3A_1015 = arith.addf %parallel_loop3A_909, %parallel_loop3A_1014 : vector<16xf32>
        %parallel_loop3A_1016 = arith.constant 0 : i32
        %parallel_loop3A_1017 = arith.index_cast %parallel_loop3A_1016 : i32 to index
        %parallel_loop3A_1018 = arith.index_cast %parallel_loop3A_894 : i32 to index
        %parallel_loop3A_1019 = arith.constant 1008 : index
        %parallel_loop3A_1020 = tpu.vector_load %arg4[%parallel_loop3A_1017, %parallel_loop3A_1018, %parallel_loop3A_1019] {strides = array<i32>} : memref<2x32x1024xf32, #tpu.memory_space<vmem>>, vector<1x1x16xf32>,
        %parallel_loop3A_1021 = vector.shape_cast %parallel_loop3A_1020 : vector<1x1x16xf32> to vector<16xf32>
        %parallel_loop3A_1022 = arith.addf %parallel_loop3A_910, %parallel_loop3A_1021 : vector<16xf32>
        scf.yield %parallel_loop3A_917, %parallel_loop3A_924, %parallel_loop3A_931, %parallel_loop3A_938, %parallel_loop3A_945, %parallel_loop3A_952, %parallel_loop3A_959, %parallel_loop3A_966, %parallel_loop3A_973, %parallel_loop3A_980, %parallel_loop3A_987, %parallel_loop3A_994, %parallel_loop3A_1001, %parallel_loop3A_1008, %parallel_loop3A_1015, %parallel_loop3A_1022 : vector<16xf32>, vector<16xf32>, vector<16xf32>, vector<16xf32>, vector<16xf32>, vector<16xf32>, vector<16xf32>, vector<16xf32>, vector<16xf32>, vector<16xf32>, vector<16xf32>, vector<16xf32>, vector<16xf32>, vector<16xf32>, vector<16xf32>, vector<16xf32>
      } {sc.loop_unroll_factor = 2 : i64, sc.parallel_access}
      %swap3A_525 = arith.constant 768 : index
      %swap3A_526 = tpu.vector_load %arg5[%swap3A_525] {strides = array<i32>} : memref<1024xf32, #tpu.memory_space<vmem>>, vector<16xf32>,
      %swap3A_527 = vector.shape_cast %swap3A_526 : vector<16xf32> to vector<16xf32>
      %swap3A_528 = vector.shape_cast %parallel_loop3A_524#0 : vector<16xf32> to vector<16xf32>
      tpu.vector_store %arg5[%swap3A_525], %swap3A_528 {add = true, strides = array<i32>} : memref<1024xf32, #tpu.memory_space<vmem>>, vector<16xf32>,
      %swap3A_529 = arith.constant 784 : index
      %swap3A_530 = tpu.vector_load %arg5[%swap3A_529] {strides = array<i32>} : memref<1024xf32, #tpu.memory_space<vmem>>, vector<16xf32>,
      %swap3A_531 = vector.shape_cast %swap3A_530 : vector<16xf32> to vector<16xf32>
      %swap3A_532 = vector.shape_cast %parallel_loop3A_524#1 : vector<16xf32> to vector<16xf32>
      tpu.vector_store %arg5[%swap3A_529], %swap3A_532 {add = true, strides = array<i32>} : memref<1024xf32, #tpu.memory_space<vmem>>, vector<16xf32>,
      %swap3A_533 = arith.constant 800 : index
      %swap3A_534 = tpu.vector_load %arg5[%swap3A_533] {strides = array<i32>} : memref<1024xf32, #tpu.memory_space<vmem>>, vector<16xf32>,
      %swap3A_535 = vector.shape_cast %swap3A_534 : vector<16xf32> to vector<16xf32>
      %swap3A_536 = vector.shape_cast %parallel_loop3A_524#2 : vector<16xf32> to vector<16xf32>
      tpu.vector_store %arg5[%swap3A_533], %swap3A_536 {add = true, strides = array<i32>} : memref<1024xf32, #tpu.memory_space<vmem>>, vector<16xf32>,
      %swap3A_537 = arith.constant 816 : index
      %swap3A_538 = tpu.vector_load %arg5[%swap3A_537] {strides = array<i32>} : memref<1024xf32, #tpu.memory_space<vmem>>, vector<16xf32>,
      %swap3A_539 = vector.shape_cast %swap3A_538 : vector<16xf32> to vector<16xf32>
      %swap3A_540 = vector.shape_cast %parallel_loop3A_524#3 : vector<16xf32> to vector<16xf32>
      tpu.vector_store %arg5[%swap3A_537], %swap3A_540 {add = true, strides = array<i32>} : memref<1024xf32, #tpu.memory_space<vmem>>, vector<16xf32>,
      %swap3A_541 = arith.constant 832 : index
      %swap3A_542 = tpu.vector_load %arg5[%swap3A_541] {strides = array<i32>} : memref<1024xf32, #tpu.memory_space<vmem>>, vector<16xf32>,
      %swap3A_543 = vector.shape_cast %swap3A_542 : vector<16xf32> to vector<16xf32>
      %swap3A_544 = vector.shape_cast %parallel_loop3A_524#4 : vector<16xf32> to vector<16xf32>
      tpu.vector_store %arg5[%swap3A_541], %swap3A_544 {add = true, strides = array<i32>} : memref<1024xf32, #tpu.memory_space<vmem>>, vector<16xf32>,
      %swap3A_545 = arith.constant 848 : index
      %swap3A_546 = tpu.vector_load %arg5[%swap3A_545] {strides = array<i32>} : memref<1024xf32, #tpu.memory_space<vmem>>, vector<16xf32>,
      %swap3A_547 = vector.shape_cast %swap3A_546 : vector<16xf32> to vector<16xf32>
      %swap3A_548 = vector.shape_cast %parallel_loop3A_524#5 : vector<16xf32> to vector<16xf32>
      tpu.vector_store %arg5[%swap3A_545], %swap3A_548 {add = true, strides = array<i32>} : memref<1024xf32, #tpu.memory_space<vmem>>, vector<16xf32>,
      %swap3A_549 = arith.constant 864 : index
      %swap3A_550 = tpu.vector_load %arg5[%swap3A_549] {strides = array<i32>} : memref<1024xf32, #tpu.memory_space<vmem>>, vector<16xf32>,
      %swap3A_551 = vector.shape_cast %swap3A_550 : vector<16xf32> to vector<16xf32>
      %swap3A_552 = vector.shape_cast %parallel_loop3A_524#6 : vector<16xf32> to vector<16xf32>
      tpu.vector_store %arg5[%swap3A_549], %swap3A_552 {add = true, strides = array<i32>} : memref<1024xf32, #tpu.memory_space<vmem>>, vector<16xf32>,
      %swap3A_553 = arith.constant 880 : index
      %swap3A_554 = tpu.vector_load %arg5[%swap3A_553] {strides = array<i32>} : memref<1024xf32, #tpu.memory_space<vmem>>, vector<16xf32>,
      %swap3A_555 = vector.shape_cast %swap3A_554 : vector<16xf32> to vector<16xf32>
      %swap3A_556 = vector.shape_cast %parallel_loop3A_524#7 : vector<16xf32> to vector<16xf32>
      tpu.vector_store %arg5[%swap3A_553], %swap3A_556 {add = true, strides = array<i32>} : memref<1024xf32, #tpu.memory_space<vmem>>, vector<16xf32>,
      %swap3A_557 = arith.constant 896 : index
      %swap3A_558 = tpu.vector_load %arg5[%swap3A_557] {strides = array<i32>} : memref<1024xf32, #tpu.memory_space<vmem>>, vector<16xf32>,
      %swap3A_559 = vector.shape_cast %swap3A_558 : vector<16xf32> to vector<16xf32>
      %swap3A_560 = vector.shape_cast %parallel_loop3A_524#8 : vector<16xf32> to vector<16xf32>
      tpu.vector_store %arg5[%swap3A_557], %swap3A_560 {add = true, strides = array<i32>} : memref<1024xf32, #tpu.memory_space<vmem>>, vector<16xf32>,
      %swap3A_561 = arith.constant 912 : index
      %swap3A_562 = tpu.vector_load %arg5[%swap3A_561] {strides = array<i32>} : memref<1024xf32, #tpu.memory_space<vmem>>, vector<16xf32>,
      %swap3A_563 = vector.shape_cast %swap3A_562 : vector<16xf32> to vector<16xf32>
      %swap3A_564 = vector.shape_cast %parallel_loop3A_524#9 : vector<16xf32> to vector<16xf32>
      tpu.vector_store %arg5[%swap3A_561], %swap3A_564 {add = true, strides = array<i32>} : memref<1024xf32, #tpu.memory_space<vmem>>, vector<16xf32>,
      %swap3A_565 = arith.constant 928 : index
      %swap3A_566 = tpu.vector_load %arg5[%swap3A_565] {strides = array<i32>} : memref<1024xf32, #tpu.memory_space<vmem>>, vector<16xf32>,
      %swap3A_567 = vector.shape_cast %swap3A_566 : vector<16xf32> to vector<16xf32>
      %swap3A_568 = vector.shape_cast %parallel_loop3A_524#10 : vector<16xf32> to vector<16xf32>
      tpu.vector_store %arg5[%swap3A_565], %swap3A_568 {add = true, strides = array<i32>} : memref<1024xf32, #tpu.memory_space<vmem>>, vector<16xf32>,
      %swap3A_569 = arith.constant 944 : index
      %swap3A_570 = tpu.vector_load %arg5[%swap3A_569] {strides = array<i32>} : memref<1024xf32, #tpu.memory_space<vmem>>, vector<16xf32>,
      %swap3A_571 = vector.shape_cast %swap3A_570 : vector<16xf32> to vector<16xf32>
      %swap3A_572 = vector.shape_cast %parallel_loop3A_524#11 : vector<16xf32> to vector<16xf32>
      tpu.vector_store %arg5[%swap3A_569], %swap3A_572 {add = true, strides = array<i32>} : memref<1024xf32, #tpu.memory_space<vmem>>, vector<16xf32>,
      %swap3A_573 = arith.constant 960 : index
      %swap3A_574 = tpu.vector_load %arg5[%swap3A_573] {strides = array<i32>} : memref<1024xf32, #tpu.memory_space<vmem>>, vector<16xf32>,
      %swap3A_575 = vector.shape_cast %swap3A_574 : vector<16xf32> to vector<16xf32>
      %swap3A_576 = vector.shape_cast %parallel_loop3A_524#12 : vector<16xf32> to vector<16xf32>
      tpu.vector_store %arg5[%swap3A_573], %swap3A_576 {add = true, strides = array<i32>} : memref<1024xf32, #tpu.memory_space<vmem>>, vector<16xf32>,
      %swap3A_577 = arith.constant 976 : index
      %swap3A_578 = tpu.vector_load %arg5[%swap3A_577] {strides = array<i32>} : memref<1024xf32, #tpu.memory_space<vmem>>, vector<16xf32>,
      %swap3A_579 = vector.shape_cast %swap3A_578 : vector<16xf32> to vector<16xf32>
      %swap3A_580 = vector.shape_cast %parallel_loop3A_524#13 : vector<16xf32> to vector<16xf32>
      tpu.vector_store %arg5[%swap3A_577], %swap3A_580 {add = true, strides = array<i32>} : memref<1024xf32, #tpu.memory_space<vmem>>, vector<16xf32>,
      %swap3A_581 = arith.constant 992 : index
      %swap3A_582 = tpu.vector_load %arg5[%swap3A_581] {strides = array<i32>} : memref<1024xf32, #tpu.memory_space<vmem>>, vector<16xf32>,
      %swap3A_583 = vector.shape_cast %swap3A_582 : vector<16xf32> to vector<16xf32>
      %swap3A_584 = vector.shape_cast %parallel_loop3A_524#14 : vector<16xf32> to vector<16xf32>
      tpu.vector_store %arg5[%swap3A_581], %swap3A_584 {add = true, strides = array<i32>} : memref<1024xf32, #tpu.memory_space<vmem>>, vector<16xf32>,
      %swap3A_585 = arith.constant 1008 : index
      %swap3A_586 = tpu.vector_load %arg5[%swap3A_585] {strides = array<i32>} : memref<1024xf32, #tpu.memory_space<vmem>>, vector<16xf32>,
      %swap3A_587 = vector.shape_cast %swap3A_586 : vector<16xf32> to vector<16xf32>
      %swap3A_588 = vector.shape_cast %parallel_loop3A_524#15 : vector<16xf32> to vector<16xf32>
      tpu.vector_store %arg5[%swap3A_585], %swap3A_588 {add = true, strides = array<i32>} : memref<1024xf32, #tpu.memory_space<vmem>>, vector<16xf32>,
      %add3A_589 = arith.constant 2 : i32
      %add3A_590 = arith.addi %add3A_300, %add3A_589 : i32
      %lt3A = arith.constant 12 : i32
      %lt3A_591 = arith.cmpi slt, %add3A_590, %lt3A : i32
      %convert_element_type3A = arith.extui %lt3A_591 : i1 to i32
      %cond3A = arith.constant 0 : i32
      %cond3A_592 = arith.cmpi ne, %convert_element_type3A, %cond3A : i32
      scf.if %cond3A_592 {
        %add3A_894 = arith.constant 2 : i32
        %add3A_895 = arith.addi %add3A_300, %add3A_894 : i32
        %mul3A_896 = arith.constant 32 : i32
        %mul3A_897 = arith.muli %add3A_895, %mul3A_896 : i32
        %add3A_898 = arith.addi %add3A_1, %mul3A_897 : i32
        %dma_start3A_899 = arith.constant 0 : i32
        %dma_start3A_900 = arith.constant 0 : i32
        %dma_start3A_901 = arith.constant 0 : i32
        %dma_start3A_902 = tpu.memref_slice %arg4[%dma_start3A_899, %dma_start3A_900, %dma_start3A_901] : memref<2x32x1024xf32, #tpu.memory_space<vmem>> -> memref<1x32x1024xf32, #tpu.memory_space<vmem>>
        %dma_start3A_903 = tpu.memref_squeeze %dma_start3A_902 : memref<1x32x1024xf32, #tpu.memory_space<vmem>> -> memref<32x1024xf32, #tpu.memory_space<vmem>>
        %dma_start3A_904 = arith.constant 0 : i32
        %dma_start3A_905 = tpu.memref_slice %arg2[%arg1, %add3A_898, %dma_start3A_904] : memref<16x4096x1024xf32, #tpu.memory_space<hbm>> -> memref<1x32x1024xf32, #tpu.memory_space<hbm>>
        %dma_start3A_906 = tpu.memref_squeeze %dma_start3A_905 : memref<1x32x1024xf32, #tpu.memory_space<hbm>> -> memref<32x1024xf32, #tpu.memory_space<hbm>>
        %dma_start3A_907 = arith.constant 0 : i32
        %dma_start3A_908 = arith.constant 0 : i32
        %dma_start3A_909 = tpu.memref_slice %arg4[%dma_start3A_899, %dma_start3A_907, %dma_start3A_908] : memref<2x32x1024xf32, #tpu.memory_space<vmem>> -> memref<1x32x1024xf32, #tpu.memory_space<vmem>>
        %dma_start3A_910 = tpu.memref_squeeze %dma_start3A_909 : memref<1x32x1024xf32, #tpu.memory_space<vmem>> -> memref<32x1024xf32, #tpu.memory_space<vmem>>
        %dma_start3A_911 = arith.constant 0 : i32
        %dma_start3A_912 = tpu.memref_slice %arg2[%arg1, %add3A_898, %dma_start3A_911] : memref<16x4096x1024xf32, #tpu.memory_space<hbm>> -> memref<1x32x1024xf32, #tpu.memory_space<hbm>>
        %dma_start3A_913 = tpu.memref_squeeze %dma_start3A_912 : memref<1x32x1024xf32, #tpu.memory_space<hbm>> -> memref<32x1024xf32, #tpu.memory_space<hbm>>
        tpu.enqueue_dma source(%dma_start3A_913 : memref<32x1024xf32, #tpu.memory_space<hbm>>) target(%dma_start3A_910 : memref<32x1024xf32, #tpu.memory_space<vmem>>) target_semaphore(%arg6 : memref<!tpu.dma_semaphore, #tpu.memory_space<semaphore_mem>>)
      } else {
      }
      %mul3A_593 = arith.constant 2 : i32
      %mul3A_594 = arith.muli %scan3A_296, %mul3A_593 : i32
      %add3A_595 = arith.constant 1 : i32
      %add3A_596 = arith.addi %mul3A_594, %add3A_595 : i32
      %mul3A_597 = arith.constant 32 : i32
      %mul3A_598 = arith.muli %add3A_596, %mul3A_597 : i32
      %add3A_599 = arith.addi %add3A_1, %mul3A_598 : i32
      %dma_wait3A_600 = arith.constant 1 : i32
      %dma_wait3A_601 = arith.constant 0 : i32
      %dma_wait3A_602 = arith.constant 0 : i32
      %dma_wait3A_603 = tpu.memref_slice %arg4[%dma_wait3A_600, %dma_wait3A_601, %dma_wait3A_602] : memref<2x32x1024xf32, #tpu.memory_space<vmem>> -> memref<1x32x1024xf32, #tpu.memory_space<vmem>>
      %dma_wait3A_604 = tpu.memref_squeeze %dma_wait3A_603 : memref<1x32x1024xf32, #tpu.memory_space<vmem>> -> memref<32x1024xf32, #tpu.memory_space<vmem>>
      %dma_wait3A_605 = arith.constant 0 : i32
      %dma_wait3A_606 = tpu.memref_slice %arg2[%arg1, %add3A_599, %dma_wait3A_605] : memref<16x4096x1024xf32, #tpu.memory_space<hbm>> -> memref<1x32x1024xf32, #tpu.memory_space<hbm>>
      %dma_wait3A_607 = tpu.memref_squeeze %dma_wait3A_606 : memref<1x32x1024xf32, #tpu.memory_space<hbm>> -> memref<32x1024xf32, #tpu.memory_space<hbm>>
      %dma_wait3A_608 = arith.constant 0 : i32
      %dma_wait3A_609 = arith.constant 0 : i32
      %dma_wait3A_610 = tpu.memref_slice %arg4[%dma_wait3A_600, %dma_wait3A_608, %dma_wait3A_609] : memref<2x32x1024xf32, #tpu.memory_space<vmem>> -> memref<1x32x1024xf32, #tpu.memory_space<vmem>>
      %dma_wait3A_611 = tpu.memref_squeeze %dma_wait3A_610 : memref<1x32x1024xf32, #tpu.memory_space<vmem>> -> memref<32x1024xf32, #tpu.memory_space<vmem>>
      %dma_wait3A_612 = arith.constant 0 : i32
      %dma_wait3A_613 = tpu.memref_slice %arg2[%arg1, %add3A_599, %dma_wait3A_612] : memref<16x4096x1024xf32, #tpu.memory_space<hbm>> -> memref<1x32x1024xf32, #tpu.memory_space<hbm>>
      %dma_wait3A_614 = tpu.memref_squeeze %dma_wait3A_613 : memref<1x32x1024xf32, #tpu.memory_space<hbm>> -> memref<32x1024xf32, #tpu.memory_space<hbm>>
      tpu.wait_dma2 semaphore(%arg7 : memref<!tpu.dma_semaphore, #tpu.memory_space<semaphore_mem>>) src(%dma_wait3A_614 : memref<32x1024xf32, #tpu.memory_space<hbm>>) dst(%dma_wait3A_611 : memref<32x1024xf32, #tpu.memory_space<vmem>>)
      %parallel_loop3A_615 = arith.constant 0 : i32
      %parallel_loop3A_616 = arith.constant 32 : i32
      %parallel_loop3A_617 = arith.constant 1 : i32
      %parallel_loop3A_618:16 = scf.for %parallel_loop3A_894 = %parallel_loop3A_615 to %parallel_loop3A_616 step %parallel_loop3A_617 iter_args(%parallel_loop3A_895 = %broadcast_in_dim3A_2, %parallel_loop3A_896 = %broadcast_in_dim3A_2, %parallel_loop3A_897 = %broadcast_in_dim3A_2, %parallel_loop3A_898 = %broadcast_in_dim3A_2, %parallel_loop3A_899 = %broadcast_in_dim3A_2, %parallel_loop3A_900 = %broadcast_in_dim3A_2, %parallel_loop3A_901 = %broadcast_in_dim3A_2, %parallel_loop3A_902 = %broadcast_in_dim3A_2, %parallel_loop3A_903 = %broadcast_in_dim3A_2, %parallel_loop3A_904 = %broadcast_in_dim3A_2, %parallel_loop3A_905 = %broadcast_in_dim3A_2, %parallel_loop3A_906 = %broadcast_in_dim3A_2, %parallel_loop3A_907 = %broadcast_in_dim3A_2, %parallel_loop3A_908 = %broadcast_in_dim3A_2, %parallel_loop3A_909 = %broadcast_in_dim3A_2, %parallel_loop3A_910 = %broadcast_in_dim3A_2) -> (vector<16xf32>, vector<16xf32>, vector<16xf32>, vector<16xf32>, vector<16xf32>, vector<16xf32>, vector<16xf32>, vector<16xf32>, vector<16xf32>, vector<16xf32>, vector<16xf32>, vector<16xf32>, vector<16xf32>, vector<16xf32>, vector<16xf32>, vector<16xf32>)  : i32 {
        %parallel_loop3A_911 = arith.constant 1 : i32
        %parallel_loop3A_912 = arith.index_cast %parallel_loop3A_911 : i32 to index
        %parallel_loop3A_913 = arith.index_cast %parallel_loop3A_894 : i32 to index
        %parallel_loop3A_914 = arith.constant 0 : index
        %parallel_loop3A_915 = tpu.vector_load %arg4[%parallel_loop3A_912, %parallel_loop3A_913, %parallel_loop3A_914] {strides = array<i32>} : memref<2x32x1024xf32, #tpu.memory_space<vmem>>, vector<1x1x16xf32>,
        %parallel_loop3A_916 = vector.shape_cast %parallel_loop3A_915 : vector<1x1x16xf32> to vector<16xf32>
        %parallel_loop3A_917 = arith.addf %parallel_loop3A_895, %parallel_loop3A_916 : vector<16xf32>
        %parallel_loop3A_918 = arith.constant 1 : i32
        %parallel_loop3A_919 = arith.index_cast %parallel_loop3A_918 : i32 to index
        %parallel_loop3A_920 = arith.index_cast %parallel_loop3A_894 : i32 to index
        %parallel_loop3A_921 = arith.constant 16 : index
        %parallel_loop3A_922 = tpu.vector_load %arg4[%parallel_loop3A_919, %parallel_loop3A_920, %parallel_loop3A_921] {strides = array<i32>} : memref<2x32x1024xf32, #tpu.memory_space<vmem>>, vector<1x1x16xf32>,
        %parallel_loop3A_923 = vector.shape_cast %parallel_loop3A_922 : vector<1x1x16xf32> to vector<16xf32>
        %parallel_loop3A_924 = arith.addf %parallel_loop3A_896, %parallel_loop3A_923 : vector<16xf32>
        %parallel_loop3A_925 = arith.constant 1 : i32
        %parallel_loop3A_926 = arith.index_cast %parallel_loop3A_925 : i32 to index
        %parallel_loop3A_927 = arith.index_cast %parallel_loop3A_894 : i32 to index
        %parallel_loop3A_928 = arith.constant 32 : index
        %parallel_loop3A_929 = tpu.vector_load %arg4[%parallel_loop3A_926, %parallel_loop3A_927, %parallel_loop3A_928] {strides = array<i32>} : memref<2x32x1024xf32, #tpu.memory_space<vmem>>, vector<1x1x16xf32>,
        %parallel_loop3A_930 = vector.shape_cast %parallel_loop3A_929 : vector<1x1x16xf32> to vector<16xf32>
        %parallel_loop3A_931 = arith.addf %parallel_loop3A_897, %parallel_loop3A_930 : vector<16xf32>
        %parallel_loop3A_932 = arith.constant 1 : i32
        %parallel_loop3A_933 = arith.index_cast %parallel_loop3A_932 : i32 to index
        %parallel_loop3A_934 = arith.index_cast %parallel_loop3A_894 : i32 to index
        %parallel_loop3A_935 = arith.constant 48 : index
        %parallel_loop3A_936 = tpu.vector_load %arg4[%parallel_loop3A_933, %parallel_loop3A_934, %parallel_loop3A_935] {strides = array<i32>} : memref<2x32x1024xf32, #tpu.memory_space<vmem>>, vector<1x1x16xf32>,
        %parallel_loop3A_937 = vector.shape_cast %parallel_loop3A_936 : vector<1x1x16xf32> to vector<16xf32>
        %parallel_loop3A_938 = arith.addf %parallel_loop3A_898, %parallel_loop3A_937 : vector<16xf32>
        %parallel_loop3A_939 = arith.constant 1 : i32
        %parallel_loop3A_940 = arith.index_cast %parallel_loop3A_939 : i32 to index
        %parallel_loop3A_941 = arith.index_cast %parallel_loop3A_894 : i32 to index
        %parallel_loop3A_942 = arith.constant 64 : index
        %parallel_loop3A_943 = tpu.vector_load %arg4[%parallel_loop3A_940, %parallel_loop3A_941, %parallel_loop3A_942] {strides = array<i32>} : memref<2x32x1024xf32, #tpu.memory_space<vmem>>, vector<1x1x16xf32>,
        %parallel_loop3A_944 = vector.shape_cast %parallel_loop3A_943 : vector<1x1x16xf32> to vector<16xf32>
        %parallel_loop3A_945 = arith.addf %parallel_loop3A_899, %parallel_loop3A_944 : vector<16xf32>
        %parallel_loop3A_946 = arith.constant 1 : i32
        %parallel_loop3A_947 = arith.index_cast %parallel_loop3A_946 : i32 to index
        %parallel_loop3A_948 = arith.index_cast %parallel_loop3A_894 : i32 to index
        %parallel_loop3A_949 = arith.constant 80 : index
        %parallel_loop3A_950 = tpu.vector_load %arg4[%parallel_loop3A_947, %parallel_loop3A_948, %parallel_loop3A_949] {strides = array<i32>} : memref<2x32x1024xf32, #tpu.memory_space<vmem>>, vector<1x1x16xf32>,
        %parallel_loop3A_951 = vector.shape_cast %parallel_loop3A_950 : vector<1x1x16xf32> to vector<16xf32>
        %parallel_loop3A_952 = arith.addf %parallel_loop3A_900, %parallel_loop3A_951 : vector<16xf32>
        %parallel_loop3A_953 = arith.constant 1 : i32
        %parallel_loop3A_954 = arith.index_cast %parallel_loop3A_953 : i32 to index
        %parallel_loop3A_955 = arith.index_cast %parallel_loop3A_894 : i32 to index
        %parallel_loop3A_956 = arith.constant 96 : index
        %parallel_loop3A_957 = tpu.vector_load %arg4[%parallel_loop3A_954, %parallel_loop3A_955, %parallel_loop3A_956] {strides = array<i32>} : memref<2x32x1024xf32, #tpu.memory_space<vmem>>, vector<1x1x16xf32>,
        %parallel_loop3A_958 = vector.shape_cast %parallel_loop3A_957 : vector<1x1x16xf32> to vector<16xf32>
        %parallel_loop3A_959 = arith.addf %parallel_loop3A_901, %parallel_loop3A_958 : vector<16xf32>
        %parallel_loop3A_960 = arith.constant 1 : i32
        %parallel_loop3A_961 = arith.index_cast %parallel_loop3A_960 : i32 to index
        %parallel_loop3A_962 = arith.index_cast %parallel_loop3A_894 : i32 to index
        %parallel_loop3A_963 = arith.constant 112 : index
        %parallel_loop3A_964 = tpu.vector_load %arg4[%parallel_loop3A_961, %parallel_loop3A_962, %parallel_loop3A_963] {strides = array<i32>} : memref<2x32x1024xf32, #tpu.memory_space<vmem>>, vector<1x1x16xf32>,
        %parallel_loop3A_965 = vector.shape_cast %parallel_loop3A_964 : vector<1x1x16xf32> to vector<16xf32>
        %parallel_loop3A_966 = arith.addf %parallel_loop3A_902, %parallel_loop3A_965 : vector<16xf32>
        %parallel_loop3A_967 = arith.constant 1 : i32
        %parallel_loop3A_968 = arith.index_cast %parallel_loop3A_967 : i32 to index
        %parallel_loop3A_969 = arith.index_cast %parallel_loop3A_894 : i32 to index
        %parallel_loop3A_970 = arith.constant 128 : index
        %parallel_loop3A_971 = tpu.vector_load %arg4[%parallel_loop3A_968, %parallel_loop3A_969, %parallel_loop3A_970] {strides = array<i32>} : memref<2x32x1024xf32, #tpu.memory_space<vmem>>, vector<1x1x16xf32>,
        %parallel_loop3A_972 = vector.shape_cast %parallel_loop3A_971 : vector<1x1x16xf32> to vector<16xf32>
        %parallel_loop3A_973 = arith.addf %parallel_loop3A_903, %parallel_loop3A_972 : vector<16xf32>
        %parallel_loop3A_974 = arith.constant 1 : i32
        %parallel_loop3A_975 = arith.index_cast %parallel_loop3A_974 : i32 to index
        %parallel_loop3A_976 = arith.index_cast %parallel_loop3A_894 : i32 to index
        %parallel_loop3A_977 = arith.constant 144 : index
        %parallel_loop3A_978 = tpu.vector_load %arg4[%parallel_loop3A_975, %parallel_loop3A_976, %parallel_loop3A_977] {strides = array<i32>} : memref<2x32x1024xf32, #tpu.memory_space<vmem>>, vector<1x1x16xf32>,
        %parallel_loop3A_979 = vector.shape_cast %parallel_loop3A_978 : vector<1x1x16xf32> to vector<16xf32>
        %parallel_loop3A_980 = arith.addf %parallel_loop3A_904, %parallel_loop3A_979 : vector<16xf32>
        %parallel_loop3A_981 = arith.constant 1 : i32
        %parallel_loop3A_982 = arith.index_cast %parallel_loop3A_981 : i32 to index
        %parallel_loop3A_983 = arith.index_cast %parallel_loop3A_894 : i32 to index
        %parallel_loop3A_984 = arith.constant 160 : index
        %parallel_loop3A_985 = tpu.vector_load %arg4[%parallel_loop3A_982, %parallel_loop3A_983, %parallel_loop3A_984] {strides = array<i32>} : memref<2x32x1024xf32, #tpu.memory_space<vmem>>, vector<1x1x16xf32>,
        %parallel_loop3A_986 = vector.shape_cast %parallel_loop3A_985 : vector<1x1x16xf32> to vector<16xf32>
        %parallel_loop3A_987 = arith.addf %parallel_loop3A_905, %parallel_loop3A_986 : vector<16xf32>
        %parallel_loop3A_988 = arith.constant 1 : i32
        %parallel_loop3A_989 = arith.index_cast %parallel_loop3A_988 : i32 to index
        %parallel_loop3A_990 = arith.index_cast %parallel_loop3A_894 : i32 to index
        %parallel_loop3A_991 = arith.constant 176 : index
        %parallel_loop3A_992 = tpu.vector_load %arg4[%parallel_loop3A_989, %parallel_loop3A_990, %parallel_loop3A_991] {strides = array<i32>} : memref<2x32x1024xf32, #tpu.memory_space<vmem>>, vector<1x1x16xf32>,
        %parallel_loop3A_993 = vector.shape_cast %parallel_loop3A_992 : vector<1x1x16xf32> to vector<16xf32>
        %parallel_loop3A_994 = arith.addf %parallel_loop3A_906, %parallel_loop3A_993 : vector<16xf32>
        %parallel_loop3A_995 = arith.constant 1 : i32
        %parallel_loop3A_996 = arith.index_cast %parallel_loop3A_995 : i32 to index
        %parallel_loop3A_997 = arith.index_cast %parallel_loop3A_894 : i32 to index
        %parallel_loop3A_998 = arith.constant 192 : index
        %parallel_loop3A_999 = tpu.vector_load %arg4[%parallel_loop3A_996, %parallel_loop3A_997, %parallel_loop3A_998] {strides = array<i32>} : memref<2x32x1024xf32, #tpu.memory_space<vmem>>, vector<1x1x16xf32>,
        %parallel_loop3A_1000 = vector.shape_cast %parallel_loop3A_999 : vector<1x1x16xf32> to vector<16xf32>
        %parallel_loop3A_1001 = arith.addf %parallel_loop3A_907, %parallel_loop3A_1000 : vector<16xf32>
        %parallel_loop3A_1002 = arith.constant 1 : i32
        %parallel_loop3A_1003 = arith.index_cast %parallel_loop3A_1002 : i32 to index
        %parallel_loop3A_1004 = arith.index_cast %parallel_loop3A_894 : i32 to index
        %parallel_loop3A_1005 = arith.constant 208 : index
        %parallel_loop3A_1006 = tpu.vector_load %arg4[%parallel_loop3A_1003, %parallel_loop3A_1004, %parallel_loop3A_1005] {strides = array<i32>} : memref<2x32x1024xf32, #tpu.memory_space<vmem>>, vector<1x1x16xf32>,
        %parallel_loop3A_1007 = vector.shape_cast %parallel_loop3A_1006 : vector<1x1x16xf32> to vector<16xf32>
        %parallel_loop3A_1008 = arith.addf %parallel_loop3A_908, %parallel_loop3A_1007 : vector<16xf32>
        %parallel_loop3A_1009 = arith.constant 1 : i32
        %parallel_loop3A_1010 = arith.index_cast %parallel_loop3A_1009 : i32 to index
        %parallel_loop3A_1011 = arith.index_cast %parallel_loop3A_894 : i32 to index
        %parallel_loop3A_1012 = arith.constant 224 : index
        %parallel_loop3A_1013 = tpu.vector_load %arg4[%parallel_loop3A_1010, %parallel_loop3A_1011, %parallel_loop3A_1012] {strides = array<i32>} : memref<2x32x1024xf32, #tpu.memory_space<vmem>>, vector<1x1x16xf32>,
        %parallel_loop3A_1014 = vector.shape_cast %parallel_loop3A_1013 : vector<1x1x16xf32> to vector<16xf32>
        %parallel_loop3A_1015 = arith.addf %parallel_loop3A_909, %parallel_loop3A_1014 : vector<16xf32>
        %parallel_loop3A_1016 = arith.constant 1 : i32
        %parallel_loop3A_1017 = arith.index_cast %parallel_loop3A_1016 : i32 to index
        %parallel_loop3A_1018 = arith.index_cast %parallel_loop3A_894 : i32 to index
        %parallel_loop3A_1019 = arith.constant 240 : index
        %parallel_loop3A_1020 = tpu.vector_load %arg4[%parallel_loop3A_1017, %parallel_loop3A_1018, %parallel_loop3A_1019] {strides = array<i32>} : memref<2x32x1024xf32, #tpu.memory_space<vmem>>, vector<1x1x16xf32>,
        %parallel_loop3A_1021 = vector.shape_cast %parallel_loop3A_1020 : vector<1x1x16xf32> to vector<16xf32>
        %parallel_loop3A_1022 = arith.addf %parallel_loop3A_910, %parallel_loop3A_1021 : vector<16xf32>
        scf.yield %parallel_loop3A_917, %parallel_loop3A_924, %parallel_loop3A_931, %parallel_loop3A_938, %parallel_loop3A_945, %parallel_loop3A_952, %parallel_loop3A_959, %parallel_loop3A_966, %parallel_loop3A_973, %parallel_loop3A_980, %parallel_loop3A_987, %parallel_loop3A_994, %parallel_loop3A_1001, %parallel_loop3A_1008, %parallel_loop3A_1015, %parallel_loop3A_1022 : vector<16xf32>, vector<16xf32>, vector<16xf32>, vector<16xf32>, vector<16xf32>, vector<16xf32>, vector<16xf32>, vector<16xf32>, vector<16xf32>, vector<16xf32>, vector<16xf32>, vector<16xf32>, vector<16xf32>, vector<16xf32>, vector<16xf32>, vector<16xf32>
      } {sc.loop_unroll_factor = 2 : i64, sc.parallel_access}
      %swap3A_619 = arith.constant 0 : index
      %swap3A_620 = tpu.vector_load %arg5[%swap3A_619] {strides = array<i32>} : memref<1024xf32, #tpu.memory_space<vmem>>, vector<16xf32>,
      %swap3A_621 = vector.shape_cast %swap3A_620 : vector<16xf32> to vector<16xf32>
      %swap3A_622 = vector.shape_cast %parallel_loop3A_618#0 : vector<16xf32> to vector<16xf32>
      tpu.vector_store %arg5[%swap3A_619], %swap3A_622 {add = true, strides = array<i32>} : memref<1024xf32, #tpu.memory_space<vmem>>, vector<16xf32>,
      %swap3A_623 = arith.constant 16 : index
      %swap3A_624 = tpu.vector_load %arg5[%swap3A_623] {strides = array<i32>} : memref<1024xf32, #tpu.memory_space<vmem>>, vector<16xf32>,
      %swap3A_625 = vector.shape_cast %swap3A_624 : vector<16xf32> to vector<16xf32>
      %swap3A_626 = vector.shape_cast %parallel_loop3A_618#1 : vector<16xf32> to vector<16xf32>
      tpu.vector_store %arg5[%swap3A_623], %swap3A_626 {add = true, strides = array<i32>} : memref<1024xf32, #tpu.memory_space<vmem>>, vector<16xf32>,
      %swap3A_627 = arith.constant 32 : index
      %swap3A_628 = tpu.vector_load %arg5[%swap3A_627] {strides = array<i32>} : memref<1024xf32, #tpu.memory_space<vmem>>, vector<16xf32>,
      %swap3A_629 = vector.shape_cast %swap3A_628 : vector<16xf32> to vector<16xf32>
      %swap3A_630 = vector.shape_cast %parallel_loop3A_618#2 : vector<16xf32> to vector<16xf32>
      tpu.vector_store %arg5[%swap3A_627], %swap3A_630 {add = true, strides = array<i32>} : memref<1024xf32, #tpu.memory_space<vmem>>, vector<16xf32>,
      %swap3A_631 = arith.constant 48 : index
      %swap3A_632 = tpu.vector_load %arg5[%swap3A_631] {strides = array<i32>} : memref<1024xf32, #tpu.memory_space<vmem>>, vector<16xf32>,
      %swap3A_633 = vector.shape_cast %swap3A_632 : vector<16xf32> to vector<16xf32>
      %swap3A_634 = vector.shape_cast %parallel_loop3A_618#3 : vector<16xf32> to vector<16xf32>
      tpu.vector_store %arg5[%swap3A_631], %swap3A_634 {add = true, strides = array<i32>} : memref<1024xf32, #tpu.memory_space<vmem>>, vector<16xf32>,
      %swap3A_635 = arith.constant 64 : index
      %swap3A_636 = tpu.vector_load %arg5[%swap3A_635] {strides = array<i32>} : memref<1024xf32, #tpu.memory_space<vmem>>, vector<16xf32>,
      %swap3A_637 = vector.shape_cast %swap3A_636 : vector<16xf32> to vector<16xf32>
      %swap3A_638 = vector.shape_cast %parallel_loop3A_618#4 : vector<16xf32> to vector<16xf32>
      tpu.vector_store %arg5[%swap3A_635], %swap3A_638 {add = true, strides = array<i32>} : memref<1024xf32, #tpu.memory_space<vmem>>, vector<16xf32>,
      %swap3A_639 = arith.constant 80 : index
      %swap3A_640 = tpu.vector_load %arg5[%swap3A_639] {strides = array<i32>} : memref<1024xf32, #tpu.memory_space<vmem>>, vector<16xf32>,
      %swap3A_641 = vector.shape_cast %swap3A_640 : vector<16xf32> to vector<16xf32>
      %swap3A_642 = vector.shape_cast %parallel_loop3A_618#5 : vector<16xf32> to vector<16xf32>
      tpu.vector_store %arg5[%swap3A_639], %swap3A_642 {add = true, strides = array<i32>} : memref<1024xf32, #tpu.memory_space<vmem>>, vector<16xf32>,
      %swap3A_643 = arith.constant 96 : index
      %swap3A_644 = tpu.vector_load %arg5[%swap3A_643] {strides = array<i32>} : memref<1024xf32, #tpu.memory_space<vmem>>, vector<16xf32>,
      %swap3A_645 = vector.shape_cast %swap3A_644 : vector<16xf32> to vector<16xf32>
      %swap3A_646 = vector.shape_cast %parallel_loop3A_618#6 : vector<16xf32> to vector<16xf32>
      tpu.vector_store %arg5[%swap3A_643], %swap3A_646 {add = true, strides = array<i32>} : memref<1024xf32, #tpu.memory_space<vmem>>, vector<16xf32>,
      %swap3A_647 = arith.constant 112 : index
      %swap3A_648 = tpu.vector_load %arg5[%swap3A_647] {strides = array<i32>} : memref<1024xf32, #tpu.memory_space<vmem>>, vector<16xf32>,
      %swap3A_649 = vector.shape_cast %swap3A_648 : vector<16xf32> to vector<16xf32>
      %swap3A_650 = vector.shape_cast %parallel_loop3A_618#7 : vector<16xf32> to vector<16xf32>
      tpu.vector_store %arg5[%swap3A_647], %swap3A_650 {add = true, strides = array<i32>} : memref<1024xf32, #tpu.memory_space<vmem>>, vector<16xf32>,
      %swap3A_651 = arith.constant 128 : index
      %swap3A_652 = tpu.vector_load %arg5[%swap3A_651] {strides = array<i32>} : memref<1024xf32, #tpu.memory_space<vmem>>, vector<16xf32>,
      %swap3A_653 = vector.shape_cast %swap3A_652 : vector<16xf32> to vector<16xf32>
      %swap3A_654 = vector.shape_cast %parallel_loop3A_618#8 : vector<16xf32> to vector<16xf32>
      tpu.vector_store %arg5[%swap3A_651], %swap3A_654 {add = true, strides = array<i32>} : memref<1024xf32, #tpu.memory_space<vmem>>, vector<16xf32>,
      %swap3A_655 = arith.constant 144 : index
      %swap3A_656 = tpu.vector_load %arg5[%swap3A_655] {strides = array<i32>} : memref<1024xf32, #tpu.memory_space<vmem>>, vector<16xf32>,
      %swap3A_657 = vector.shape_cast %swap3A_656 : vector<16xf32> to vector<16xf32>
      %swap3A_658 = vector.shape_cast %parallel_loop3A_618#9 : vector<16xf32> to vector<16xf32>
      tpu.vector_store %arg5[%swap3A_655], %swap3A_658 {add = true, strides = array<i32>} : memref<1024xf32, #tpu.memory_space<vmem>>, vector<16xf32>,
      %swap3A_659 = arith.constant 160 : index
      %swap3A_660 = tpu.vector_load %arg5[%swap3A_659] {strides = array<i32>} : memref<1024xf32, #tpu.memory_space<vmem>>, vector<16xf32>,
      %swap3A_661 = vector.shape_cast %swap3A_660 : vector<16xf32> to vector<16xf32>
      %swap3A_662 = vector.shape_cast %parallel_loop3A_618#10 : vector<16xf32> to vector<16xf32>
      tpu.vector_store %arg5[%swap3A_659], %swap3A_662 {add = true, strides = array<i32>} : memref<1024xf32, #tpu.memory_space<vmem>>, vector<16xf32>,
      %swap3A_663 = arith.constant 176 : index
      %swap3A_664 = tpu.vector_load %arg5[%swap3A_663] {strides = array<i32>} : memref<1024xf32, #tpu.memory_space<vmem>>, vector<16xf32>,
      %swap3A_665 = vector.shape_cast %swap3A_664 : vector<16xf32> to vector<16xf32>
      %swap3A_666 = vector.shape_cast %parallel_loop3A_618#11 : vector<16xf32> to vector<16xf32>
      tpu.vector_store %arg5[%swap3A_663], %swap3A_666 {add = true, strides = array<i32>} : memref<1024xf32, #tpu.memory_space<vmem>>, vector<16xf32>,
      %swap3A_667 = arith.constant 192 : index
      %swap3A_668 = tpu.vector_load %arg5[%swap3A_667] {strides = array<i32>} : memref<1024xf32, #tpu.memory_space<vmem>>, vector<16xf32>,
      %swap3A_669 = vector.shape_cast %swap3A_668 : vector<16xf32> to vector<16xf32>
      %swap3A_670 = vector.shape_cast %parallel_loop3A_618#12 : vector<16xf32> to vector<16xf32>
      tpu.vector_store %arg5[%swap3A_667], %swap3A_670 {add = true, strides = array<i32>} : memref<1024xf32, #tpu.memory_space<vmem>>, vector<16xf32>,
      %swap3A_671 = arith.constant 208 : index
      %swap3A_672 = tpu.vector_load %arg5[%swap3A_671] {strides = array<i32>} : memref<1024xf32, #tpu.memory_space<vmem>>, vector<16xf32>,
      %swap3A_673 = vector.shape_cast %swap3A_672 : vector<16xf32> to vector<16xf32>
      %swap3A_674 = vector.shape_cast %parallel_loop3A_618#13 : vector<16xf32> to vector<16xf32>
      tpu.vector_store %arg5[%swap3A_671], %swap3A_674 {add = true, strides = array<i32>} : memref<1024xf32, #tpu.memory_space<vmem>>, vector<16xf32>,
      %swap3A_675 = arith.constant 224 : index
      %swap3A_676 = tpu.vector_load %arg5[%swap3A_675] {strides = array<i32>} : memref<1024xf32, #tpu.memory_space<vmem>>, vector<16xf32>,
      %swap3A_677 = vector.shape_cast %swap3A_676 : vector<16xf32> to vector<16xf32>
      %swap3A_678 = vector.shape_cast %parallel_loop3A_618#14 : vector<16xf32> to vector<16xf32>
      tpu.vector_store %arg5[%swap3A_675], %swap3A_678 {add = true, strides = array<i32>} : memref<1024xf32, #tpu.memory_space<vmem>>, vector<16xf32>,
      %swap3A_679 = arith.constant 240 : index
      %swap3A_680 = tpu.vector_load %arg5[%swap3A_679] {strides = array<i32>} : memref<1024xf32, #tpu.memory_space<vmem>>, vector<16xf32>,
      %swap3A_681 = vector.shape_cast %swap3A_680 : vector<16xf32> to vector<16xf32>
      %swap3A_682 = vector.shape_cast %parallel_loop3A_618#15 : vector<16xf32> to vector<16xf32>
      tpu.vector_store %arg5[%swap3A_679], %swap3A_682 {add = true, strides = array<i32>} : memref<1024xf32, #tpu.memory_space<vmem>>, vector<16xf32>,
      %parallel_loop3A_683 = arith.constant 0 : i32
      %parallel_loop3A_684 = arith.constant 32 : i32
      %parallel_loop3A_685 = arith.constant 1 : i32
      %parallel_loop3A_686:16 = scf.for %parallel_loop3A_894 = %parallel_loop3A_683 to %parallel_loop3A_684 step %parallel_loop3A_685 iter_args(%parallel_loop3A_895 = %broadcast_in_dim3A_2, %parallel_loop3A_896 = %broadcast_in_dim3A_2, %parallel_loop3A_897 = %broadcast_in_dim3A_2, %parallel_loop3A_898 = %broadcast_in_dim3A_2, %parallel_loop3A_899 = %broadcast_in_dim3A_2, %parallel_loop3A_900 = %broadcast_in_dim3A_2, %parallel_loop3A_901 = %broadcast_in_dim3A_2, %parallel_loop3A_902 = %broadcast_in_dim3A_2, %parallel_loop3A_903 = %broadcast_in_dim3A_2, %parallel_loop3A_904 = %broadcast_in_dim3A_2, %parallel_loop3A_905 = %broadcast_in_dim3A_2, %parallel_loop3A_906 = %broadcast_in_dim3A_2, %parallel_loop3A_907 = %broadcast_in_dim3A_2, %parallel_loop3A_908 = %broadcast_in_dim3A_2, %parallel_loop3A_909 = %broadcast_in_dim3A_2, %parallel_loop3A_910 = %broadcast_in_dim3A_2) -> (vector<16xf32>, vector<16xf32>, vector<16xf32>, vector<16xf32>, vector<16xf32>, vector<16xf32>, vector<16xf32>, vector<16xf32>, vector<16xf32>, vector<16xf32>, vector<16xf32>, vector<16xf32>, vector<16xf32>, vector<16xf32>, vector<16xf32>, vector<16xf32>)  : i32 {
        %parallel_loop3A_911 = arith.constant 1 : i32
        %parallel_loop3A_912 = arith.index_cast %parallel_loop3A_911 : i32 to index
        %parallel_loop3A_913 = arith.index_cast %parallel_loop3A_894 : i32 to index
        %parallel_loop3A_914 = arith.constant 256 : index
        %parallel_loop3A_915 = tpu.vector_load %arg4[%parallel_loop3A_912, %parallel_loop3A_913, %parallel_loop3A_914] {strides = array<i32>} : memref<2x32x1024xf32, #tpu.memory_space<vmem>>, vector<1x1x16xf32>,
        %parallel_loop3A_916 = vector.shape_cast %parallel_loop3A_915 : vector<1x1x16xf32> to vector<16xf32>
        %parallel_loop3A_917 = arith.addf %parallel_loop3A_895, %parallel_loop3A_916 : vector<16xf32>
        %parallel_loop3A_918 = arith.constant 1 : i32
        %parallel_loop3A_919 = arith.index_cast %parallel_loop3A_918 : i32 to index
        %parallel_loop3A_920 = arith.index_cast %parallel_loop3A_894 : i32 to index
        %parallel_loop3A_921 = arith.constant 272 : index
        %parallel_loop3A_922 = tpu.vector_load %arg4[%parallel_loop3A_919, %parallel_loop3A_920, %parallel_loop3A_921] {strides = array<i32>} : memref<2x32x1024xf32, #tpu.memory_space<vmem>>, vector<1x1x16xf32>,
        %parallel_loop3A_923 = vector.shape_cast %parallel_loop3A_922 : vector<1x1x16xf32> to vector<16xf32>
        %parallel_loop3A_924 = arith.addf %parallel_loop3A_896, %parallel_loop3A_923 : vector<16xf32>
        %parallel_loop3A_925 = arith.constant 1 : i32
        %parallel_loop3A_926 = arith.index_cast %parallel_loop3A_925 : i32 to index
        %parallel_loop3A_927 = arith.index_cast %parallel_loop3A_894 : i32 to index
        %parallel_loop3A_928 = arith.constant 288 : index
        %parallel_loop3A_929 = tpu.vector_load %arg4[%parallel_loop3A_926, %parallel_loop3A_927, %parallel_loop3A_928] {strides = array<i32>} : memref<2x32x1024xf32, #tpu.memory_space<vmem>>, vector<1x1x16xf32>,
        %parallel_loop3A_930 = vector.shape_cast %parallel_loop3A_929 : vector<1x1x16xf32> to vector<16xf32>
        %parallel_loop3A_931 = arith.addf %parallel_loop3A_897, %parallel_loop3A_930 : vector<16xf32>
        %parallel_loop3A_932 = arith.constant 1 : i32
        %parallel_loop3A_933 = arith.index_cast %parallel_loop3A_932 : i32 to index
        %parallel_loop3A_934 = arith.index_cast %parallel_loop3A_894 : i32 to index
        %parallel_loop3A_935 = arith.constant 304 : index
        %parallel_loop3A_936 = tpu.vector_load %arg4[%parallel_loop3A_933, %parallel_loop3A_934, %parallel_loop3A_935] {strides = array<i32>} : memref<2x32x1024xf32, #tpu.memory_space<vmem>>, vector<1x1x16xf32>,
        %parallel_loop3A_937 = vector.shape_cast %parallel_loop3A_936 : vector<1x1x16xf32> to vector<16xf32>
        %parallel_loop3A_938 = arith.addf %parallel_loop3A_898, %parallel_loop3A_937 : vector<16xf32>
        %parallel_loop3A_939 = arith.constant 1 : i32
        %parallel_loop3A_940 = arith.index_cast %parallel_loop3A_939 : i32 to index
        %parallel_loop3A_941 = arith.index_cast %parallel_loop3A_894 : i32 to index
        %parallel_loop3A_942 = arith.constant 320 : index
        %parallel_loop3A_943 = tpu.vector_load %arg4[%parallel_loop3A_940, %parallel_loop3A_941, %parallel_loop3A_942] {strides = array<i32>} : memref<2x32x1024xf32, #tpu.memory_space<vmem>>, vector<1x1x16xf32>,
        %parallel_loop3A_944 = vector.shape_cast %parallel_loop3A_943 : vector<1x1x16xf32> to vector<16xf32>
        %parallel_loop3A_945 = arith.addf %parallel_loop3A_899, %parallel_loop3A_944 : vector<16xf32>
        %parallel_loop3A_946 = arith.constant 1 : i32
        %parallel_loop3A_947 = arith.index_cast %parallel_loop3A_946 : i32 to index
        %parallel_loop3A_948 = arith.index_cast %parallel_loop3A_894 : i32 to index
        %parallel_loop3A_949 = arith.constant 336 : index
        %parallel_loop3A_950 = tpu.vector_load %arg4[%parallel_loop3A_947, %parallel_loop3A_948, %parallel_loop3A_949] {strides = array<i32>} : memref<2x32x1024xf32, #tpu.memory_space<vmem>>, vector<1x1x16xf32>,
        %parallel_loop3A_951 = vector.shape_cast %parallel_loop3A_950 : vector<1x1x16xf32> to vector<16xf32>
        %parallel_loop3A_952 = arith.addf %parallel_loop3A_900, %parallel_loop3A_951 : vector<16xf32>
        %parallel_loop3A_953 = arith.constant 1 : i32
        %parallel_loop3A_954 = arith.index_cast %parallel_loop3A_953 : i32 to index
        %parallel_loop3A_955 = arith.index_cast %parallel_loop3A_894 : i32 to index
        %parallel_loop3A_956 = arith.constant 352 : index
        %parallel_loop3A_957 = tpu.vector_load %arg4[%parallel_loop3A_954, %parallel_loop3A_955, %parallel_loop3A_956] {strides = array<i32>} : memref<2x32x1024xf32, #tpu.memory_space<vmem>>, vector<1x1x16xf32>,
        %parallel_loop3A_958 = vector.shape_cast %parallel_loop3A_957 : vector<1x1x16xf32> to vector<16xf32>
        %parallel_loop3A_959 = arith.addf %parallel_loop3A_901, %parallel_loop3A_958 : vector<16xf32>
        %parallel_loop3A_960 = arith.constant 1 : i32
        %parallel_loop3A_961 = arith.index_cast %parallel_loop3A_960 : i32 to index
        %parallel_loop3A_962 = arith.index_cast %parallel_loop3A_894 : i32 to index
        %parallel_loop3A_963 = arith.constant 368 : index
        %parallel_loop3A_964 = tpu.vector_load %arg4[%parallel_loop3A_961, %parallel_loop3A_962, %parallel_loop3A_963] {strides = array<i32>} : memref<2x32x1024xf32, #tpu.memory_space<vmem>>, vector<1x1x16xf32>,
        %parallel_loop3A_965 = vector.shape_cast %parallel_loop3A_964 : vector<1x1x16xf32> to vector<16xf32>
        %parallel_loop3A_966 = arith.addf %parallel_loop3A_902, %parallel_loop3A_965 : vector<16xf32>
        %parallel_loop3A_967 = arith.constant 1 : i32
        %parallel_loop3A_968 = arith.index_cast %parallel_loop3A_967 : i32 to index
        %parallel_loop3A_969 = arith.index_cast %parallel_loop3A_894 : i32 to index
        %parallel_loop3A_970 = arith.constant 384 : index
        %parallel_loop3A_971 = tpu.vector_load %arg4[%parallel_loop3A_968, %parallel_loop3A_969, %parallel_loop3A_970] {strides = array<i32>} : memref<2x32x1024xf32, #tpu.memory_space<vmem>>, vector<1x1x16xf32>,
        %parallel_loop3A_972 = vector.shape_cast %parallel_loop3A_971 : vector<1x1x16xf32> to vector<16xf32>
        %parallel_loop3A_973 = arith.addf %parallel_loop3A_903, %parallel_loop3A_972 : vector<16xf32>
        %parallel_loop3A_974 = arith.constant 1 : i32
        %parallel_loop3A_975 = arith.index_cast %parallel_loop3A_974 : i32 to index
        %parallel_loop3A_976 = arith.index_cast %parallel_loop3A_894 : i32 to index
        %parallel_loop3A_977 = arith.constant 400 : index
        %parallel_loop3A_978 = tpu.vector_load %arg4[%parallel_loop3A_975, %parallel_loop3A_976, %parallel_loop3A_977] {strides = array<i32>} : memref<2x32x1024xf32, #tpu.memory_space<vmem>>, vector<1x1x16xf32>,
        %parallel_loop3A_979 = vector.shape_cast %parallel_loop3A_978 : vector<1x1x16xf32> to vector<16xf32>
        %parallel_loop3A_980 = arith.addf %parallel_loop3A_904, %parallel_loop3A_979 : vector<16xf32>
        %parallel_loop3A_981 = arith.constant 1 : i32
        %parallel_loop3A_982 = arith.index_cast %parallel_loop3A_981 : i32 to index
        %parallel_loop3A_983 = arith.index_cast %parallel_loop3A_894 : i32 to index
        %parallel_loop3A_984 = arith.constant 416 : index
        %parallel_loop3A_985 = tpu.vector_load %arg4[%parallel_loop3A_982, %parallel_loop3A_983, %parallel_loop3A_984] {strides = array<i32>} : memref<2x32x1024xf32, #tpu.memory_space<vmem>>, vector<1x1x16xf32>,
        %parallel_loop3A_986 = vector.shape_cast %parallel_loop3A_985 : vector<1x1x16xf32> to vector<16xf32>
        %parallel_loop3A_987 = arith.addf %parallel_loop3A_905, %parallel_loop3A_986 : vector<16xf32>
        %parallel_loop3A_988 = arith.constant 1 : i32
        %parallel_loop3A_989 = arith.index_cast %parallel_loop3A_988 : i32 to index
        %parallel_loop3A_990 = arith.index_cast %parallel_loop3A_894 : i32 to index
        %parallel_loop3A_991 = arith.constant 432 : index
        %parallel_loop3A_992 = tpu.vector_load %arg4[%parallel_loop3A_989, %parallel_loop3A_990, %parallel_loop3A_991] {strides = array<i32>} : memref<2x32x1024xf32, #tpu.memory_space<vmem>>, vector<1x1x16xf32>,
        %parallel_loop3A_993 = vector.shape_cast %parallel_loop3A_992 : vector<1x1x16xf32> to vector<16xf32>
        %parallel_loop3A_994 = arith.addf %parallel_loop3A_906, %parallel_loop3A_993 : vector<16xf32>
        %parallel_loop3A_995 = arith.constant 1 : i32
        %parallel_loop3A_996 = arith.index_cast %parallel_loop3A_995 : i32 to index
        %parallel_loop3A_997 = arith.index_cast %parallel_loop3A_894 : i32 to index
        %parallel_loop3A_998 = arith.constant 448 : index
        %parallel_loop3A_999 = tpu.vector_load %arg4[%parallel_loop3A_996, %parallel_loop3A_997, %parallel_loop3A_998] {strides = array<i32>} : memref<2x32x1024xf32, #tpu.memory_space<vmem>>, vector<1x1x16xf32>,
        %parallel_loop3A_1000 = vector.shape_cast %parallel_loop3A_999 : vector<1x1x16xf32> to vector<16xf32>
        %parallel_loop3A_1001 = arith.addf %parallel_loop3A_907, %parallel_loop3A_1000 : vector<16xf32>
        %parallel_loop3A_1002 = arith.constant 1 : i32
        %parallel_loop3A_1003 = arith.index_cast %parallel_loop3A_1002 : i32 to index
        %parallel_loop3A_1004 = arith.index_cast %parallel_loop3A_894 : i32 to index
        %parallel_loop3A_1005 = arith.constant 464 : index
        %parallel_loop3A_1006 = tpu.vector_load %arg4[%parallel_loop3A_1003, %parallel_loop3A_1004, %parallel_loop3A_1005] {strides = array<i32>} : memref<2x32x1024xf32, #tpu.memory_space<vmem>>, vector<1x1x16xf32>,
        %parallel_loop3A_1007 = vector.shape_cast %parallel_loop3A_1006 : vector<1x1x16xf32> to vector<16xf32>
        %parallel_loop3A_1008 = arith.addf %parallel_loop3A_908, %parallel_loop3A_1007 : vector<16xf32>
        %parallel_loop3A_1009 = arith.constant 1 : i32
        %parallel_loop3A_1010 = arith.index_cast %parallel_loop3A_1009 : i32 to index
        %parallel_loop3A_1011 = arith.index_cast %parallel_loop3A_894 : i32 to index
        %parallel_loop3A_1012 = arith.constant 480 : index
        %parallel_loop3A_1013 = tpu.vector_load %arg4[%parallel_loop3A_1010, %parallel_loop3A_1011, %parallel_loop3A_1012] {strides = array<i32>} : memref<2x32x1024xf32, #tpu.memory_space<vmem>>, vector<1x1x16xf32>,
        %parallel_loop3A_1014 = vector.shape_cast %parallel_loop3A_1013 : vector<1x1x16xf32> to vector<16xf32>
        %parallel_loop3A_1015 = arith.addf %parallel_loop3A_909, %parallel_loop3A_1014 : vector<16xf32>
        %parallel_loop3A_1016 = arith.constant 1 : i32
        %parallel_loop3A_1017 = arith.index_cast %parallel_loop3A_1016 : i32 to index
        %parallel_loop3A_1018 = arith.index_cast %parallel_loop3A_894 : i32 to index
        %parallel_loop3A_1019 = arith.constant 496 : index
        %parallel_loop3A_1020 = tpu.vector_load %arg4[%parallel_loop3A_1017, %parallel_loop3A_1018, %parallel_loop3A_1019] {strides = array<i32>} : memref<2x32x1024xf32, #tpu.memory_space<vmem>>, vector<1x1x16xf32>,
        %parallel_loop3A_1021 = vector.shape_cast %parallel_loop3A_1020 : vector<1x1x16xf32> to vector<16xf32>
        %parallel_loop3A_1022 = arith.addf %parallel_loop3A_910, %parallel_loop3A_1021 : vector<16xf32>
        scf.yield %parallel_loop3A_917, %parallel_loop3A_924, %parallel_loop3A_931, %parallel_loop3A_938, %parallel_loop3A_945, %parallel_loop3A_952, %parallel_loop3A_959, %parallel_loop3A_966, %parallel_loop3A_973, %parallel_loop3A_980, %parallel_loop3A_987, %parallel_loop3A_994, %parallel_loop3A_1001, %parallel_loop3A_1008, %parallel_loop3A_1015, %parallel_loop3A_1022 : vector<16xf32>, vector<16xf32>, vector<16xf32>, vector<16xf32>, vector<16xf32>, vector<16xf32>, vector<16xf32>, vector<16xf32>, vector<16xf32>, vector<16xf32>, vector<16xf32>, vector<16xf32>, vector<16xf32>, vector<16xf32>, vector<16xf32>, vector<16xf32>
      } {sc.loop_unroll_factor = 2 : i64, sc.parallel_access}
      %swap3A_687 = arith.constant 256 : index
      %swap3A_688 = tpu.vector_load %arg5[%swap3A_687] {strides = array<i32>} : memref<1024xf32, #tpu.memory_space<vmem>>, vector<16xf32>,
      %swap3A_689 = vector.shape_cast %swap3A_688 : vector<16xf32> to vector<16xf32>
      %swap3A_690 = vector.shape_cast %parallel_loop3A_686#0 : vector<16xf32> to vector<16xf32>
      tpu.vector_store %arg5[%swap3A_687], %swap3A_690 {add = true, strides = array<i32>} : memref<1024xf32, #tpu.memory_space<vmem>>, vector<16xf32>,
      %swap3A_691 = arith.constant 272 : index
      %swap3A_692 = tpu.vector_load %arg5[%swap3A_691] {strides = array<i32>} : memref<1024xf32, #tpu.memory_space<vmem>>, vector<16xf32>,
      %swap3A_693 = vector.shape_cast %swap3A_692 : vector<16xf32> to vector<16xf32>
      %swap3A_694 = vector.shape_cast %parallel_loop3A_686#1 : vector<16xf32> to vector<16xf32>
      tpu.vector_store %arg5[%swap3A_691], %swap3A_694 {add = true, strides = array<i32>} : memref<1024xf32, #tpu.memory_space<vmem>>, vector<16xf32>,
      %swap3A_695 = arith.constant 288 : index
      %swap3A_696 = tpu.vector_load %arg5[%swap3A_695] {strides = array<i32>} : memref<1024xf32, #tpu.memory_space<vmem>>, vector<16xf32>,
      %swap3A_697 = vector.shape_cast %swap3A_696 : vector<16xf32> to vector<16xf32>
      %swap3A_698 = vector.shape_cast %parallel_loop3A_686#2 : vector<16xf32> to vector<16xf32>
      tpu.vector_store %arg5[%swap3A_695], %swap3A_698 {add = true, strides = array<i32>} : memref<1024xf32, #tpu.memory_space<vmem>>, vector<16xf32>,
      %swap3A_699 = arith.constant 304 : index
      %swap3A_700 = tpu.vector_load %arg5[%swap3A_699] {strides = array<i32>} : memref<1024xf32, #tpu.memory_space<vmem>>, vector<16xf32>,
      %swap3A_701 = vector.shape_cast %swap3A_700 : vector<16xf32> to vector<16xf32>
      %swap3A_702 = vector.shape_cast %parallel_loop3A_686#3 : vector<16xf32> to vector<16xf32>
      tpu.vector_store %arg5[%swap3A_699], %swap3A_702 {add = true, strides = array<i32>} : memref<1024xf32, #tpu.memory_space<vmem>>, vector<16xf32>,
      %swap3A_703 = arith.constant 320 : index
      %swap3A_704 = tpu.vector_load %arg5[%swap3A_703] {strides = array<i32>} : memref<1024xf32, #tpu.memory_space<vmem>>, vector<16xf32>,
      %swap3A_705 = vector.shape_cast %swap3A_704 : vector<16xf32> to vector<16xf32>
      %swap3A_706 = vector.shape_cast %parallel_loop3A_686#4 : vector<16xf32> to vector<16xf32>
      tpu.vector_store %arg5[%swap3A_703], %swap3A_706 {add = true, strides = array<i32>} : memref<1024xf32, #tpu.memory_space<vmem>>, vector<16xf32>,
      %swap3A_707 = arith.constant 336 : index
      %swap3A_708 = tpu.vector_load %arg5[%swap3A_707] {strides = array<i32>} : memref<1024xf32, #tpu.memory_space<vmem>>, vector<16xf32>,
      %swap3A_709 = vector.shape_cast %swap3A_708 : vector<16xf32> to vector<16xf32>
      %swap3A_710 = vector.shape_cast %parallel_loop3A_686#5 : vector<16xf32> to vector<16xf32>
      tpu.vector_store %arg5[%swap3A_707], %swap3A_710 {add = true, strides = array<i32>} : memref<1024xf32, #tpu.memory_space<vmem>>, vector<16xf32>,
      %swap3A_711 = arith.constant 352 : index
      %swap3A_712 = tpu.vector_load %arg5[%swap3A_711] {strides = array<i32>} : memref<1024xf32, #tpu.memory_space<vmem>>, vector<16xf32>,
      %swap3A_713 = vector.shape_cast %swap3A_712 : vector<16xf32> to vector<16xf32>
      %swap3A_714 = vector.shape_cast %parallel_loop3A_686#6 : vector<16xf32> to vector<16xf32>
      tpu.vector_store %arg5[%swap3A_711], %swap3A_714 {add = true, strides = array<i32>} : memref<1024xf32, #tpu.memory_space<vmem>>, vector<16xf32>,
      %swap3A_715 = arith.constant 368 : index
      %swap3A_716 = tpu.vector_load %arg5[%swap3A_715] {strides = array<i32>} : memref<1024xf32, #tpu.memory_space<vmem>>, vector<16xf32>,
      %swap3A_717 = vector.shape_cast %swap3A_716 : vector<16xf32> to vector<16xf32>
      %swap3A_718 = vector.shape_cast %parallel_loop3A_686#7 : vector<16xf32> to vector<16xf32>
      tpu.vector_store %arg5[%swap3A_715], %swap3A_718 {add = true, strides = array<i32>} : memref<1024xf32, #tpu.memory_space<vmem>>, vector<16xf32>,
      %swap3A_719 = arith.constant 384 : index
      %swap3A_720 = tpu.vector_load %arg5[%swap3A_719] {strides = array<i32>} : memref<1024xf32, #tpu.memory_space<vmem>>, vector<16xf32>,
      %swap3A_721 = vector.shape_cast %swap3A_720 : vector<16xf32> to vector<16xf32>
      %swap3A_722 = vector.shape_cast %parallel_loop3A_686#8 : vector<16xf32> to vector<16xf32>
      tpu.vector_store %arg5[%swap3A_719], %swap3A_722 {add = true, strides = array<i32>} : memref<1024xf32, #tpu.memory_space<vmem>>, vector<16xf32>,
      %swap3A_723 = arith.constant 400 : index
      %swap3A_724 = tpu.vector_load %arg5[%swap3A_723] {strides = array<i32>} : memref<1024xf32, #tpu.memory_space<vmem>>, vector<16xf32>,
      %swap3A_725 = vector.shape_cast %swap3A_724 : vector<16xf32> to vector<16xf32>
      %swap3A_726 = vector.shape_cast %parallel_loop3A_686#9 : vector<16xf32> to vector<16xf32>
      tpu.vector_store %arg5[%swap3A_723], %swap3A_726 {add = true, strides = array<i32>} : memref<1024xf32, #tpu.memory_space<vmem>>, vector<16xf32>,
      %swap3A_727 = arith.constant 416 : index
      %swap3A_728 = tpu.vector_load %arg5[%swap3A_727] {strides = array<i32>} : memref<1024xf32, #tpu.memory_space<vmem>>, vector<16xf32>,
      %swap3A_729 = vector.shape_cast %swap3A_728 : vector<16xf32> to vector<16xf32>
      %swap3A_730 = vector.shape_cast %parallel_loop3A_686#10 : vector<16xf32> to vector<16xf32>
      tpu.vector_store %arg5[%swap3A_727], %swap3A_730 {add = true, strides = array<i32>} : memref<1024xf32, #tpu.memory_space<vmem>>, vector<16xf32>,
      %swap3A_731 = arith.constant 432 : index
      %swap3A_732 = tpu.vector_load %arg5[%swap3A_731] {strides = array<i32>} : memref<1024xf32, #tpu.memory_space<vmem>>, vector<16xf32>,
      %swap3A_733 = vector.shape_cast %swap3A_732 : vector<16xf32> to vector<16xf32>
      %swap3A_734 = vector.shape_cast %parallel_loop3A_686#11 : vector<16xf32> to vector<16xf32>
      tpu.vector_store %arg5[%swap3A_731], %swap3A_734 {add = true, strides = array<i32>} : memref<1024xf32, #tpu.memory_space<vmem>>, vector<16xf32>,
      %swap3A_735 = arith.constant 448 : index
      %swap3A_736 = tpu.vector_load %arg5[%swap3A_735] {strides = array<i32>} : memref<1024xf32, #tpu.memory_space<vmem>>, vector<16xf32>,
      %swap3A_737 = vector.shape_cast %swap3A_736 : vector<16xf32> to vector<16xf32>
      %swap3A_738 = vector.shape_cast %parallel_loop3A_686#12 : vector<16xf32> to vector<16xf32>
      tpu.vector_store %arg5[%swap3A_735], %swap3A_738 {add = true, strides = array<i32>} : memref<1024xf32, #tpu.memory_space<vmem>>, vector<16xf32>,
      %swap3A_739 = arith.constant 464 : index
      %swap3A_740 = tpu.vector_load %arg5[%swap3A_739] {strides = array<i32>} : memref<1024xf32, #tpu.memory_space<vmem>>, vector<16xf32>,
      %swap3A_741 = vector.shape_cast %swap3A_740 : vector<16xf32> to vector<16xf32>
      %swap3A_742 = vector.shape_cast %parallel_loop3A_686#13 : vector<16xf32> to vector<16xf32>
      tpu.vector_store %arg5[%swap3A_739], %swap3A_742 {add = true, strides = array<i32>} : memref<1024xf32, #tpu.memory_space<vmem>>, vector<16xf32>,
      %swap3A_743 = arith.constant 480 : index
      %swap3A_744 = tpu.vector_load %arg5[%swap3A_743] {strides = array<i32>} : memref<1024xf32, #tpu.memory_space<vmem>>, vector<16xf32>,
      %swap3A_745 = vector.shape_cast %swap3A_744 : vector<16xf32> to vector<16xf32>
      %swap3A_746 = vector.shape_cast %parallel_loop3A_686#14 : vector<16xf32> to vector<16xf32>
      tpu.vector_store %arg5[%swap3A_743], %swap3A_746 {add = true, strides = array<i32>} : memref<1024xf32, #tpu.memory_space<vmem>>, vector<16xf32>,
      %swap3A_747 = arith.constant 496 : index
      %swap3A_748 = tpu.vector_load %arg5[%swap3A_747] {strides = array<i32>} : memref<1024xf32, #tpu.memory_space<vmem>>, vector<16xf32>,
      %swap3A_749 = vector.shape_cast %swap3A_748 : vector<16xf32> to vector<16xf32>
      %swap3A_750 = vector.shape_cast %parallel_loop3A_686#15 : vector<16xf32> to vector<16xf32>
      tpu.vector_store %arg5[%swap3A_747], %swap3A_750 {add = true, strides = array<i32>} : memref<1024xf32, #tpu.memory_space<vmem>>, vector<16xf32>,
      %parallel_loop3A_751 = arith.constant 0 : i32
      %parallel_loop3A_752 = arith.constant 32 : i32
      %parallel_loop3A_753 = arith.constant 1 : i32
      %parallel_loop3A_754:16 = scf.for %parallel_loop3A_894 = %parallel_loop3A_751 to %parallel_loop3A_752 step %parallel_loop3A_753 iter_args(%parallel_loop3A_895 = %broadcast_in_dim3A_2, %parallel_loop3A_896 = %broadcast_in_dim3A_2, %parallel_loop3A_897 = %broadcast_in_dim3A_2, %parallel_loop3A_898 = %broadcast_in_dim3A_2, %parallel_loop3A_899 = %broadcast_in_dim3A_2, %parallel_loop3A_900 = %broadcast_in_dim3A_2, %parallel_loop3A_901 = %broadcast_in_dim3A_2, %parallel_loop3A_902 = %broadcast_in_dim3A_2, %parallel_loop3A_903 = %broadcast_in_dim3A_2, %parallel_loop3A_904 = %broadcast_in_dim3A_2, %parallel_loop3A_905 = %broadcast_in_dim3A_2, %parallel_loop3A_906 = %broadcast_in_dim3A_2, %parallel_loop3A_907 = %broadcast_in_dim3A_2, %parallel_loop3A_908 = %broadcast_in_dim3A_2, %parallel_loop3A_909 = %broadcast_in_dim3A_2, %parallel_loop3A_910 = %broadcast_in_dim3A_2) -> (vector<16xf32>, vector<16xf32>, vector<16xf32>, vector<16xf32>, vector<16xf32>, vector<16xf32>, vector<16xf32>, vector<16xf32>, vector<16xf32>, vector<16xf32>, vector<16xf32>, vector<16xf32>, vector<16xf32>, vector<16xf32>, vector<16xf32>, vector<16xf32>)  : i32 {
        %parallel_loop3A_911 = arith.constant 1 : i32
        %parallel_loop3A_912 = arith.index_cast %parallel_loop3A_911 : i32 to index
        %parallel_loop3A_913 = arith.index_cast %parallel_loop3A_894 : i32 to index
        %parallel_loop3A_914 = arith.constant 512 : index
        %parallel_loop3A_915 = tpu.vector_load %arg4[%parallel_loop3A_912, %parallel_loop3A_913, %parallel_loop3A_914] {strides = array<i32>} : memref<2x32x1024xf32, #tpu.memory_space<vmem>>, vector<1x1x16xf32>,
        %parallel_loop3A_916 = vector.shape_cast %parallel_loop3A_915 : vector<1x1x16xf32> to vector<16xf32>
        %parallel_loop3A_917 = arith.addf %parallel_loop3A_895, %parallel_loop3A_916 : vector<16xf32>
        %parallel_loop3A_918 = arith.constant 1 : i32
        %parallel_loop3A_919 = arith.index_cast %parallel_loop3A_918 : i32 to index
        %parallel_loop3A_920 = arith.index_cast %parallel_loop3A_894 : i32 to index
        %parallel_loop3A_921 = arith.constant 528 : index
        %parallel_loop3A_922 = tpu.vector_load %arg4[%parallel_loop3A_919, %parallel_loop3A_920, %parallel_loop3A_921] {strides = array<i32>} : memref<2x32x1024xf32, #tpu.memory_space<vmem>>, vector<1x1x16xf32>,
        %parallel_loop3A_923 = vector.shape_cast %parallel_loop3A_922 : vector<1x1x16xf32> to vector<16xf32>
        %parallel_loop3A_924 = arith.addf %parallel_loop3A_896, %parallel_loop3A_923 : vector<16xf32>
        %parallel_loop3A_925 = arith.constant 1 : i32
        %parallel_loop3A_926 = arith.index_cast %parallel_loop3A_925 : i32 to index
        %parallel_loop3A_927 = arith.index_cast %parallel_loop3A_894 : i32 to index
        %parallel_loop3A_928 = arith.constant 544 : index
        %parallel_loop3A_929 = tpu.vector_load %arg4[%parallel_loop3A_926, %parallel_loop3A_927, %parallel_loop3A_928] {strides = array<i32>} : memref<2x32x1024xf32, #tpu.memory_space<vmem>>, vector<1x1x16xf32>,
        %parallel_loop3A_930 = vector.shape_cast %parallel_loop3A_929 : vector<1x1x16xf32> to vector<16xf32>
        %parallel_loop3A_931 = arith.addf %parallel_loop3A_897, %parallel_loop3A_930 : vector<16xf32>
        %parallel_loop3A_932 = arith.constant 1 : i32
        %parallel_loop3A_933 = arith.index_cast %parallel_loop3A_932 : i32 to index
        %parallel_loop3A_934 = arith.index_cast %parallel_loop3A_894 : i32 to index
        %parallel_loop3A_935 = arith.constant 560 : index
        %parallel_loop3A_936 = tpu.vector_load %arg4[%parallel_loop3A_933, %parallel_loop3A_934, %parallel_loop3A_935] {strides = array<i32>} : memref<2x32x1024xf32, #tpu.memory_space<vmem>>, vector<1x1x16xf32>,
        %parallel_loop3A_937 = vector.shape_cast %parallel_loop3A_936 : vector<1x1x16xf32> to vector<16xf32>
        %parallel_loop3A_938 = arith.addf %parallel_loop3A_898, %parallel_loop3A_937 : vector<16xf32>
        %parallel_loop3A_939 = arith.constant 1 : i32
        %parallel_loop3A_940 = arith.index_cast %parallel_loop3A_939 : i32 to index
        %parallel_loop3A_941 = arith.index_cast %parallel_loop3A_894 : i32 to index
        %parallel_loop3A_942 = arith.constant 576 : index
        %parallel_loop3A_943 = tpu.vector_load %arg4[%parallel_loop3A_940, %parallel_loop3A_941, %parallel_loop3A_942] {strides = array<i32>} : memref<2x32x1024xf32, #tpu.memory_space<vmem>>, vector<1x1x16xf32>,
        %parallel_loop3A_944 = vector.shape_cast %parallel_loop3A_943 : vector<1x1x16xf32> to vector<16xf32>
        %parallel_loop3A_945 = arith.addf %parallel_loop3A_899, %parallel_loop3A_944 : vector<16xf32>
        %parallel_loop3A_946 = arith.constant 1 : i32
        %parallel_loop3A_947 = arith.index_cast %parallel_loop3A_946 : i32 to index
        %parallel_loop3A_948 = arith.index_cast %parallel_loop3A_894 : i32 to index
        %parallel_loop3A_949 = arith.constant 592 : index
        %parallel_loop3A_950 = tpu.vector_load %arg4[%parallel_loop3A_947, %parallel_loop3A_948, %parallel_loop3A_949] {strides = array<i32>} : memref<2x32x1024xf32, #tpu.memory_space<vmem>>, vector<1x1x16xf32>,
        %parallel_loop3A_951 = vector.shape_cast %parallel_loop3A_950 : vector<1x1x16xf32> to vector<16xf32>
        %parallel_loop3A_952 = arith.addf %parallel_loop3A_900, %parallel_loop3A_951 : vector<16xf32>
        %parallel_loop3A_953 = arith.constant 1 : i32
        %parallel_loop3A_954 = arith.index_cast %parallel_loop3A_953 : i32 to index
        %parallel_loop3A_955 = arith.index_cast %parallel_loop3A_894 : i32 to index
        %parallel_loop3A_956 = arith.constant 608 : index
        %parallel_loop3A_957 = tpu.vector_load %arg4[%parallel_loop3A_954, %parallel_loop3A_955, %parallel_loop3A_956] {strides = array<i32>} : memref<2x32x1024xf32, #tpu.memory_space<vmem>>, vector<1x1x16xf32>,
        %parallel_loop3A_958 = vector.shape_cast %parallel_loop3A_957 : vector<1x1x16xf32> to vector<16xf32>
        %parallel_loop3A_959 = arith.addf %parallel_loop3A_901, %parallel_loop3A_958 : vector<16xf32>
        %parallel_loop3A_960 = arith.constant 1 : i32
        %parallel_loop3A_961 = arith.index_cast %parallel_loop3A_960 : i32 to index
        %parallel_loop3A_962 = arith.index_cast %parallel_loop3A_894 : i32 to index
        %parallel_loop3A_963 = arith.constant 624 : index
        %parallel_loop3A_964 = tpu.vector_load %arg4[%parallel_loop3A_961, %parallel_loop3A_962, %parallel_loop3A_963] {strides = array<i32>} : memref<2x32x1024xf32, #tpu.memory_space<vmem>>, vector<1x1x16xf32>,
        %parallel_loop3A_965 = vector.shape_cast %parallel_loop3A_964 : vector<1x1x16xf32> to vector<16xf32>
        %parallel_loop3A_966 = arith.addf %parallel_loop3A_902, %parallel_loop3A_965 : vector<16xf32>
        %parallel_loop3A_967 = arith.constant 1 : i32
        %parallel_loop3A_968 = arith.index_cast %parallel_loop3A_967 : i32 to index
        %parallel_loop3A_969 = arith.index_cast %parallel_loop3A_894 : i32 to index
        %parallel_loop3A_970 = arith.constant 640 : index
        %parallel_loop3A_971 = tpu.vector_load %arg4[%parallel_loop3A_968, %parallel_loop3A_969, %parallel_loop3A_970] {strides = array<i32>} : memref<2x32x1024xf32, #tpu.memory_space<vmem>>, vector<1x1x16xf32>,
        %parallel_loop3A_972 = vector.shape_cast %parallel_loop3A_971 : vector<1x1x16xf32> to vector<16xf32>
        %parallel_loop3A_973 = arith.addf %parallel_loop3A_903, %parallel_loop3A_972 : vector<16xf32>
        %parallel_loop3A_974 = arith.constant 1 : i32
        %parallel_loop3A_975 = arith.index_cast %parallel_loop3A_974 : i32 to index
        %parallel_loop3A_976 = arith.index_cast %parallel_loop3A_894 : i32 to index
        %parallel_loop3A_977 = arith.constant 656 : index
        %parallel_loop3A_978 = tpu.vector_load %arg4[%parallel_loop3A_975, %parallel_loop3A_976, %parallel_loop3A_977] {strides = array<i32>} : memref<2x32x1024xf32, #tpu.memory_space<vmem>>, vector<1x1x16xf32>,
        %parallel_loop3A_979 = vector.shape_cast %parallel_loop3A_978 : vector<1x1x16xf32> to vector<16xf32>
        %parallel_loop3A_980 = arith.addf %parallel_loop3A_904, %parallel_loop3A_979 : vector<16xf32>
        %parallel_loop3A_981 = arith.constant 1 : i32
        %parallel_loop3A_982 = arith.index_cast %parallel_loop3A_981 : i32 to index
        %parallel_loop3A_983 = arith.index_cast %parallel_loop3A_894 : i32 to index
        %parallel_loop3A_984 = arith.constant 672 : index
        %parallel_loop3A_985 = tpu.vector_load %arg4[%parallel_loop3A_982, %parallel_loop3A_983, %parallel_loop3A_984] {strides = array<i32>} : memref<2x32x1024xf32, #tpu.memory_space<vmem>>, vector<1x1x16xf32>,
        %parallel_loop3A_986 = vector.shape_cast %parallel_loop3A_985 : vector<1x1x16xf32> to vector<16xf32>
        %parallel_loop3A_987 = arith.addf %parallel_loop3A_905, %parallel_loop3A_986 : vector<16xf32>
        %parallel_loop3A_988 = arith.constant 1 : i32
        %parallel_loop3A_989 = arith.index_cast %parallel_loop3A_988 : i32 to index
        %parallel_loop3A_990 = arith.index_cast %parallel_loop3A_894 : i32 to index
        %parallel_loop3A_991 = arith.constant 688 : index
        %parallel_loop3A_992 = tpu.vector_load %arg4[%parallel_loop3A_989, %parallel_loop3A_990, %parallel_loop3A_991] {strides = array<i32>} : memref<2x32x1024xf32, #tpu.memory_space<vmem>>, vector<1x1x16xf32>,
        %parallel_loop3A_993 = vector.shape_cast %parallel_loop3A_992 : vector<1x1x16xf32> to vector<16xf32>
        %parallel_loop3A_994 = arith.addf %parallel_loop3A_906, %parallel_loop3A_993 : vector<16xf32>
        %parallel_loop3A_995 = arith.constant 1 : i32
        %parallel_loop3A_996 = arith.index_cast %parallel_loop3A_995 : i32 to index
        %parallel_loop3A_997 = arith.index_cast %parallel_loop3A_894 : i32 to index
        %parallel_loop3A_998 = arith.constant 704 : index
        %parallel_loop3A_999 = tpu.vector_load %arg4[%parallel_loop3A_996, %parallel_loop3A_997, %parallel_loop3A_998] {strides = array<i32>} : memref<2x32x1024xf32, #tpu.memory_space<vmem>>, vector<1x1x16xf32>,
        %parallel_loop3A_1000 = vector.shape_cast %parallel_loop3A_999 : vector<1x1x16xf32> to vector<16xf32>
        %parallel_loop3A_1001 = arith.addf %parallel_loop3A_907, %parallel_loop3A_1000 : vector<16xf32>
        %parallel_loop3A_1002 = arith.constant 1 : i32
        %parallel_loop3A_1003 = arith.index_cast %parallel_loop3A_1002 : i32 to index
        %parallel_loop3A_1004 = arith.index_cast %parallel_loop3A_894 : i32 to index
        %parallel_loop3A_1005 = arith.constant 720 : index
        %parallel_loop3A_1006 = tpu.vector_load %arg4[%parallel_loop3A_1003, %parallel_loop3A_1004, %parallel_loop3A_1005] {strides = array<i32>} : memref<2x32x1024xf32, #tpu.memory_space<vmem>>, vector<1x1x16xf32>,
        %parallel_loop3A_1007 = vector.shape_cast %parallel_loop3A_1006 : vector<1x1x16xf32> to vector<16xf32>
        %parallel_loop3A_1008 = arith.addf %parallel_loop3A_908, %parallel_loop3A_1007 : vector<16xf32>
        %parallel_loop3A_1009 = arith.constant 1 : i32
        %parallel_loop3A_1010 = arith.index_cast %parallel_loop3A_1009 : i32 to index
        %parallel_loop3A_1011 = arith.index_cast %parallel_loop3A_894 : i32 to index
        %parallel_loop3A_1012 = arith.constant 736 : index
        %parallel_loop3A_1013 = tpu.vector_load %arg4[%parallel_loop3A_1010, %parallel_loop3A_1011, %parallel_loop3A_1012] {strides = array<i32>} : memref<2x32x1024xf32, #tpu.memory_space<vmem>>, vector<1x1x16xf32>,
        %parallel_loop3A_1014 = vector.shape_cast %parallel_loop3A_1013 : vector<1x1x16xf32> to vector<16xf32>
        %parallel_loop3A_1015 = arith.addf %parallel_loop3A_909, %parallel_loop3A_1014 : vector<16xf32>
        %parallel_loop3A_1016 = arith.constant 1 : i32
        %parallel_loop3A_1017 = arith.index_cast %parallel_loop3A_1016 : i32 to index
        %parallel_loop3A_1018 = arith.index_cast %parallel_loop3A_894 : i32 to index
        %parallel_loop3A_1019 = arith.constant 752 : index
        %parallel_loop3A_1020 = tpu.vector_load %arg4[%parallel_loop3A_1017, %parallel_loop3A_1018, %parallel_loop3A_1019] {strides = array<i32>} : memref<2x32x1024xf32, #tpu.memory_space<vmem>>, vector<1x1x16xf32>,
        %parallel_loop3A_1021 = vector.shape_cast %parallel_loop3A_1020 : vector<1x1x16xf32> to vector<16xf32>
        %parallel_loop3A_1022 = arith.addf %parallel_loop3A_910, %parallel_loop3A_1021 : vector<16xf32>
        scf.yield %parallel_loop3A_917, %parallel_loop3A_924, %parallel_loop3A_931, %parallel_loop3A_938, %parallel_loop3A_945, %parallel_loop3A_952, %parallel_loop3A_959, %parallel_loop3A_966, %parallel_loop3A_973, %parallel_loop3A_980, %parallel_loop3A_987, %parallel_loop3A_994, %parallel_loop3A_1001, %parallel_loop3A_1008, %parallel_loop3A_1015, %parallel_loop3A_1022 : vector<16xf32>, vector<16xf32>, vector<16xf32>, vector<16xf32>, vector<16xf32>, vector<16xf32>, vector<16xf32>, vector<16xf32>, vector<16xf32>, vector<16xf32>, vector<16xf32>, vector<16xf32>, vector<16xf32>, vector<16xf32>, vector<16xf32>, vector<16xf32>
      } {sc.loop_unroll_factor = 2 : i64, sc.parallel_access}
      %swap3A_755 = arith.constant 512 : index
      %swap3A_756 = tpu.vector_load %arg5[%swap3A_755] {strides = array<i32>} : memref<1024xf32, #tpu.memory_space<vmem>>, vector<16xf32>,
      %swap3A_757 = vector.shape_cast %swap3A_756 : vector<16xf32> to vector<16xf32>
      %swap3A_758 = vector.shape_cast %parallel_loop3A_754#0 : vector<16xf32> to vector<16xf32>
      tpu.vector_store %arg5[%swap3A_755], %swap3A_758 {add = true, strides = array<i32>} : memref<1024xf32, #tpu.memory_space<vmem>>, vector<16xf32>,
      %swap3A_759 = arith.constant 528 : index
      %swap3A_760 = tpu.vector_load %arg5[%swap3A_759] {strides = array<i32>} : memref<1024xf32, #tpu.memory_space<vmem>>, vector<16xf32>,
      %swap3A_761 = vector.shape_cast %swap3A_760 : vector<16xf32> to vector<16xf32>
      %swap3A_762 = vector.shape_cast %parallel_loop3A_754#1 : vector<16xf32> to vector<16xf32>
      tpu.vector_store %arg5[%swap3A_759], %swap3A_762 {add = true, strides = array<i32>} : memref<1024xf32, #tpu.memory_space<vmem>>, vector<16xf32>,
      %swap3A_763 = arith.constant 544 : index
      %swap3A_764 = tpu.vector_load %arg5[%swap3A_763] {strides = array<i32>} : memref<1024xf32, #tpu.memory_space<vmem>>, vector<16xf32>,
      %swap3A_765 = vector.shape_cast %swap3A_764 : vector<16xf32> to vector<16xf32>
      %swap3A_766 = vector.shape_cast %parallel_loop3A_754#2 : vector<16xf32> to vector<16xf32>
      tpu.vector_store %arg5[%swap3A_763], %swap3A_766 {add = true, strides = array<i32>} : memref<1024xf32, #tpu.memory_space<vmem>>, vector<16xf32>,
      %swap3A_767 = arith.constant 560 : index
      %swap3A_768 = tpu.vector_load %arg5[%swap3A_767] {strides = array<i32>} : memref<1024xf32, #tpu.memory_space<vmem>>, vector<16xf32>,
      %swap3A_769 = vector.shape_cast %swap3A_768 : vector<16xf32> to vector<16xf32>
      %swap3A_770 = vector.shape_cast %parallel_loop3A_754#3 : vector<16xf32> to vector<16xf32>
      tpu.vector_store %arg5[%swap3A_767], %swap3A_770 {add = true, strides = array<i32>} : memref<1024xf32, #tpu.memory_space<vmem>>, vector<16xf32>,
      %swap3A_771 = arith.constant 576 : index
      %swap3A_772 = tpu.vector_load %arg5[%swap3A_771] {strides = array<i32>} : memref<1024xf32, #tpu.memory_space<vmem>>, vector<16xf32>,
      %swap3A_773 = vector.shape_cast %swap3A_772 : vector<16xf32> to vector<16xf32>
      %swap3A_774 = vector.shape_cast %parallel_loop3A_754#4 : vector<16xf32> to vector<16xf32>
      tpu.vector_store %arg5[%swap3A_771], %swap3A_774 {add = true, strides = array<i32>} : memref<1024xf32, #tpu.memory_space<vmem>>, vector<16xf32>,
      %swap3A_775 = arith.constant 592 : index
      %swap3A_776 = tpu.vector_load %arg5[%swap3A_775] {strides = array<i32>} : memref<1024xf32, #tpu.memory_space<vmem>>, vector<16xf32>,
      %swap3A_777 = vector.shape_cast %swap3A_776 : vector<16xf32> to vector<16xf32>
      %swap3A_778 = vector.shape_cast %parallel_loop3A_754#5 : vector<16xf32> to vector<16xf32>
      tpu.vector_store %arg5[%swap3A_775], %swap3A_778 {add = true, strides = array<i32>} : memref<1024xf32, #tpu.memory_space<vmem>>, vector<16xf32>,
      %swap3A_779 = arith.constant 608 : index
      %swap3A_780 = tpu.vector_load %arg5[%swap3A_779] {strides = array<i32>} : memref<1024xf32, #tpu.memory_space<vmem>>, vector<16xf32>,
      %swap3A_781 = vector.shape_cast %swap3A_780 : vector<16xf32> to vector<16xf32>
      %swap3A_782 = vector.shape_cast %parallel_loop3A_754#6 : vector<16xf32> to vector<16xf32>
      tpu.vector_store %arg5[%swap3A_779], %swap3A_782 {add = true, strides = array<i32>} : memref<1024xf32, #tpu.memory_space<vmem>>, vector<16xf32>,
      %swap3A_783 = arith.constant 624 : index
      %swap3A_784 = tpu.vector_load %arg5[%swap3A_783] {strides = array<i32>} : memref<1024xf32, #tpu.memory_space<vmem>>, vector<16xf32>,
      %swap3A_785 = vector.shape_cast %swap3A_784 : vector<16xf32> to vector<16xf32>
      %swap3A_786 = vector.shape_cast %parallel_loop3A_754#7 : vector<16xf32> to vector<16xf32>
      tpu.vector_store %arg5[%swap3A_783], %swap3A_786 {add = true, strides = array<i32>} : memref<1024xf32, #tpu.memory_space<vmem>>, vector<16xf32>,
      %swap3A_787 = arith.constant 640 : index
      %swap3A_788 = tpu.vector_load %arg5[%swap3A_787] {strides = array<i32>} : memref<1024xf32, #tpu.memory_space<vmem>>, vector<16xf32>,
      %swap3A_789 = vector.shape_cast %swap3A_788 : vector<16xf32> to vector<16xf32>
      %swap3A_790 = vector.shape_cast %parallel_loop3A_754#8 : vector<16xf32> to vector<16xf32>
      tpu.vector_store %arg5[%swap3A_787], %swap3A_790 {add = true, strides = array<i32>} : memref<1024xf32, #tpu.memory_space<vmem>>, vector<16xf32>,
      %swap3A_791 = arith.constant 656 : index
      %swap3A_792 = tpu.vector_load %arg5[%swap3A_791] {strides = array<i32>} : memref<1024xf32, #tpu.memory_space<vmem>>, vector<16xf32>,
      %swap3A_793 = vector.shape_cast %swap3A_792 : vector<16xf32> to vector<16xf32>
      %swap3A_794 = vector.shape_cast %parallel_loop3A_754#9 : vector<16xf32> to vector<16xf32>
      tpu.vector_store %arg5[%swap3A_791], %swap3A_794 {add = true, strides = array<i32>} : memref<1024xf32, #tpu.memory_space<vmem>>, vector<16xf32>,
      %swap3A_795 = arith.constant 672 : index
      %swap3A_796 = tpu.vector_load %arg5[%swap3A_795] {strides = array<i32>} : memref<1024xf32, #tpu.memory_space<vmem>>, vector<16xf32>,
      %swap3A_797 = vector.shape_cast %swap3A_796 : vector<16xf32> to vector<16xf32>
      %swap3A_798 = vector.shape_cast %parallel_loop3A_754#10 : vector<16xf32> to vector<16xf32>
      tpu.vector_store %arg5[%swap3A_795], %swap3A_798 {add = true, strides = array<i32>} : memref<1024xf32, #tpu.memory_space<vmem>>, vector<16xf32>,
      %swap3A_799 = arith.constant 688 : index
      %swap3A_800 = tpu.vector_load %arg5[%swap3A_799] {strides = array<i32>} : memref<1024xf32, #tpu.memory_space<vmem>>, vector<16xf32>,
      %swap3A_801 = vector.shape_cast %swap3A_800 : vector<16xf32> to vector<16xf32>
      %swap3A_802 = vector.shape_cast %parallel_loop3A_754#11 : vector<16xf32> to vector<16xf32>
      tpu.vector_store %arg5[%swap3A_799], %swap3A_802 {add = true, strides = array<i32>} : memref<1024xf32, #tpu.memory_space<vmem>>, vector<16xf32>,
      %swap3A_803 = arith.constant 704 : index
      %swap3A_804 = tpu.vector_load %arg5[%swap3A_803] {strides = array<i32>} : memref<1024xf32, #tpu.memory_space<vmem>>, vector<16xf32>,
      %swap3A_805 = vector.shape_cast %swap3A_804 : vector<16xf32> to vector<16xf32>
      %swap3A_806 = vector.shape_cast %parallel_loop3A_754#12 : vector<16xf32> to vector<16xf32>
      tpu.vector_store %arg5[%swap3A_803], %swap3A_806 {add = true, strides = array<i32>} : memref<1024xf32, #tpu.memory_space<vmem>>, vector<16xf32>,
      %swap3A_807 = arith.constant 720 : index
      %swap3A_808 = tpu.vector_load %arg5[%swap3A_807] {strides = array<i32>} : memref<1024xf32, #tpu.memory_space<vmem>>, vector<16xf32>,
      %swap3A_809 = vector.shape_cast %swap3A_808 : vector<16xf32> to vector<16xf32>
      %swap3A_810 = vector.shape_cast %parallel_loop3A_754#13 : vector<16xf32> to vector<16xf32>
      tpu.vector_store %arg5[%swap3A_807], %swap3A_810 {add = true, strides = array<i32>} : memref<1024xf32, #tpu.memory_space<vmem>>, vector<16xf32>,
      %swap3A_811 = arith.constant 736 : index
      %swap3A_812 = tpu.vector_load %arg5[%swap3A_811] {strides = array<i32>} : memref<1024xf32, #tpu.memory_space<vmem>>, vector<16xf32>,
      %swap3A_813 = vector.shape_cast %swap3A_812 : vector<16xf32> to vector<16xf32>
      %swap3A_814 = vector.shape_cast %parallel_loop3A_754#14 : vector<16xf32> to vector<16xf32>
      tpu.vector_store %arg5[%swap3A_811], %swap3A_814 {add = true, strides = array<i32>} : memref<1024xf32, #tpu.memory_space<vmem>>, vector<16xf32>,
      %swap3A_815 = arith.constant 752 : index
      %swap3A_816 = tpu.vector_load %arg5[%swap3A_815] {strides = array<i32>} : memref<1024xf32, #tpu.memory_space<vmem>>, vector<16xf32>,
      %swap3A_817 = vector.shape_cast %swap3A_816 : vector<16xf32> to vector<16xf32>
      %swap3A_818 = vector.shape_cast %parallel_loop3A_754#15 : vector<16xf32> to vector<16xf32>
      tpu.vector_store %arg5[%swap3A_815], %swap3A_818 {add = true, strides = array<i32>} : memref<1024xf32, #tpu.memory_space<vmem>>, vector<16xf32>,
      %parallel_loop3A_819 = arith.constant 0 : i32
      %parallel_loop3A_820 = arith.constant 32 : i32
      %parallel_loop3A_821 = arith.constant 1 : i32
      %parallel_loop3A_822:16 = scf.for %parallel_loop3A_894 = %parallel_loop3A_819 to %parallel_loop3A_820 step %parallel_loop3A_821 iter_args(%parallel_loop3A_895 = %broadcast_in_dim3A_2, %parallel_loop3A_896 = %broadcast_in_dim3A_2, %parallel_loop3A_897 = %broadcast_in_dim3A_2, %parallel_loop3A_898 = %broadcast_in_dim3A_2, %parallel_loop3A_899 = %broadcast_in_dim3A_2, %parallel_loop3A_900 = %broadcast_in_dim3A_2, %parallel_loop3A_901 = %broadcast_in_dim3A_2, %parallel_loop3A_902 = %broadcast_in_dim3A_2, %parallel_loop3A_903 = %broadcast_in_dim3A_2, %parallel_loop3A_904 = %broadcast_in_dim3A_2, %parallel_loop3A_905 = %broadcast_in_dim3A_2, %parallel_loop3A_906 = %broadcast_in_dim3A_2, %parallel_loop3A_907 = %broadcast_in_dim3A_2, %parallel_loop3A_908 = %broadcast_in_dim3A_2, %parallel_loop3A_909 = %broadcast_in_dim3A_2, %parallel_loop3A_910 = %broadcast_in_dim3A_2) -> (vector<16xf32>, vector<16xf32>, vector<16xf32>, vector<16xf32>, vector<16xf32>, vector<16xf32>, vector<16xf32>, vector<16xf32>, vector<16xf32>, vector<16xf32>, vector<16xf32>, vector<16xf32>, vector<16xf32>, vector<16xf32>, vector<16xf32>, vector<16xf32>)  : i32 {
        %parallel_loop3A_911 = arith.constant 1 : i32
        %parallel_loop3A_912 = arith.index_cast %parallel_loop3A_911 : i32 to index
        %parallel_loop3A_913 = arith.index_cast %parallel_loop3A_894 : i32 to index
        %parallel_loop3A_914 = arith.constant 768 : index
        %parallel_loop3A_915 = tpu.vector_load %arg4[%parallel_loop3A_912, %parallel_loop3A_913, %parallel_loop3A_914] {strides = array<i32>} : memref<2x32x1024xf32, #tpu.memory_space<vmem>>, vector<1x1x16xf32>,
        %parallel_loop3A_916 = vector.shape_cast %parallel_loop3A_915 : vector<1x1x16xf32> to vector<16xf32>
        %parallel_loop3A_917 = arith.addf %parallel_loop3A_895, %parallel_loop3A_916 : vector<16xf32>
        %parallel_loop3A_918 = arith.constant 1 : i32
        %parallel_loop3A_919 = arith.index_cast %parallel_loop3A_918 : i32 to index
        %parallel_loop3A_920 = arith.index_cast %parallel_loop3A_894 : i32 to index
        %parallel_loop3A_921 = arith.constant 784 : index
        %parallel_loop3A_922 = tpu.vector_load %arg4[%parallel_loop3A_919, %parallel_loop3A_920, %parallel_loop3A_921] {strides = array<i32>} : memref<2x32x1024xf32, #tpu.memory_space<vmem>>, vector<1x1x16xf32>,
        %parallel_loop3A_923 = vector.shape_cast %parallel_loop3A_922 : vector<1x1x16xf32> to vector<16xf32>
        %parallel_loop3A_924 = arith.addf %parallel_loop3A_896, %parallel_loop3A_923 : vector<16xf32>
        %parallel_loop3A_925 = arith.constant 1 : i32
        %parallel_loop3A_926 = arith.index_cast %parallel_loop3A_925 : i32 to index
        %parallel_loop3A_927 = arith.index_cast %parallel_loop3A_894 : i32 to index
        %parallel_loop3A_928 = arith.constant 800 : index
        %parallel_loop3A_929 = tpu.vector_load %arg4[%parallel_loop3A_926, %parallel_loop3A_927, %parallel_loop3A_928] {strides = array<i32>} : memref<2x32x1024xf32, #tpu.memory_space<vmem>>, vector<1x1x16xf32>,
        %parallel_loop3A_930 = vector.shape_cast %parallel_loop3A_929 : vector<1x1x16xf32> to vector<16xf32>
        %parallel_loop3A_931 = arith.addf %parallel_loop3A_897, %parallel_loop3A_930 : vector<16xf32>
        %parallel_loop3A_932 = arith.constant 1 : i32
        %parallel_loop3A_933 = arith.index_cast %parallel_loop3A_932 : i32 to index
        %parallel_loop3A_934 = arith.index_cast %parallel_loop3A_894 : i32 to index
        %parallel_loop3A_935 = arith.constant 816 : index
        %parallel_loop3A_936 = tpu.vector_load %arg4[%parallel_loop3A_933, %parallel_loop3A_934, %parallel_loop3A_935] {strides = array<i32>} : memref<2x32x1024xf32, #tpu.memory_space<vmem>>, vector<1x1x16xf32>,
        %parallel_loop3A_937 = vector.shape_cast %parallel_loop3A_936 : vector<1x1x16xf32> to vector<16xf32>
        %parallel_loop3A_938 = arith.addf %parallel_loop3A_898, %parallel_loop3A_937 : vector<16xf32>
        %parallel_loop3A_939 = arith.constant 1 : i32
        %parallel_loop3A_940 = arith.index_cast %parallel_loop3A_939 : i32 to index
        %parallel_loop3A_941 = arith.index_cast %parallel_loop3A_894 : i32 to index
        %parallel_loop3A_942 = arith.constant 832 : index
        %parallel_loop3A_943 = tpu.vector_load %arg4[%parallel_loop3A_940, %parallel_loop3A_941, %parallel_loop3A_942] {strides = array<i32>} : memref<2x32x1024xf32, #tpu.memory_space<vmem>>, vector<1x1x16xf32>,
        %parallel_loop3A_944 = vector.shape_cast %parallel_loop3A_943 : vector<1x1x16xf32> to vector<16xf32>
        %parallel_loop3A_945 = arith.addf %parallel_loop3A_899, %parallel_loop3A_944 : vector<16xf32>
        %parallel_loop3A_946 = arith.constant 1 : i32
        %parallel_loop3A_947 = arith.index_cast %parallel_loop3A_946 : i32 to index
        %parallel_loop3A_948 = arith.index_cast %parallel_loop3A_894 : i32 to index
        %parallel_loop3A_949 = arith.constant 848 : index
        %parallel_loop3A_950 = tpu.vector_load %arg4[%parallel_loop3A_947, %parallel_loop3A_948, %parallel_loop3A_949] {strides = array<i32>} : memref<2x32x1024xf32, #tpu.memory_space<vmem>>, vector<1x1x16xf32>,
        %parallel_loop3A_951 = vector.shape_cast %parallel_loop3A_950 : vector<1x1x16xf32> to vector<16xf32>
        %parallel_loop3A_952 = arith.addf %parallel_loop3A_900, %parallel_loop3A_951 : vector<16xf32>
        %parallel_loop3A_953 = arith.constant 1 : i32
        %parallel_loop3A_954 = arith.index_cast %parallel_loop3A_953 : i32 to index
        %parallel_loop3A_955 = arith.index_cast %parallel_loop3A_894 : i32 to index
        %parallel_loop3A_956 = arith.constant 864 : index
        %parallel_loop3A_957 = tpu.vector_load %arg4[%parallel_loop3A_954, %parallel_loop3A_955, %parallel_loop3A_956] {strides = array<i32>} : memref<2x32x1024xf32, #tpu.memory_space<vmem>>, vector<1x1x16xf32>,
        %parallel_loop3A_958 = vector.shape_cast %parallel_loop3A_957 : vector<1x1x16xf32> to vector<16xf32>
        %parallel_loop3A_959 = arith.addf %parallel_loop3A_901, %parallel_loop3A_958 : vector<16xf32>
        %parallel_loop3A_960 = arith.constant 1 : i32
        %parallel_loop3A_961 = arith.index_cast %parallel_loop3A_960 : i32 to index
        %parallel_loop3A_962 = arith.index_cast %parallel_loop3A_894 : i32 to index
        %parallel_loop3A_963 = arith.constant 880 : index
        %parallel_loop3A_964 = tpu.vector_load %arg4[%parallel_loop3A_961, %parallel_loop3A_962, %parallel_loop3A_963] {strides = array<i32>} : memref<2x32x1024xf32, #tpu.memory_space<vmem>>, vector<1x1x16xf32>,
        %parallel_loop3A_965 = vector.shape_cast %parallel_loop3A_964 : vector<1x1x16xf32> to vector<16xf32>
        %parallel_loop3A_966 = arith.addf %parallel_loop3A_902, %parallel_loop3A_965 : vector<16xf32>
        %parallel_loop3A_967 = arith.constant 1 : i32
        %parallel_loop3A_968 = arith.index_cast %parallel_loop3A_967 : i32 to index
        %parallel_loop3A_969 = arith.index_cast %parallel_loop3A_894 : i32 to index
        %parallel_loop3A_970 = arith.constant 896 : index
        %parallel_loop3A_971 = tpu.vector_load %arg4[%parallel_loop3A_968, %parallel_loop3A_969, %parallel_loop3A_970] {strides = array<i32>} : memref<2x32x1024xf32, #tpu.memory_space<vmem>>, vector<1x1x16xf32>,
        %parallel_loop3A_972 = vector.shape_cast %parallel_loop3A_971 : vector<1x1x16xf32> to vector<16xf32>
        %parallel_loop3A_973 = arith.addf %parallel_loop3A_903, %parallel_loop3A_972 : vector<16xf32>
        %parallel_loop3A_974 = arith.constant 1 : i32
        %parallel_loop3A_975 = arith.index_cast %parallel_loop3A_974 : i32 to index
        %parallel_loop3A_976 = arith.index_cast %parallel_loop3A_894 : i32 to index
        %parallel_loop3A_977 = arith.constant 912 : index
        %parallel_loop3A_978 = tpu.vector_load %arg4[%parallel_loop3A_975, %parallel_loop3A_976, %parallel_loop3A_977] {strides = array<i32>} : memref<2x32x1024xf32, #tpu.memory_space<vmem>>, vector<1x1x16xf32>,
        %parallel_loop3A_979 = vector.shape_cast %parallel_loop3A_978 : vector<1x1x16xf32> to vector<16xf32>
        %parallel_loop3A_980 = arith.addf %parallel_loop3A_904, %parallel_loop3A_979 : vector<16xf32>
        %parallel_loop3A_981 = arith.constant 1 : i32
        %parallel_loop3A_982 = arith.index_cast %parallel_loop3A_981 : i32 to index
        %parallel_loop3A_983 = arith.index_cast %parallel_loop3A_894 : i32 to index
        %parallel_loop3A_984 = arith.constant 928 : index
        %parallel_loop3A_985 = tpu.vector_load %arg4[%parallel_loop3A_982, %parallel_loop3A_983, %parallel_loop3A_984] {strides = array<i32>} : memref<2x32x1024xf32, #tpu.memory_space<vmem>>, vector<1x1x16xf32>,
        %parallel_loop3A_986 = vector.shape_cast %parallel_loop3A_985 : vector<1x1x16xf32> to vector<16xf32>
        %parallel_loop3A_987 = arith.addf %parallel_loop3A_905, %parallel_loop3A_986 : vector<16xf32>
        %parallel_loop3A_988 = arith.constant 1 : i32
        %parallel_loop3A_989 = arith.index_cast %parallel_loop3A_988 : i32 to index
        %parallel_loop3A_990 = arith.index_cast %parallel_loop3A_894 : i32 to index
        %parallel_loop3A_991 = arith.constant 944 : index
        %parallel_loop3A_992 = tpu.vector_load %arg4[%parallel_loop3A_989, %parallel_loop3A_990, %parallel_loop3A_991] {strides = array<i32>} : memref<2x32x1024xf32, #tpu.memory_space<vmem>>, vector<1x1x16xf32>,
        %parallel_loop3A_993 = vector.shape_cast %parallel_loop3A_992 : vector<1x1x16xf32> to vector<16xf32>
        %parallel_loop3A_994 = arith.addf %parallel_loop3A_906, %parallel_loop3A_993 : vector<16xf32>
        %parallel_loop3A_995 = arith.constant 1 : i32
        %parallel_loop3A_996 = arith.index_cast %parallel_loop3A_995 : i32 to index
        %parallel_loop3A_997 = arith.index_cast %parallel_loop3A_894 : i32 to index
        %parallel_loop3A_998 = arith.constant 960 : index
        %parallel_loop3A_999 = tpu.vector_load %arg4[%parallel_loop3A_996, %parallel_loop3A_997, %parallel_loop3A_998] {strides = array<i32>} : memref<2x32x1024xf32, #tpu.memory_space<vmem>>, vector<1x1x16xf32>,
        %parallel_loop3A_1000 = vector.shape_cast %parallel_loop3A_999 : vector<1x1x16xf32> to vector<16xf32>
        %parallel_loop3A_1001 = arith.addf %parallel_loop3A_907, %parallel_loop3A_1000 : vector<16xf32>
        %parallel_loop3A_1002 = arith.constant 1 : i32
        %parallel_loop3A_1003 = arith.index_cast %parallel_loop3A_1002 : i32 to index
        %parallel_loop3A_1004 = arith.index_cast %parallel_loop3A_894 : i32 to index
        %parallel_loop3A_1005 = arith.constant 976 : index
        %parallel_loop3A_1006 = tpu.vector_load %arg4[%parallel_loop3A_1003, %parallel_loop3A_1004, %parallel_loop3A_1005] {strides = array<i32>} : memref<2x32x1024xf32, #tpu.memory_space<vmem>>, vector<1x1x16xf32>,
        %parallel_loop3A_1007 = vector.shape_cast %parallel_loop3A_1006 : vector<1x1x16xf32> to vector<16xf32>
        %parallel_loop3A_1008 = arith.addf %parallel_loop3A_908, %parallel_loop3A_1007 : vector<16xf32>
        %parallel_loop3A_1009 = arith.constant 1 : i32
        %parallel_loop3A_1010 = arith.index_cast %parallel_loop3A_1009 : i32 to index
        %parallel_loop3A_1011 = arith.index_cast %parallel_loop3A_894 : i32 to index
        %parallel_loop3A_1012 = arith.constant 992 : index
        %parallel_loop3A_1013 = tpu.vector_load %arg4[%parallel_loop3A_1010, %parallel_loop3A_1011, %parallel_loop3A_1012] {strides = array<i32>} : memref<2x32x1024xf32, #tpu.memory_space<vmem>>, vector<1x1x16xf32>,
        %parallel_loop3A_1014 = vector.shape_cast %parallel_loop3A_1013 : vector<1x1x16xf32> to vector<16xf32>
        %parallel_loop3A_1015 = arith.addf %parallel_loop3A_909, %parallel_loop3A_1014 : vector<16xf32>
        %parallel_loop3A_1016 = arith.constant 1 : i32
        %parallel_loop3A_1017 = arith.index_cast %parallel_loop3A_1016 : i32 to index
        %parallel_loop3A_1018 = arith.index_cast %parallel_loop3A_894 : i32 to index
        %parallel_loop3A_1019 = arith.constant 1008 : index
        %parallel_loop3A_1020 = tpu.vector_load %arg4[%parallel_loop3A_1017, %parallel_loop3A_1018, %parallel_loop3A_1019] {strides = array<i32>} : memref<2x32x1024xf32, #tpu.memory_space<vmem>>, vector<1x1x16xf32>,
        %parallel_loop3A_1021 = vector.shape_cast %parallel_loop3A_1020 : vector<1x1x16xf32> to vector<16xf32>
        %parallel_loop3A_1022 = arith.addf %parallel_loop3A_910, %parallel_loop3A_1021 : vector<16xf32>
        scf.yield %parallel_loop3A_917, %parallel_loop3A_924, %parallel_loop3A_931, %parallel_loop3A_938, %parallel_loop3A_945, %parallel_loop3A_952, %parallel_loop3A_959, %parallel_loop3A_966, %parallel_loop3A_973, %parallel_loop3A_980, %parallel_loop3A_987, %parallel_loop3A_994, %parallel_loop3A_1001, %parallel_loop3A_1008, %parallel_loop3A_1015, %parallel_loop3A_1022 : vector<16xf32>, vector<16xf32>, vector<16xf32>, vector<16xf32>, vector<16xf32>, vector<16xf32>, vector<16xf32>, vector<16xf32>, vector<16xf32>, vector<16xf32>, vector<16xf32>, vector<16xf32>, vector<16xf32>, vector<16xf32>, vector<16xf32>, vector<16xf32>
      } {sc.loop_unroll_factor = 2 : i64, sc.parallel_access}
      %swap3A_823 = arith.constant 768 : index
      %swap3A_824 = tpu.vector_load %arg5[%swap3A_823] {strides = array<i32>} : memref<1024xf32, #tpu.memory_space<vmem>>, vector<16xf32>,
      %swap3A_825 = vector.shape_cast %swap3A_824 : vector<16xf32> to vector<16xf32>
      %swap3A_826 = vector.shape_cast %parallel_loop3A_822#0 : vector<16xf32> to vector<16xf32>
      tpu.vector_store %arg5[%swap3A_823], %swap3A_826 {add = true, strides = array<i32>} : memref<1024xf32, #tpu.memory_space<vmem>>, vector<16xf32>,
      %swap3A_827 = arith.constant 784 : index
      %swap3A_828 = tpu.vector_load %arg5[%swap3A_827] {strides = array<i32>} : memref<1024xf32, #tpu.memory_space<vmem>>, vector<16xf32>,
      %swap3A_829 = vector.shape_cast %swap3A_828 : vector<16xf32> to vector<16xf32>
      %swap3A_830 = vector.shape_cast %parallel_loop3A_822#1 : vector<16xf32> to vector<16xf32>
      tpu.vector_store %arg5[%swap3A_827], %swap3A_830 {add = true, strides = array<i32>} : memref<1024xf32, #tpu.memory_space<vmem>>, vector<16xf32>,
      %swap3A_831 = arith.constant 800 : index
      %swap3A_832 = tpu.vector_load %arg5[%swap3A_831] {strides = array<i32>} : memref<1024xf32, #tpu.memory_space<vmem>>, vector<16xf32>,
      %swap3A_833 = vector.shape_cast %swap3A_832 : vector<16xf32> to vector<16xf32>
      %swap3A_834 = vector.shape_cast %parallel_loop3A_822#2 : vector<16xf32> to vector<16xf32>
      tpu.vector_store %arg5[%swap3A_831], %swap3A_834 {add = true, strides = array<i32>} : memref<1024xf32, #tpu.memory_space<vmem>>, vector<16xf32>,
      %swap3A_835 = arith.constant 816 : index
      %swap3A_836 = tpu.vector_load %arg5[%swap3A_835] {strides = array<i32>} : memref<1024xf32, #tpu.memory_space<vmem>>, vector<16xf32>,
      %swap3A_837 = vector.shape_cast %swap3A_836 : vector<16xf32> to vector<16xf32>
      %swap3A_838 = vector.shape_cast %parallel_loop3A_822#3 : vector<16xf32> to vector<16xf32>
      tpu.vector_store %arg5[%swap3A_835], %swap3A_838 {add = true, strides = array<i32>} : memref<1024xf32, #tpu.memory_space<vmem>>, vector<16xf32>,
      %swap3A_839 = arith.constant 832 : index
      %swap3A_840 = tpu.vector_load %arg5[%swap3A_839] {strides = array<i32>} : memref<1024xf32, #tpu.memory_space<vmem>>, vector<16xf32>,
      %swap3A_841 = vector.shape_cast %swap3A_840 : vector<16xf32> to vector<16xf32>
      %swap3A_842 = vector.shape_cast %parallel_loop3A_822#4 : vector<16xf32> to vector<16xf32>
      tpu.vector_store %arg5[%swap3A_839], %swap3A_842 {add = true, strides = array<i32>} : memref<1024xf32, #tpu.memory_space<vmem>>, vector<16xf32>,
      %swap3A_843 = arith.constant 848 : index
      %swap3A_844 = tpu.vector_load %arg5[%swap3A_843] {strides = array<i32>} : memref<1024xf32, #tpu.memory_space<vmem>>, vector<16xf32>,
      %swap3A_845 = vector.shape_cast %swap3A_844 : vector<16xf32> to vector<16xf32>
      %swap3A_846 = vector.shape_cast %parallel_loop3A_822#5 : vector<16xf32> to vector<16xf32>
      tpu.vector_store %arg5[%swap3A_843], %swap3A_846 {add = true, strides = array<i32>} : memref<1024xf32, #tpu.memory_space<vmem>>, vector<16xf32>,
      %swap3A_847 = arith.constant 864 : index
      %swap3A_848 = tpu.vector_load %arg5[%swap3A_847] {strides = array<i32>} : memref<1024xf32, #tpu.memory_space<vmem>>, vector<16xf32>,
      %swap3A_849 = vector.shape_cast %swap3A_848 : vector<16xf32> to vector<16xf32>
      %swap3A_850 = vector.shape_cast %parallel_loop3A_822#6 : vector<16xf32> to vector<16xf32>
      tpu.vector_store %arg5[%swap3A_847], %swap3A_850 {add = true, strides = array<i32>} : memref<1024xf32, #tpu.memory_space<vmem>>, vector<16xf32>,
      %swap3A_851 = arith.constant 880 : index
      %swap3A_852 = tpu.vector_load %arg5[%swap3A_851] {strides = array<i32>} : memref<1024xf32, #tpu.memory_space<vmem>>, vector<16xf32>,
      %swap3A_853 = vector.shape_cast %swap3A_852 : vector<16xf32> to vector<16xf32>
      %swap3A_854 = vector.shape_cast %parallel_loop3A_822#7 : vector<16xf32> to vector<16xf32>
      tpu.vector_store %arg5[%swap3A_851], %swap3A_854 {add = true, strides = array<i32>} : memref<1024xf32, #tpu.memory_space<vmem>>, vector<16xf32>,
      %swap3A_855 = arith.constant 896 : index
      %swap3A_856 = tpu.vector_load %arg5[%swap3A_855] {strides = array<i32>} : memref<1024xf32, #tpu.memory_space<vmem>>, vector<16xf32>,
      %swap3A_857 = vector.shape_cast %swap3A_856 : vector<16xf32> to vector<16xf32>
      %swap3A_858 = vector.shape_cast %parallel_loop3A_822#8 : vector<16xf32> to vector<16xf32>
      tpu.vector_store %arg5[%swap3A_855], %swap3A_858 {add = true, strides = array<i32>} : memref<1024xf32, #tpu.memory_space<vmem>>, vector<16xf32>,
      %swap3A_859 = arith.constant 912 : index
      %swap3A_860 = tpu.vector_load %arg5[%swap3A_859] {strides = array<i32>} : memref<1024xf32, #tpu.memory_space<vmem>>, vector<16xf32>,
      %swap3A_861 = vector.shape_cast %swap3A_860 : vector<16xf32> to vector<16xf32>
      %swap3A_862 = vector.shape_cast %parallel_loop3A_822#9 : vector<16xf32> to vector<16xf32>
      tpu.vector_store %arg5[%swap3A_859], %swap3A_862 {add = true, strides = array<i32>} : memref<1024xf32, #tpu.memory_space<vmem>>, vector<16xf32>,
      %swap3A_863 = arith.constant 928 : index
      %swap3A_864 = tpu.vector_load %arg5[%swap3A_863] {strides = array<i32>} : memref<1024xf32, #tpu.memory_space<vmem>>, vector<16xf32>,
      %swap3A_865 = vector.shape_cast %swap3A_864 : vector<16xf32> to vector<16xf32>
      %swap3A_866 = vector.shape_cast %parallel_loop3A_822#10 : vector<16xf32> to vector<16xf32>
      tpu.vector_store %arg5[%swap3A_863], %swap3A_866 {add = true, strides = array<i32>} : memref<1024xf32, #tpu.memory_space<vmem>>, vector<16xf32>,
      %swap3A_867 = arith.constant 944 : index
      %swap3A_868 = tpu.vector_load %arg5[%swap3A_867] {strides = array<i32>} : memref<1024xf32, #tpu.memory_space<vmem>>, vector<16xf32>,
      %swap3A_869 = vector.shape_cast %swap3A_868 : vector<16xf32> to vector<16xf32>
      %swap3A_870 = vector.shape_cast %parallel_loop3A_822#11 : vector<16xf32> to vector<16xf32>
      tpu.vector_store %arg5[%swap3A_867], %swap3A_870 {add = true, strides = array<i32>} : memref<1024xf32, #tpu.memory_space<vmem>>, vector<16xf32>,
      %swap3A_871 = arith.constant 960 : index
      %swap3A_872 = tpu.vector_load %arg5[%swap3A_871] {strides = array<i32>} : memref<1024xf32, #tpu.memory_space<vmem>>, vector<16xf32>,
      %swap3A_873 = vector.shape_cast %swap3A_872 : vector<16xf32> to vector<16xf32>
      %swap3A_874 = vector.shape_cast %parallel_loop3A_822#12 : vector<16xf32> to vector<16xf32>
      tpu.vector_store %arg5[%swap3A_871], %swap3A_874 {add = true, strides = array<i32>} : memref<1024xf32, #tpu.memory_space<vmem>>, vector<16xf32>,
      %swap3A_875 = arith.constant 976 : index
      %swap3A_876 = tpu.vector_load %arg5[%swap3A_875] {strides = array<i32>} : memref<1024xf32, #tpu.memory_space<vmem>>, vector<16xf32>,
      %swap3A_877 = vector.shape_cast %swap3A_876 : vector<16xf32> to vector<16xf32>
      %swap3A_878 = vector.shape_cast %parallel_loop3A_822#13 : vector<16xf32> to vector<16xf32>
      tpu.vector_store %arg5[%swap3A_875], %swap3A_878 {add = true, strides = array<i32>} : memref<1024xf32, #tpu.memory_space<vmem>>, vector<16xf32>,
      %swap3A_879 = arith.constant 992 : index
      %swap3A_880 = tpu.vector_load %arg5[%swap3A_879] {strides = array<i32>} : memref<1024xf32, #tpu.memory_space<vmem>>, vector<16xf32>,
      %swap3A_881 = vector.shape_cast %swap3A_880 : vector<16xf32> to vector<16xf32>
      %swap3A_882 = vector.shape_cast %parallel_loop3A_822#14 : vector<16xf32> to vector<16xf32>
      tpu.vector_store %arg5[%swap3A_879], %swap3A_882 {add = true, strides = array<i32>} : memref<1024xf32, #tpu.memory_space<vmem>>, vector<16xf32>,
      %swap3A_883 = arith.constant 1008 : index
      %swap3A_884 = tpu.vector_load %arg5[%swap3A_883] {strides = array<i32>} : memref<1024xf32, #tpu.memory_space<vmem>>, vector<16xf32>,
      %swap3A_885 = vector.shape_cast %swap3A_884 : vector<16xf32> to vector<16xf32>
      %swap3A_886 = vector.shape_cast %parallel_loop3A_822#15 : vector<16xf32> to vector<16xf32>
      tpu.vector_store %arg5[%swap3A_883], %swap3A_886 {add = true, strides = array<i32>} : memref<1024xf32, #tpu.memory_space<vmem>>, vector<16xf32>,
      %add3A_887 = arith.constant 2 : i32
      %add3A_888 = arith.addi %add3A_596, %add3A_887 : i32
      %lt3A_889 = arith.constant 12 : i32
      %lt3A_890 = arith.cmpi slt, %add3A_888, %lt3A_889 : i32
      %convert_element_type3A_891 = arith.extui %lt3A_890 : i1 to i32
      %cond3A_892 = arith.constant 0 : i32
      %cond3A_893 = arith.cmpi ne, %convert_element_type3A_891, %cond3A_892 : i32
      scf.if %cond3A_893 {
        %add3A_894 = arith.constant 2 : i32
        %add3A_895 = arith.addi %add3A_596, %add3A_894 : i32
        %mul3A_896 = arith.constant 32 : i32
        %mul3A_897 = arith.muli %add3A_895, %mul3A_896 : i32
        %add3A_898 = arith.addi %add3A_1, %mul3A_897 : i32
        %dma_start3A_899 = arith.constant 1 : i32
        %dma_start3A_900 = arith.constant 0 : i32
        %dma_start3A_901 = arith.constant 0 : i32
        %dma_start3A_902 = tpu.memref_slice %arg4[%dma_start3A_899, %dma_start3A_900, %dma_start3A_901] : memref<2x32x1024xf32, #tpu.memory_space<vmem>> -> memref<1x32x1024xf32, #tpu.memory_space<vmem>>
        %dma_start3A_903 = tpu.memref_squeeze %dma_start3A_902 : memref<1x32x1024xf32, #tpu.memory_space<vmem>> -> memref<32x1024xf32, #tpu.memory_space<vmem>>
        %dma_start3A_904 = arith.constant 0 : i32
        %dma_start3A_905 = tpu.memref_slice %arg2[%arg1, %add3A_898, %dma_start3A_904] : memref<16x4096x1024xf32, #tpu.memory_space<hbm>> -> memref<1x32x1024xf32, #tpu.memory_space<hbm>>
        %dma_start3A_906 = tpu.memref_squeeze %dma_start3A_905 : memref<1x32x1024xf32, #tpu.memory_space<hbm>> -> memref<32x1024xf32, #tpu.memory_space<hbm>>
        %dma_start3A_907 = arith.constant 0 : i32
        %dma_start3A_908 = arith.constant 0 : i32
        %dma_start3A_909 = tpu.memref_slice %arg4[%dma_start3A_899, %dma_start3A_907, %dma_start3A_908] : memref<2x32x1024xf32, #tpu.memory_space<vmem>> -> memref<1x32x1024xf32, #tpu.memory_space<vmem>>
        %dma_start3A_910 = tpu.memref_squeeze %dma_start3A_909 : memref<1x32x1024xf32, #tpu.memory_space<vmem>> -> memref<32x1024xf32, #tpu.memory_space<vmem>>
        %dma_start3A_911 = arith.constant 0 : i32
        %dma_start3A_912 = tpu.memref_slice %arg2[%arg1, %add3A_898, %dma_start3A_911] : memref<16x4096x1024xf32, #tpu.memory_space<hbm>> -> memref<1x32x1024xf32, #tpu.memory_space<hbm>>
        %dma_start3A_913 = tpu.memref_squeeze %dma_start3A_912 : memref<1x32x1024xf32, #tpu.memory_space<hbm>> -> memref<32x1024xf32, #tpu.memory_space<hbm>>
        tpu.enqueue_dma source(%dma_start3A_913 : memref<32x1024xf32, #tpu.memory_space<hbm>>) target(%dma_start3A_910 : memref<32x1024xf32, #tpu.memory_space<vmem>>) target_semaphore(%arg7 : memref<!tpu.dma_semaphore, #tpu.memory_space<semaphore_mem>>)
      } else {
      }
    }
    %scan3A_295 = arith.constant 6 : i32
    "tpu.region"() ({
      %run_scoped3A = tpu.sem_alloc : memref<!tpu.dma_semaphore, #tpu.memory_space<semaphore_mem>>
      %dma_start3A_296 = arith.constant 0 : i32
      %dma_start3A_297 = tpu.memref_slice %arg3[%arg0, %arg1, %dma_start3A_296] : memref<2x16x1024xf32, #tpu.memory_space<hbm>> -> memref<1x1x1024xf32, #tpu.memory_space<hbm>>
      %dma_start3A_298 = tpu.memref_squeeze %dma_start3A_297 : memref<1x1x1024xf32, #tpu.memory_space<hbm>> -> memref<1024xf32, #tpu.memory_space<hbm>>
      %dma_start3A_299 = arith.constant 0 : i32
      %dma_start3A_300 = tpu.memref_slice %arg3[%arg0, %arg1, %dma_start3A_299] : memref<2x16x1024xf32, #tpu.memory_space<hbm>> -> memref<1x1x1024xf32, #tpu.memory_space<hbm>>
      %dma_start3A_301 = tpu.memref_squeeze %dma_start3A_300 : memref<1x1x1024xf32, #tpu.memory_space<hbm>> -> memref<1024xf32, #tpu.memory_space<hbm>>
      tpu.enqueue_dma source(%arg5 : memref<1024xf32, #tpu.memory_space<vmem>>) target(%dma_start3A_301 : memref<1024xf32, #tpu.memory_space<hbm>>) target_semaphore(%run_scoped3A : memref<!tpu.dma_semaphore, #tpu.memory_space<semaphore_mem>>)
      %dma_wait3A = arith.constant 0 : i32
      %dma_wait3A_302 = tpu.memref_slice %arg3[%arg0, %arg1, %dma_wait3A] : memref<2x16x1024xf32, #tpu.memory_space<hbm>> -> memref<1x1x1024xf32, #tpu.memory_space<hbm>>
      %dma_wait3A_303 = tpu.memref_squeeze %dma_wait3A_302 : memref<1x1x1024xf32, #tpu.memory_space<hbm>> -> memref<1024xf32, #tpu.memory_space<hbm>>
      %dma_wait3A_304 = arith.constant 0 : i32
      %dma_wait3A_305 = tpu.memref_slice %arg3[%arg0, %arg1, %dma_wait3A_304] : memref<2x16x1024xf32, #tpu.memory_space<hbm>> -> memref<1x1x1024xf32, #tpu.memory_space<hbm>>
      %dma_wait3A_306 = tpu.memref_squeeze %dma_wait3A_305 : memref<1x1x1024xf32, #tpu.memory_space<hbm>> -> memref<1024xf32, #tpu.memory_space<hbm>>
      tpu.wait_dma2 semaphore(%run_scoped3A : memref<!tpu.dma_semaphore, #tpu.memory_space<semaphore_mem>>) src(%arg5 : memref<1024xf32, #tpu.memory_space<vmem>>) dst(%dma_wait3A_306 : memref<1024xf32, #tpu.memory_space<hbm>>)
      tpu.yield
    }) : () -> ()
    return
  }
}

module attributes {stable_mosaic.version = 14 : i64} {
  func.func @_combine_body(%arg0: memref<16x1x1024xf32, #tpu.memory_space<vmem>>, %arg1: memref<2x16x1024xf32, #tpu.memory_space<vmem>>, %arg2: memref<16x1024xf32, #tpu.memory_space<vmem>>) attributes {dimension_semantics = [], scalar_prefetch = 0 : i64, scratch_operands = 0 : i64, tpu.core_type = #tpu.core_type<tc>} {
    %get3A = arith.constant 0 : index
    %get3A_0 = arith.constant 0 : index
    %get3A_1 = arith.constant 0 : index
    %get3A_2 = vector.load %arg0[%get3A, %get3A_0, %get3A_1] : memref<16x1x1024xf32, #tpu.memory_space<vmem>>, vector<16x1x1024xf32>
    %get3A_3 = vector.shape_cast %get3A_2 : vector<16x1x1024xf32> to vector<16x1024xf32>
    %get3A_4 = arith.constant 0 : index
    %get3A_5 = arith.constant 0 : index
    %get3A_6 = arith.constant 0 : index
    %get3A_7 = vector.load %arg1[%get3A_4, %get3A_5, %get3A_6] : memref<2x16x1024xf32, #tpu.memory_space<vmem>>, vector<1x16x1024xf32>
    %get3A_8 = vector.shape_cast %get3A_7 : vector<1x16x1024xf32> to vector<16x1024xf32>
    %add3A = arith.addf %get3A_3, %get3A_8 : vector<16x1024xf32>
    %get3A_9 = arith.constant 1 : index
    %get3A_10 = arith.constant 0 : index
    %get3A_11 = arith.constant 0 : index
    %get3A_12 = vector.load %arg1[%get3A_9, %get3A_10, %get3A_11] : memref<2x16x1024xf32, #tpu.memory_space<vmem>>, vector<1x16x1024xf32>
    %get3A_13 = vector.shape_cast %get3A_12 : vector<1x16x1024xf32> to vector<16x1024xf32>
    %add3A_14 = arith.addf %add3A, %get3A_13 : vector<16x1024xf32>
    %mul3A = arith.constant 2.44140625E-4 : f32
    %mul3A_15 = vector.broadcast %mul3A : f32 to vector<16x1024xf32>
    %mul3A_16 = arith.mulf %add3A_14, %mul3A_15 : vector<16x1024xf32>
    %swap3A = arith.constant 0 : index
    %swap3A_17 = arith.constant 0 : index
    %swap3A_18 = vector.load %arg2[%swap3A, %swap3A_17] : memref<16x1024xf32, #tpu.memory_space<vmem>>, vector<16x1024xf32>
    tpu.vector_store %arg2[%swap3A, %swap3A_17], %mul3A_16 {strides = array<i32>} : memref<16x1024xf32, #tpu.memory_space<vmem>>, vector<16x1024xf32>,
    return
  }
}

module attributes {stable_mosaic.version = 14 : i64} {
  func.func @_tc_body(%arg0: i32, %arg1: i32, %arg2: memref<1x1664x1024xf32, #tpu.memory_space<vmem>>, %arg3: memref<1x1x1024xf32, #tpu.memory_space<vmem>>) attributes {dimension_semantics = [#tpu.dimension_semantics<parallel>, #tpu.dimension_semantics<arbitrary>], iteration_bounds = array<i64: 16, 2>, scalar_prefetch = 0 : i64, scratch_operands = 0 : i64, tpu.core_type = #tpu.core_type<tc>, window_params = [{transform_indices = @transform_0, window_bounds = array<i64: 1, 1664, 1024>}, {transform_indices = @transform_1, window_bounds = array<i64: 1, 1, 1024>}]} {
    %eq3A = arith.constant 0 : i32
    %eq3A_0 = arith.cmpi eq, %arg1, %eq3A : i32
    %convert_element_type3A = arith.extui %eq3A_0 : i1 to i32
    %cond3A = arith.constant 0 : i32
    %cond3A_1 = arith.cmpi ne, %convert_element_type3A, %cond3A : i32
    scf.if %cond3A_1 {
      %broadcast_in_dim3A_13 = arith.constant 0.000000e+00 : f32
      %broadcast_in_dim3A_14 = vector.broadcast %broadcast_in_dim3A_13 : f32 to vector<1x1x1024xf32>
      %swap3A_15 = arith.constant 0 : index
      %swap3A_16 = arith.constant 0 : index
      %swap3A_17 = arith.constant 0 : index
      %swap3A_18 = vector.load %arg3[%swap3A_15, %swap3A_16, %swap3A_17] : memref<1x1x1024xf32, #tpu.memory_space<vmem>>, vector<1x1x1024xf32>
      tpu.vector_store %arg3[%swap3A_15, %swap3A_16, %swap3A_17], %broadcast_in_dim3A_14 {strides = array<i32>} : memref<1x1x1024xf32, #tpu.memory_space<vmem>>, vector<1x1x1024xf32>,
    } else {
    }
    %get3A = arith.constant 0 : index
    %get3A_2 = arith.constant 0 : index
    %get3A_3 = arith.constant 0 : index
    %get3A_4 = vector.load %arg3[%get3A, %get3A_2, %get3A_3] : memref<1x1x1024xf32, #tpu.memory_space<vmem>>, vector<1x1x1024xf32>
    %get3A_5 = arith.constant 0 : index
    %get3A_6 = arith.constant 0 : index
    %get3A_7 = arith.constant 0 : index
    %get3A_8 = vector.load %arg2[%get3A_5, %get3A_6, %get3A_7] : memref<1x1664x1024xf32, #tpu.memory_space<vmem>>, vector<1x1664x1024xf32>
    %reduce_sum3A = arith.constant dense<0.000000e+00> : vector<1x1024xf32>
    %reduce_sum3A_9 = vector.multi_reduction <add>, %get3A_8, %reduce_sum3A [1] : vector<1x1664x1024xf32> to vector<1x1024xf32>
    %broadcast_in_dim3A = vector.shape_cast %reduce_sum3A_9 : vector<1x1024xf32> to vector<1x1x1024xf32>
    %add3A = arith.addf %get3A_4, %broadcast_in_dim3A : vector<1x1x1024xf32>
    %swap3A = arith.constant 0 : index
    %swap3A_10 = arith.constant 0 : index
    %swap3A_11 = arith.constant 0 : index
    %swap3A_12 = vector.load %arg3[%swap3A, %swap3A_10, %swap3A_11] : memref<1x1x1024xf32, #tpu.memory_space<vmem>>, vector<1x1x1024xf32>
    tpu.vector_store %arg3[%swap3A, %swap3A_10, %swap3A_11], %add3A {strides = array<i32>} : memref<1x1x1024xf32, #tpu.memory_space<vmem>>, vector<1x1x1024xf32>,
    return
  }
  func.func @transform_0(%arg0: i32, %arg1: i32) -> (i32, i32, i32) {
    %c0_i32 = arith.constant 0 : i32
    %c0_i32_0 = arith.constant 0 : i32
    return %arg0, %arg1, %c0_i32 : i32, i32, i32
  }
  func.func @transform_1(%arg0: i32, %arg1: i32) -> (i32, i32, i32) {
    %c0_i32 = arith.constant 0 : i32
    %c0_i32_0 = arith.constant 0 : i32
    %c0_i32_1 = arith.constant 0 : i32
    return %arg0, %c0_i32, %c0_i32_0 : i32, i32, i32
  }
}

</mosaic_0001>

<sc_bundles>
// kernel: kernel.5.cloned.1.call-start
scs
__scs_entry_jumppad:
0x0: {  	(pc) =	sbr.rel $0x88, $3  }
0x1: {  	(tag) =	ssettag $0x0;
	lr =	simm.s32 $0x1  }
0x2: {  	[smem:$0x3FA0] =	sst lr;
	_ =	strace $0xD0000000  }
0x3: {  	_ = 	snop  }
0x4: {  	_ = 	snop  }
0x5: {  	_ = 	snop  }
0x6: {  	_ = 	snop  }
0x7: {  	_ = 	snop  }
__scs_overlays_trampoline_lowered:
0x8: {  	[smem:$0x3FAF] =	sst s0  }
0x9: {  	[smem:$0x3FB0] =	sst s1  }
0xa: {  	[smem:$0x3FB1] =	sst s2  }
0xb: {  	[smem:$0x3FB2] =	sst s3  }
0xc: {  	[smem:$0x3FB3] =	sst s4  }
0xd: {  	[smem:$0x3FB4] =	sst s5  }
0xe: {  	[smem:$0x3FB5] =	sst s6  }
0xf: {  	[smem:$0x3FB6] =	sst s7  }
0x10: {  	[smem:$0x3FB7] =	sst s8  }
0x11: {  	[smem:$0x3FB8] =	sst s9;
	s0 =	simm.s32 @!p0 $0x0  }
0x12: {  	s1 =	sld [smem:$0x3F9E];
	s0 =	simm.s32 @p0 $0x1  }
0x13: {  	[smem:$0x3FB9] =	sst s0;
	s0 =	simm.s32 @!p1 $0x0  }
0x14: {  	s2 =	sld [smem:$0x3F9D];
	s0 =	simm.s32 @p1 $0x1  }
0x15: {  	[smem:$0x3FBA] =	sst s0;
	s0 =	simm.s32 @!p2 $0x0  }
0x16: {  	s3 =	sld [smem:$0x3FDB];
	s0 =	simm.s32 @p2 $0x1  }
0x17: {  	s4 =	simm.s32 $0x1BF5;
	[smem:$0x3FBC] =	sst s0  }
0x18: {  	s0 =	sld [smem:$0x3F9F];
	_ =	swait.ge [sflag:s4], $0x0  }
0x19: {  	s7 =	sld [smem:$0x3FA0]  }
0x1a: {  	s8 =	sadd.s32 $0xFFFFE003, lr  }
0x1b: {  	s9 =	sadd.s32 $0xFFFFFEF7, lr;
	s5 =	simm.s32 $0xFFFFFFFF;
	p2 =	slt.u32 s8, $0xFFFFF086  }
0x1c: {  	p1 =	slt.u32 s9, $0xF7A;
	s5 =	simm.s32 @!p2 $0x0  }
0x1d: {  	s5 =	simm.s32 @p1 $0x1;
	p0 =	seq.s32 s7, s2  }
0x1e: {  	s7 =	smul.u32 @!p0 $0xF7A, s2;
	p2 =	seq.s32 @!p0 s5, $0x0  }
0x1f: {  	s9 =	smul.u32 $0xF7A, s1;
	s8 =	simm.s32 @!p0 $0x1BF5;
	p2 =	por !p2, p0  }
0x20: {  	[sflag:s8] =	ssyncset.s32 @!p0 $0xFFFFF086;
	s6 =	sadd.s32 @!p0 s3, s7;
	s7 =	simm.s32 @!p0 $0x108  }
0x21: {  	s3 =	sadd.s32 s3, s9;
	s6 =	sadd.s32 @!p0 $0x88, s6;
	s7 =	simm.s32 @p2 $0x1082  }
0x22: {  	[simem:s7], [sflag:s8] =	dma.local @!p0 [hbm:s6], $0xF7A  }
0x23: {  	s9 =	sor.u32 $0xD0000000, s2;
	s6 =	simm.s32 $0x108;
	_ =	swait.ge @!p0 [sflag:s8], $0x0  }
0x24: {  	s3 =	sadd.s32 $0x88, s3;
	s6 =	simm.s32 @!p1 $0x1082;
	[sflag:s4] =	ssyncset.s32 $0xFFFFF086  }
0x25: {  	[simem:s6], [sflag:s4] =	dma.local [hbm:s3], $0xF7A  }
0x26: {  	[smem:$0x3FA0] =	sst s1;
	(tag) =	ssettag s2;
	_ =	strace s9  }
0x27: {  	s1 =	sld [smem:$0x3FB0]  }
0x28: {  	s2 =	sld [smem:$0x3FB1]  }
0x29: {  	s4 =	sld [smem:$0x3FB3]  }
0x2a: {  	p0 =	seq.s32 s5, $0x0;
	s5 =	sld [smem:$0x3FB4]  }
0x2b: {  	s6 =	sld [smem:$0x3FB5]  }
0x2c: {  	s7 =	sld [smem:$0x3FB6]  }
0x2d: {  	s3 =	simm.s32 $0x108;
	s8 =	sld [smem:$0x3FB7]  }
0x2e: {  	s3 =	simm.s32 @!p0 $0x1082;
	s9 =	sld [smem:$0x3FB8]  }
0x2f: {  	lr =	sadd.s32 s0, s3;
	s0 =	sld [smem:$0x3FAF]  }
0x30: {  	s3 =	sld [smem:$0x3FB2]  }
0x31: {  	[smem:$0x3FBB] =	sst s10  }
0x32: {  	s10 =	sld [smem:$0x3FB9];
	_ =	sdelay $0x3  }
0x33: {  	p0 =	seq.s32 s10, $0x1;
	s10 =	sld [smem:$0x3FBB];
	_ =	sdelay $0x3  }
0x34: {  	[smem:$0x3FBB] =	sst s10  }
0x35: {  	s10 =	sld [smem:$0x3FBA];
	_ =	sdelay $0x3  }
0x36: {  	p1 =	seq.s32 s10, $0x1;
	s10 =	sld [smem:$0x3FBB];
	_ =	sdelay $0x3  }
0x37: {  	[smem:$0x3FBB] =	sst s10  }
0x38: {  	s10 =	sld [smem:$0x3FBC]  }
0x39: {  	_ = 	snop;
	(pc) =	sbr.ind lr, $3  }
0x3a: {  	_ = 	snop  }
0x3b: {  	_ = 	snop  }
0x3c: {  	p2 =	seq.s32 s10, $0x1;
	s10 =	sld [smem:$0x3FBB]  }
0x3d: {  	_ =	shalt  }
0x3e: {  	_ =	shalt  }
0x3f: {  	_ =	shalt  }
0x40: {  	_ =	shalt  }
0x41: {  	_ =	shalt  }
0x42: {  	_ =	shalt  }
0x43: {  	_ =	shalt  }
0x44: {  	_ =	shalt  }
0x45: {  	_ =	shalt  }
0x46: {  	_ =	shalt  }
0x47: {  	_ =	shalt  }
0x48: {  	_ =	shalt  }
0x49: {  	_ =	shalt  }
0x4a: {  	_ =	shalt  }
0x4b: {  	_ =	shalt  }
0x4c: {  	_ =	shalt  }
0x4d: {  	_ =	shalt  }
0x4e: {  	_ =	shalt  }
0x4f: {  	_ =	shalt  }
0x50: {  	_ =	shalt  }
0x51: {  	_ =	shalt  }
0x52: {  	_ =	shalt  }
0x53: {  	_ =	shalt  }
0x54: {  	_ =	shalt  }
0x55: {  	_ =	shalt  }
0x56: {  	_ =	shalt  }
0x57: {  	_ =	shalt  }
0x58: {  	_ =	shalt  }
0x59: {  	_ =	shalt  }
0x5a: {  	_ =	shalt  }
0x5b: {  	_ =	shalt  }
0x5c: {  	_ =	shalt  }
0x5d: {  	_ =	shalt  }
0x5e: {  	_ =	shalt  }
0x5f: {  	_ =	shalt  }
0x60: {  	_ =	shalt  }
0x61: {  	_ =	shalt  }
0x62: {  	_ =	shalt  }
0x63: {  	_ =	shalt  }
0x64: {  	_ =	shalt  }
0x65: {  	_ =	shalt  }
0x66: {  	_ =	shalt  }
0x67: {  	_ =	shalt  }
0x68: {  	_ =	shalt  }
0x69: {  	_ =	shalt  }
0x6a: {  	_ =	shalt  }
0x6b: {  	_ =	shalt  }
0x6c: {  	_ =	shalt  }
0x6d: {  	_ =	shalt  }
0x6e: {  	_ =	shalt  }
0x6f: {  	_ =	shalt  }
0x70: {  	_ =	shalt  }
0x71: {  	_ =	shalt  }
0x72: {  	_ =	shalt  }
0x73: {  	_ =	shalt  }
0x74: {  	_ =	shalt  }
0x75: {  	_ =	shalt  }
0x76: {  	_ =	shalt  }
0x77: {  	_ =	shalt  }
0x78: {  	_ =	shalt  }
0x79: {  	_ =	shalt  }
0x7a: {  	_ =	shalt  }
0x7b: {  	_ =	shalt  }
0x7c: {  	_ =	shalt  }
0x7d: {  	_ =	shalt  }
0x7e: {  	_ =	shalt  }
0x7f: {  	_ =	shalt  }
0x80: {  	_ =	shalt  }
0x81: {  	_ =	shalt  }
0x82: {  	_ =	shalt  }
0x83: {  	_ =	shalt  }
0x84: {  	_ =	shalt  }
0x85: {  	_ =	shalt  }
0x86: {  	_ =	shalt  }
0x87: {  	_ =	shalt  }
.Lfunc_end0:
.L_simem_size_0:
called_computation_lowered:
.L_overlay_start_0:
0x88: {  	s2 =	sld [smem:$0x3FD9]  }
0x89: {  	s3 =	sld [smem:$0x3FFE];
	_ =	sdelay $0x1  }
0x8a: {  	s1 =	srdreg.scid  }
0x8b: {  	s0 =	sand.u32 $0x1, s1  }
0x8c: {  	s17 =	sshll.u32 s0, $0xA;
	s2 =	sadd.s32 s3, s2  }
0x8d: {  	s2 =	sadd.s32 s2, s17  }
0x8e: {  	[smem:$0x3FC7] =	sst s2  }
0x8f: {  	_ = 	snop  }
0x90: {  	s2 =	sld [smem:$0x3FC9];
	(tm) =	ssettm $0x1  }
0x91: {  	s18 =	sld [smem:$0x3FFB];
	_ =	sdelay $0x3  }
0x92: {  	_ =	strace s18  }
0x93: {  	s3 =	sld [smem:$0x3FFC];
	_ =	sdelay $0x3  }
0x94: {  	_ =	strace s3  }
0x95: {  	s3 =	sld [smem:$0x3FFD];
	_ =	sdelay $0x3  }
0x96: {  	_ =	strace s3  }
0x97: {  	_ =	strace $0x8FFFFFFF  }
0x98: {  	s19 =	sld [smem:$0x3FDB];
	_ =	sdelay $0x1  }
0x99: {  	s4 =	simm.s32 $_scs_section_size  }
0x9a: {  	s5 =	simm.s32 $_size__tile_overlayer_lowered;
	s6 =	simm.s32 $_tile_overlayer_lowered  }
0x9b: {  	s22 =	simm.s32 $0x1BFF;
	s21 =	sshll.u32 s6, $0x1;
	s3 =	sadd.s32 s4, s19  }
0x9c: {  	s7 =	simm.s32 $0x0;
	s20 =	sshll.u32 s5, $0x1;
	s5 =	sadd.s32 s21, s3  }
0x9d: {  	[timem:s7], [sflag:s22] =	dma.local [hbm:s5], s20  }
0x9e: {  	_ =	swait.ge [sflag:s22], s20  }
0x9f: {  	s4 =	ssub.s32 $0x0, s20;
	[sflag:s22] =	ssyncset.done $0x0  }
0xa0: {  	[sflag:s22] =	ssyncadd.s32 s4;
	_ =	sdelay $0x1  }
0xa1: {  	s23 =	simm.s32 $0x1B8B  }
0xa2: {  	_ =	swait.ge [sflag:s23], $0x1  }
0xa3: {  	[sflag:s23] =	ssyncset.done $0x0  }
0xa4: {  	s25 =	simm.s32 $0x1B8E;
	s24 =	sld [smem:$0x3FFE];
	[sflag:s23] =	ssyncadd.s32 $0xFFFFFFFF  }
0xa5: {  	s26 =	simm.s32 $execute0_lowered;
	[smem:$0x3FD2] =	sst s25  }
0xa6: {  	s5 =	sshll.u32 s26, $0x1;
	_ =	strace $0x80000046;
	[dreg:$0x1] =	wrdreg $0xFFFFFFFF  }
0xa7: {  	s28 =	simm.s32 $_size_execute0_lowered;
	s3 =	sadd.s32 s3, s5;
	[dreg:$0x0] =	wrdreg $0x0  }
0xa8: {  	s5 =	sshll.u32 s28, $0x1;
	[dreg:$0x2] =	wrdreg s3  }
0xa9: {  	[dreg:$0x3] =	wrdreg s5  }
0xaa: {  	[dreg:$0x4] =	wrdreg $0xC0  }
0xab: {  	_ =	task [dreg:s7], $0x5FFFF  }
0xac: {  	[dreg:$0x1] =	wrdreg $0xFFFFFFFF  }
0xad: {  	[dreg:$0x0] =	wrdreg $0x60  }
0xae: {  	[dreg:$0x2] =	wrdreg s2  }
0xaf: {  	[dreg:$0x3] =	wrdreg s24  }
0xb0: {  	[dreg:$0x4] =	wrdreg $0x9  }
0xb1: {  	_ =	task.clear_ibuf [dreg:s7], $0x5FFFF;
	_ =	strace $0x90000046  }
0xb2: {  	s29 =	simm.s32 $0x9;
	_ =	strace $0x80000048  }
0xb3: {  	_ =	swait.ge [sflag:s29], $0x1  }
0xb4: {  	[sflag:s29] =	ssyncadd.s32 $0xFFFFFFFF  }
0xb5: {  	_ =	strace $0x90000048  }
0xb6: {  	_ =	sfence  }
0xb7: {  	s30 =	sld [smem:$0x0];
	_ =	sdelay $0x2  }
0xb8: {  	s31 =	sshll.u32 s1, $0xD;
	s1 =	sshrl.u32 s1, $0x2  }
0xb9: {  	s3 =	sand.u32 $0x4000, s31;
	s1 =	sadd.s32 s1, s30  }
0xba: {  	s0 =	sor.u32 s3, s0;
	s1 =	sshll.u32 s1, $0x11  }
0xbb: {  	s0 =	sor.u32 s1, s0  }
0xbc: {  	s0 =	sadd.s32 $0x8F2B, s0  }
0xbd: {  	[sflag:s0] =	ssyncadd.remote.s32 $0x1  }
0xbe: {  	_ =	sfence.sel $0xFFFF  }
0xbf: {  	[dreg:$0x0] =	wrdreg $0xFFFFFFFF;
	(pc) =	sbr.abs _section_cstart, $3  }
0xc0: {  	[dreg:$0x1] =	wrdreg $0xFFFFFFFF  }
0xc1: {  	_ =	task.clear_ibuf [dreg:s7], $0x2FFFF;
	_ =	strace $0x9FFFFFFF  }
0xc2: {  	(tm) =	ssettm $0x7FFFFFFF  }
0xc3: {  	_ =	shalt  }
tec
execute0_lowered:
.L_overlay_start_1:
0x0: {  	(tag) =	ssettag $0x1  }
0x1: {  	s7 =	rddreg [dreg:$0x0]  }
0x2: {  	s0 =	rddreg [dreg:$0x1];
	s2 =	simm.s32 $0x0  }
0x3: {  	s1 =	srdreg.scid;
	s6 =	stileid.u32;
	s11 =	simm.s32 $0x1  }
0x4: {  	s28 =	simm.s32 $0x10010;
	s29 =	simm.s32 $0x10020;
	s30 =	simm.s32 $0x10030  }
0x5: {  	s31 =	simm.s32 $0x10040;
	s12 =	simm.s32 $0x10340;
	s8 =	simm.s32 $0x10350  }
0x6: {  	s9 =	simm.s32 $0x10360;
	s10 =	simm.s32 $0x10370;
	s13 =	simm.s32 $0x103C0  }
0x7: {  	s14 =	simm.s32 $0x103D0;
	s15 =	simm.s32 $0x103E0;
	s16 =	simm.s32 $0x103F0  }
0x8: {  	s17 =	simm.s32 $0x2;
	[smem:$0x7FF] =	sst s2;
	s1 =	sand.u32 $0x1, s1  }
0x9: {  	s3 =	sshll.u32 s6, $0x16;
	s23 =	sshll.u32 s6, $0x7;
	s6 =	sshll.u32 s6, $0x4  }
0xa: {  	s19 =	smul.u32 $0x60000, s1;
	_ =	strace $0x80000047;
	s4 =	sshll.u32 s1, $0xB  }
0xb: {  	s1 =	ssub.s32 $0x2, s1;
	s6 =	sand.u32 $0x70, s6;
	s0 =	sadd.s32 s4, s0  }
0xc: {  	s20 =	sshrl.u32 s1, $0x1;
	s4 =	sand.u32 $0x400, s23;
	s2 =	sor.u32 s3, s19  }
0xd: {  	s1 =	ssub.s32 s1, s20;
	s0 =	sadd.s32 s4, s0;
	s4 =	simm.s32 $0x10320  }
0xe: {  	s20 =	simm.s32 $0x0;
	s21 =	sadd.s32 $0x340000, s2;
	s5 =	sadd.s32 $0x348000, s2  }
0xf: {  	s0 =	sadd.s32 s6, s0;
	s25 =	sadd.s32 $0x350000, s2;
	s2 =	sadd.s32 $0x358000, s2  }
0x10: {  	s26 =	smax.u32 s1, $0x1;
	s1 =	simm.s32 $0x10390;
	s6 =	simm.s32 $0x103B0  }
0x11: {  	s22 =	sshrl.u32 s21, $0x3;
	s5 =	sshrl.u32 s5, $0x3;
	[dreg:$0x5] =	wrdreg s25  }
.Ltmp0:
0x12: {  	[dreg:$0x6] =	wrdreg s2;
	s0 =	sadd.s32 $0x600, s0;
	(pc) =	sbr.rel .LBB2_1-.Ltmp0, $4  }
0x13: {  	[dreg:$0x8] =	wrdreg s26;
	s26 =	simm.s32 $0x10000;
	s2 =	simm.s32 $0x10310  }
0x14: {  	s3 =	sadd.s32 s7, s22;
	s24 =	sadd.s32 s7, s5;
	[dreg:$0x7] =	wrdreg s0  }
0x15: {  	s0 =	simm.s32 $0x10300;
	s5 =	simm.s32 $0x10330;
	[dreg:$0x3] =	wrdreg s3  }
0x16: {  	v0 =	vimm.f32 $0.0e+00;
	s7 =	simm.s32 $0x103A0;
	[dreg:$0x4] =	wrdreg s24;
	s3 =	simm.s32 $0x10380  }
.LBB2_20:
0x17: {  	s18 =	rddreg [dreg:$0x7]  }
0x18: {  	s19 =	simm.s32 $0x80;
	s20 =	simm.s32 $0x400;
	s23 =	simm.s32 $0x3  }
0x19: {  	[hbm4b:s18+s19] =	stream.strided.scatter [tilespmem:s26], [sflag:$0x3], $0x400, s20, s19, $0x38;
	[tilespmem:$0x10400] =	vst v63  }
0x1a: {  	_ =	swait.ge [sflag:s23], $0x400  }
0x1b: {  	s24 =	rddreg [dreg:$0x9]  }
0x1c: {  	s25 =	rddreg [dreg:$0x8];
	s20 =	sadd.s32 $0x1, s24  }
0x1d: {  	p0 =	sne.s32 s20, s25  }
.Ltmp1:
0x1e: {  	_ = 	snop;
	(pc) =	sbr.rel @!p0 .LBB2_21-.Ltmp1, $3  }
0x1f: {  	_ =	sdelay $0x1  }
0x20: {  	[sflag:s23] =	ssyncset.done $0x0  }
0x21: {  	[sflag:s23] =	ssyncadd.s32 $0xFFFFFC00  }
.LBB2_1:
0x22: {  	[tilespmem:$0x10000] =	vst v0  }
0x23: {  	[tilespmem:$0x10010] =	vst v0  }
0x24: {  	[tilespmem:$0x10020] =	vst v0  }
0x25: {  	[tilespmem:$0x10030] =	vst v0  }
0x26: {  	[tilespmem:$0x10040] =	vst v0  }
0x27: {  	[tilespmem:$0x10050] =	vst v0  }
0x28: {  	[tilespmem:$0x10060] =	vst v0  }
0x29: {  	[tilespmem:$0x10070] =	vst v0  }
0x2a: {  	[tilespmem:$0x10080] =	vst v0  }
0x2b: {  	[tilespmem:$0x10090] =	vst v0  }
0x2c: {  	[tilespmem:$0x100A0] =	vst v0  }
0x2d: {  	[tilespmem:$0x100B0] =	vst v0  }
0x2e: {  	[tilespmem:$0x100C0] =	vst v0  }
0x2f: {  	[tilespmem:$0x100D0] =	vst v0  }
0x30: {  	[tilespmem:$0x100E0] =	vst v0  }
0x31: {  	[tilespmem:$0x100F0] =	vst v0  }
0x32: {  	[tilespmem:$0x10100] =	vst v0  }
0x33: {  	[tilespmem:$0x10110] =	vst v0  }
0x34: {  	[tilespmem:$0x10120] =	vst v0  }
0x35: {  	[tilespmem:$0x10130] =	vst v0  }
0x36: {  	[tilespmem:$0x10140] =	vst v0  }
0x37: {  	[tilespmem:$0x10150] =	vst v0  }
0x38: {  	[tilespmem:$0x10160] =	vst v0  }
0x39: {  	[tilespmem:$0x10170] =	vst v0  }
0x3a: {  	[tilespmem:$0x10180] =	vst v0  }
0x3b: {  	[tilespmem:$0x10190] =	vst v0  }
0x3c: {  	[tilespmem:$0x101A0] =	vst v0  }
0x3d: {  	[tilespmem:$0x101B0] =	vst v0  }
0x3e: {  	[tilespmem:$0x101C0] =	vst v0  }
0x3f: {  	[tilespmem:$0x101D0] =	vst v0  }
0x40: {  	[tilespmem:$0x101E0] =	vst v0  }
0x41: {  	[tilespmem:$0x101F0] =	vst v0  }
0x42: {  	[tilespmem:$0x10200] =	vst v0  }
0x43: {  	[tilespmem:$0x10210] =	vst v0  }
0x44: {  	[tilespmem:$0x10220] =	vst v0  }
0x45: {  	[tilespmem:$0x10230] =	vst v0  }
0x46: {  	[tilespmem:$0x10240] =	vst v0  }
0x47: {  	[tilespmem:$0x10250] =	vst v0  }
0x48: {  	[tilespmem:$0x10260] =	vst v0  }
0x49: {  	[tilespmem:$0x10270] =	vst v0  }
0x4a: {  	[tilespmem:$0x10280] =	vst v0  }
0x4b: {  	[tilespmem:$0x10290] =	vst v0  }
0x4c: {  	[tilespmem:$0x102A0] =	vst v0  }
0x4d: {  	[tilespmem:$0x102B0] =	vst v0  }
0x4e: {  	[tilespmem:$0x102C0] =	vst v0  }
0x4f: {  	[tilespmem:$0x102D0] =	vst v0  }
0x50: {  	[tilespmem:$0x102E0] =	vst v0  }
0x51: {  	[tilespmem:$0x102F0] =	vst v0  }
0x52: {  	[tilespmem:$0x10300] =	vst v0  }
0x53: {  	[tilespmem:$0x10310] =	vst v0  }
0x54: {  	[tilespmem:$0x10320] =	vst v0  }
0x55: {  	[tilespmem:$0x10330] =	vst v0  }
0x56: {  	[tilespmem:$0x10340] =	vst v0  }
0x57: {  	[tilespmem:$0x10350] =	vst v0  }
0x58: {  	[tilespmem:$0x10360] =	vst v0  }
0x59: {  	[tilespmem:$0x10370] =	vst v0  }
0x5a: {  	[tilespmem:$0x10380] =	vst v0  }
0x5b: {  	[tilespmem:$0x10390] =	vst v0  }
0x5c: {  	[tilespmem:$0x103A0] =	vst v0  }
0x5d: {  	[tilespmem:$0x103B0] =	vst v0  }
0x5e: {  	[tilespmem:$0x103C0] =	vst v0  }
0x5f: {  	[tilespmem:$0x103D0] =	vst v0  }
0x60: {  	[tilespmem:$0x103E0] =	vst v0  }
0x61: {  	[tilespmem:$0x103F0] =	vst v0;
	s18 =	simm.s32 $0x0;
	s19 =	rddreg [dreg:$0x3]  }
0x62: {  	[tilespmem:s18], [sflag:$0x1] =	stream.linear.gather [hbm4b:s19+s18], $0x8000, $0x38;
	[tilespmem:$0x10400] =	vst v63  }
0x63: {  	s24 =	rddreg [dreg:$0x4];
	s25 =	simm.s32 $0x8000  }
0x64: {  	[tilespmem:s25], [sflag:$0x2] =	stream.linear.gather [hbm4b:s24+s18], $0x8000, $0x38;
	[tilespmem:$0x10400] =	vst v63  }
0x65: {  	[dreg:$0x9] =	wrdreg s20;
	s18 =	simm.s32 $0x0  }
.LBB2_2:
0x66: {  	_ =	swait.ge [sflag:s11], $0x8000;
	s19 =	simm.s32 $0x0  }
0x67: {  	[sflag:s11] =	ssyncset.done $0x0;
	s20 =	sand.u32 $0x6000, s19;
	s19 =	sand.u32 $0x380, s19  }
0x68: {  	[sflag:s11] =	ssyncadd.s32 $0xFFFF8000;
	s19 =	sor.u32 s19, s20  }
0x69: {  	v1 =	vld [tilespmem:s19+$0x470]  }
0x6a: {  	v3 =	vld [tilespmem:s19+$0x0]  }
0x6b: {  	v4 =	vld [tilespmem:s19+$0x10]  }
0x6c: {  	v5 =	vld [tilespmem:s19+$0x20]  }
0x6d: {  	v6 =	vld [tilespmem:s19+$0x30]  }
0x6e: {  	v7 =	vld [tilespmem:s19+$0x40]  }
0x6f: {  	v8 =	vld [tilespmem:s19+$0x50]  }
0x70: {  	v9 =	vld [tilespmem:s19+$0x60]  }
0x71: {  	v2 =	vimm.f32 $0.0e+00;
	v12 =	vld [tilespmem:s19+$0x70]  }
0x72: {  	v13 =	vld [tilespmem:s19+$0x400];
	v1 =	vadd.f32 v1, v2  }
0x73: {  	v16 =	vadd.f32 v3, v2;
	v15 =	vadd.f32 v4, v2  }
0x74: {  	v20 =	vld [tilespmem:s19+$0x410];
	v14 =	vadd.f32 v5, v2;
	v10 =	vadd.f32 v6, v2  }
0x75: {  	v19 =	vld [tilespmem:s19+$0x420];
	v11 =	vadd.f32 v7, v2;
	v7 =	vadd.f32 v8, v2  }
0x76: {  	v17 =	vld [tilespmem:s19+$0x430];
	v8 =	vadd.f32 v9, v2;
	v4 =	vadd.f32 v12, v2  }
0x77: {  	s21 =	simm.s32 $0x400;
	s20 =	simm.s32 $0x80;
	v18 =	vld [tilespmem:s19+$0x440];
	v9 =	vadd.f32 v13, v2;
	v12 =	vimm.f32 $0.0e+00;
	v5 =	vimm.f32 $0.0e+00  }
0x78: {  	s22 =	sand.u32 $0x6000, s21;
	s21 =	simm.s32 $0x800;
	s23 =	sand.u32 $0x380, s20;
	v21 =	vld [tilespmem:s19+$0x450];
	v13 =	vimm.f32 $0.0e+00;
	v6 =	vimm.f32 $0.0e+00;
	v3 =	vimm.f32 $0.0e+00  }
.LBB2_3:
0x79: {  	p0 =	sne.s32 s21, $0x7C00;
	v2 =	vadd.f32 v20, v2;
	v20 =	vld [tilespmem:s19+$0x460];
	s19 =	sor.u32 s23, s22  }
0x7a: {  	v22 =	vld [tilespmem:s19+$0x470];
	v12 =	vadd.f32 v19, v12  }
0x7b: {  	v19 =	vld [tilespmem:s19+$0x0];
	v5 =	vadd.f32 v17, v5  }
0x7c: {  	v17 =	vld [tilespmem:s19+$0x10];
	v13 =	vadd.f32 v18, v13  }
0x7d: {  	v18 =	vld [tilespmem:s19+$0x20];
	v6 =	vadd.f32 v21, v6  }
0x7e: {  	v21 =	vld [tilespmem:s19+$0x30];
	v3 =	vadd.f32 v20, v3  }
0x7f: {  	v20 =	vld [tilespmem:s19+$0x40];
	v1 =	vadd.f32 v22, v1  }
0x80: {  	v16 =	vadd.f32 v19, v16;
	v19 =	vld [tilespmem:s19+$0x50]  }
0x81: {  	v15 =	vadd.f32 v17, v15;
	v17 =	vld [tilespmem:s19+$0x60]  }
0x82: {  	v14 =	vadd.f32 v18, v14;
	v18 =	vld [tilespmem:s19+$0x70]  }
0x83: {  	v10 =	vadd.f32 v21, v10;
	v21 =	vld [tilespmem:s19+$0x400]  }
.Ltmp2:
0x84: {  	v11 =	vadd.f32 v20, v11;
	v20 =	vld [tilespmem:s19+$0x410];
	(pc) =	sbr.rel @p0 .LBB2_3-.Ltmp2, $4  }
0x85: {  	v7 =	vadd.f32 v19, v7;
	v19 =	vld [tilespmem:s19+$0x420]  }
0x86: {  	v8 =	vadd.f32 v17, v8;
	v17 =	vld [tilespmem:s19+$0x430]  }
0x87: {  	s20 =	sadd.s32 $0x80, s20;
	v4 =	vadd.f32 v18, v4;
	v18 =	vld [tilespmem:s19+$0x440]  }
0x88: {  	s22 =	sand.u32 $0x6000, s21;
	s21 =	sadd.s32 $0x400, s21;
	s23 =	sand.u32 $0x380, s20;
	v9 =	vadd.f32 v21, v9;
	v21 =	vld [tilespmem:s19+$0x450]  }
0x89: {  	s20 =	sor.u32 s23, s22;
	v22 =	vld [tilespmem:s19+$0x460]  }
0x8a: {  	v23 =	vld [tilespmem:s20+$0x470]  }
0x8b: {  	v24 =	vld [tilespmem:s20+$0x0]  }
0x8c: {  	v25 =	vld [tilespmem:s20+$0x10]  }
0x8d: {  	v26 =	vld [tilespmem:s20+$0x20]  }
0x8e: {  	v27 =	vld [tilespmem:s20+$0x30]  }
0x8f: {  	v28 =	vld [tilespmem:s20+$0x40]  }
0x90: {  	v29 =	vld [tilespmem:s20+$0x50]  }
0x91: {  	v30 =	vld [tilespmem:s20+$0x60]  }
0x92: {  	v31 =	vld [tilespmem:s20+$0x70]  }
0x93: {  	v32 =	vld [tilespmem:s20+$0x400]  }
0x94: {  	v33 =	vld [tilespmem:s20+$0x410]  }
0x95: {  	v34 =	vld [tilespmem:s20+$0x420]  }
0x96: {  	v35 =	vld [tilespmem:s20+$0x430]  }
0x97: {  	v36 =	vld [tilespmem:s20+$0x440]  }
0x98: {  	v62 =	vld [tilespmem:s20+$0x450];
	v16 =	vadd.f32 v24, v16  }
0x99: {  	v63 =	vld [tilespmem:s20+$0x460];
	v15 =	vadd.f32 v25, v15  }
0x9a: {  	v14 =	vadd.f32 v26, v14;
	[tilespmem:s26+$0x0] =	vst.add.f32.msk $0xffff, v16  }
0x9b: {  	v10 =	vadd.f32 v27, v10;
	[tilespmem:s28+$0x0] =	vst.add.f32.msk $0xffff, v15  }
0x9c: {  	v11 =	vadd.f32 v28, v11;
	[tilespmem:s29+$0x0] =	vst.add.f32.msk $0xffff, v14  }
0x9d: {  	v7 =	vadd.f32 v29, v7;
	[tilespmem:s30+$0x0] =	vst.add.f32.msk $0xffff, v10  }
0x9e: {  	v8 =	vadd.f32 v30, v8;
	s30 =	simm.s32 $0x10050;
	[tilespmem:s31+$0x0] =	vst.add.f32.msk $0xffff, v11  }
0x9f: {  	v2 =	vadd.f32 v20, v2;
	v4 =	vadd.f32 v31, v4;
	s31 =	simm.s32 $0x10060;
	[tilespmem:s30+$0x0] =	vst.add.f32.msk $0xffff, v7  }
0xa0: {  	s20 =	simm.s32 $0x10070;
	v9 =	vadd.f32 v32, v9;
	v7 =	vadd.f32 v19, v12;
	[tilespmem:s31+$0x0] =	vst.add.f32.msk $0xffff, v8  }
0xa1: {  	s21 =	simm.s32 $0x10080;
	v5 =	vadd.f32 v17, v5;
	v2 =	vadd.f32 v33, v2;
	[tilespmem:s20+$0x0] =	vst.add.f32.msk $0xffff, v4  }
0xa2: {  	s22 =	simm.s32 $0x10090;
	v4 =	vadd.f32 v18, v13;
	v7 =	vadd.f32 v34, v7;
	[tilespmem:s21+$0x0] =	vst.add.f32.msk $0xffff, v9  }
0xa3: {  	s23 =	simm.s32 $0x100A0;
	v6 =	vadd.f32 v21, v6;
	v5 =	vadd.f32 v35, v5;
	[tilespmem:s22+$0x0] =	vst.add.f32.msk $0xffff, v2  }
0xa4: {  	s24 =	simm.s32 $0x100B0;
	v2 =	vadd.f32 v22, v3;
	v3 =	vadd.f32 v36, v4;
	[tilespmem:s23+$0x0] =	vst.add.f32.msk $0xffff, v7  }
0xa5: {  	s25 =	simm.s32 $0x100C0;
	v4 =	vadd.f32 v62, v6;
	[tilespmem:s24+$0x0] =	vst.add.f32.msk $0xffff, v5  }
0xa6: {  	s26 =	simm.s32 $0x100D0;
	v2 =	vadd.f32 v63, v2;
	[tilespmem:s25+$0x0] =	vst.add.f32.msk $0xffff, v3  }
0xa7: {  	v1 =	vadd.f32 v23, v1;
	s28 =	simm.s32 $0x0;
	s29 =	simm.s32 $0x100E0;
	[tilespmem:s26+$0x0] =	vst.add.f32.msk $0xffff, v4  }
0xa8: {  	s19 =	sand.u32 $0x380, s28;
	s30 =	sand.u32 $0x6000, s28;
	s21 =	simm.s32 $0x100F0;
	[tilespmem:s29+$0x0] =	vst.add.f32.msk $0xffff, v2  }
0xa9: {  	s19 =	sor.u32 s19, s30;
	[tilespmem:s21+$0x0] =	vst.add.f32.msk $0xffff, v1  }
0xaa: {  	v1 =	vld [tilespmem:s19+$0xC70]  }
0xab: {  	v3 =	vld [tilespmem:s19+$0x800]  }
0xac: {  	v4 =	vld [tilespmem:s19+$0x810]  }
0xad: {  	v5 =	vld [tilespmem:s19+$0x820]  }
0xae: {  	v6 =	vld [tilespmem:s19+$0x830]  }
0xaf: {  	v7 =	vld [tilespmem:s19+$0x840]  }
0xb0: {  	v8 =	vld [tilespmem:s19+$0x850]  }
0xb1: {  	v9 =	vld [tilespmem:s19+$0x860]  }
0xb2: {  	v2 =	vimm.f32 $0.0e+00;
	v12 =	vld [tilespmem:s19+$0x870]  }
0xb3: {  	v13 =	vld [tilespmem:s19+$0xC00];
	v1 =	vadd.f32 v1, v2  }
0xb4: {  	v16 =	vadd.f32 v3, v2;
	v15 =	vadd.f32 v4, v2  }
0xb5: {  	v20 =	vld [tilespmem:s19+$0xC10];
	v14 =	vadd.f32 v5, v2;
	v10 =	vadd.f32 v6, v2  }
0xb6: {  	v19 =	vld [tilespmem:s19+$0xC20];
	v11 =	vadd.f32 v7, v2;
	v7 =	vadd.f32 v8, v2  }
0xb7: {  	v17 =	vld [tilespmem:s19+$0xC30];
	v8 =	vadd.f32 v9, v2;
	v4 =	vadd.f32 v12, v2  }
0xb8: {  	s31 =	simm.s32 $0x400;
	s20 =	simm.s32 $0x80;
	v18 =	vld [tilespmem:s19+$0xC40];
	v9 =	vadd.f32 v13, v2;
	v12 =	vimm.f32 $0.0e+00;
	v5 =	vimm.f32 $0.0e+00  }
0xb9: {  	s22 =	sand.u32 $0x6000, s31;
	s23 =	sand.u32 $0x380, s20;
	s21 =	simm.s32 $0x800;
	v21 =	vld [tilespmem:s19+$0xC50];
	v13 =	vimm.f32 $0.0e+00;
	v6 =	vimm.f32 $0.0e+00;
	v3 =	vimm.f32 $0.0e+00  }
.LBB2_5:
0xba: {  	p0 =	sne.s32 s21, $0x7C00;
	v2 =	vadd.f32 v20, v2;
	v20 =	vld [tilespmem:s19+$0xC60];
	s19 =	sor.u32 s23, s22  }
0xbb: {  	v22 =	vld [tilespmem:s19+$0xC70];
	v12 =	vadd.f32 v19, v12  }
0xbc: {  	v19 =	vld [tilespmem:s19+$0x800];
	v5 =	vadd.f32 v17, v5  }
0xbd: {  	v17 =	vld [tilespmem:s19+$0x810];
	v13 =	vadd.f32 v18, v13  }
0xbe: {  	v18 =	vld [tilespmem:s19+$0x820];
	v6 =	vadd.f32 v21, v6  }
0xbf: {  	v21 =	vld [tilespmem:s19+$0x830];
	v3 =	vadd.f32 v20, v3  }
0xc0: {  	v20 =	vld [tilespmem:s19+$0x840];
	v1 =	vadd.f32 v22, v1  }
0xc1: {  	v16 =	vadd.f32 v19, v16;
	v19 =	vld [tilespmem:s19+$0x850]  }
0xc2: {  	v15 =	vadd.f32 v17, v15;
	v17 =	vld [tilespmem:s19+$0x860]  }
0xc3: {  	v14 =	vadd.f32 v18, v14;
	v18 =	vld [tilespmem:s19+$0x870]  }
0xc4: {  	v10 =	vadd.f32 v21, v10;
	v21 =	vld [tilespmem:s19+$0xC00]  }
.Ltmp3:
0xc5: {  	v11 =	vadd.f32 v20, v11;
	v20 =	vld [tilespmem:s19+$0xC10];
	(pc) =	sbr.rel @p0 .LBB2_5-.Ltmp3, $4  }
0xc6: {  	v7 =	vadd.f32 v19, v7;
	v19 =	vld [tilespmem:s19+$0xC20]  }
0xc7: {  	v8 =	vadd.f32 v17, v8;
	v17 =	vld [tilespmem:s19+$0xC30]  }
0xc8: {  	s20 =	sadd.s32 $0x80, s20;
	v4 =	vadd.f32 v18, v4;
	v18 =	vld [tilespmem:s19+$0xC40]  }
0xc9: {  	s22 =	sand.u32 $0x6000, s21;
	s21 =	sadd.s32 $0x400, s21;
	s23 =	sand.u32 $0x380, s20;
	v9 =	vadd.f32 v21, v9;
	v21 =	vld [tilespmem:s19+$0xC50]  }
0xca: {  	s20 =	sor.u32 s23, s22;
	v22 =	vld [tilespmem:s19+$0xC60]  }
0xcb: {  	v23 =	vld [tilespmem:s20+$0xC70]  }
0xcc: {  	v24 =	vld [tilespmem:s20+$0x800]  }
0xcd: {  	v25 =	vld [tilespmem:s20+$0x810]  }
0xce: {  	v26 =	vld [tilespmem:s20+$0x820]  }
0xcf: {  	v27 =	vld [tilespmem:s20+$0x830]  }
0xd0: {  	v28 =	vld [tilespmem:s20+$0x840]  }
0xd1: {  	v29 =	vld [tilespmem:s20+$0x850]  }
0xd2: {  	v30 =	vld [tilespmem:s20+$0x860]  }
0xd3: {  	v31 =	vld [tilespmem:s20+$0x870]  }
0xd4: {  	v32 =	vld [tilespmem:s20+$0xC00]  }
0xd5: {  	v33 =	vld [tilespmem:s20+$0xC10]  }
0xd6: {  	v34 =	vld [tilespmem:s20+$0xC20]  }
0xd7: {  	v35 =	vld [tilespmem:s20+$0xC30]  }
0xd8: {  	v36 =	vld [tilespmem:s20+$0xC40]  }
0xd9: {  	v62 =	vld [tilespmem:s20+$0xC50];
	v16 =	vadd.f32 v24, v16  }
0xda: {  	s24 =	simm.s32 $0x10100;
	v63 =	vld [tilespmem:s20+$0xC60];
	v15 =	vadd.f32 v25, v15  }
0xdb: {  	s25 =	simm.s32 $0x10110;
	v14 =	vadd.f32 v26, v14;
	[tilespmem:s24+$0x0] =	vst.add.f32.msk $0xffff, v16  }
0xdc: {  	s26 =	simm.s32 $0x10120;
	v10 =	vadd.f32 v27, v10;
	[tilespmem:s25+$0x0] =	vst.add.f32.msk $0xffff, v15  }
0xdd: {  	s28 =	simm.s32 $0x10130;
	v11 =	vadd.f32 v28, v11;
	[tilespmem:s26+$0x0] =	vst.add.f32.msk $0xffff, v14  }
0xde: {  	s29 =	simm.s32 $0x10140;
	v7 =	vadd.f32 v29, v7;
	[tilespmem:s28+$0x0] =	vst.add.f32.msk $0xffff, v10  }
0xdf: {  	s30 =	simm.s32 $0x10150;
	v8 =	vadd.f32 v30, v8;
	[tilespmem:s29+$0x0] =	vst.add.f32.msk $0xffff, v11  }
0xe0: {  	v2 =	vadd.f32 v20, v2;
	s31 =	simm.s32 $0x10160;
	v4 =	vadd.f32 v31, v4;
	[tilespmem:s30+$0x0] =	vst.add.f32.msk $0xffff, v7  }
0xe1: {  	s20 =	simm.s32 $0x10170;
	v9 =	vadd.f32 v32, v9;
	v7 =	vadd.f32 v19, v12;
	[tilespmem:s31+$0x0] =	vst.add.f32.msk $0xffff, v8  }
0xe2: {  	s21 =	simm.s32 $0x10180;
	v5 =	vadd.f32 v17, v5;
	v2 =	vadd.f32 v33, v2;
	[tilespmem:s20+$0x0] =	vst.add.f32.msk $0xffff, v4  }
0xe3: {  	s22 =	simm.s32 $0x10190;
	v4 =	vadd.f32 v18, v13;
	v7 =	vadd.f32 v34, v7;
	[tilespmem:s21+$0x0] =	vst.add.f32.msk $0xffff, v9  }
0xe4: {  	s23 =	simm.s32 $0x101A0;
	v6 =	vadd.f32 v21, v6;
	v5 =	vadd.f32 v35, v5;
	[tilespmem:s22+$0x0] =	vst.add.f32.msk $0xffff, v2  }
0xe5: {  	s24 =	simm.s32 $0x101B0;
	v2 =	vadd.f32 v22, v3;
	v3 =	vadd.f32 v36, v4;
	[tilespmem:s23+$0x0] =	vst.add.f32.msk $0xffff, v7  }
0xe6: {  	s25 =	simm.s32 $0x101C0;
	v4 =	vadd.f32 v62, v6;
	[tilespmem:s24+$0x0] =	vst.add.f32.msk $0xffff, v5  }
0xe7: {  	s26 =	simm.s32 $0x101D0;
	v2 =	vadd.f32 v63, v2;
	[tilespmem:s25+$0x0] =	vst.add.f32.msk $0xffff, v3  }
0xe8: {  	v1 =	vadd.f32 v23, v1;
	s28 =	simm.s32 $0x0;
	s29 =	simm.s32 $0x101E0;
	[tilespmem:s26+$0x0] =	vst.add.f32.msk $0xffff, v4  }
0xe9: {  	s19 =	sand.u32 $0x380, s28;
	s30 =	sand.u32 $0x6000, s28;
	s21 =	simm.s32 $0x101F0;
	[tilespmem:s29+$0x0] =	vst.add.f32.msk $0xffff, v2  }
0xea: {  	s19 =	sor.u32 s19, s30;
	[tilespmem:s21+$0x0] =	vst.add.f32.msk $0xffff, v1  }
0xeb: {  	v1 =	vld [tilespmem:s19+$0x1470]  }
0xec: {  	v3 =	vld [tilespmem:s19+$0x1000]  }
0xed: {  	v4 =	vld [tilespmem:s19+$0x1010]  }
0xee: {  	v5 =	vld [tilespmem:s19+$0x1020]  }
0xef: {  	v6 =	vld [tilespmem:s19+$0x1030]  }
0xf0: {  	v7 =	vld [tilespmem:s19+$0x1040]  }
0xf1: {  	v8 =	vld [tilespmem:s19+$0x1050]  }
0xf2: {  	v9 =	vld [tilespmem:s19+$0x1060]  }
0xf3: {  	v2 =	vimm.f32 $0.0e+00;
	v12 =	vld [tilespmem:s19+$0x1070]  }
0xf4: {  	v13 =	vld [tilespmem:s19+$0x1400];
	v1 =	vadd.f32 v1, v2  }
0xf5: {  	v16 =	vadd.f32 v3, v2;
	v15 =	vadd.f32 v4, v2  }
0xf6: {  	v20 =	vld [tilespmem:s19+$0x1410];
	v14 =	vadd.f32 v5, v2;
	v10 =	vadd.f32 v6, v2  }
0xf7: {  	v19 =	vld [tilespmem:s19+$0x1420];
	v11 =	vadd.f32 v7, v2;
	v7 =	vadd.f32 v8, v2  }
0xf8: {  	v17 =	vld [tilespmem:s19+$0x1430];
	v8 =	vadd.f32 v9, v2;
	v4 =	vadd.f32 v12, v2  }
0xf9: {  	s31 =	simm.s32 $0x400;
	s20 =	simm.s32 $0x80;
	v18 =	vld [tilespmem:s19+$0x1440];
	v9 =	vadd.f32 v13, v2;
	v12 =	vimm.f32 $0.0e+00;
	v5 =	vimm.f32 $0.0e+00  }
0xfa: {  	s22 =	sand.u32 $0x6000, s31;
	s23 =	sand.u32 $0x380, s20;
	s21 =	simm.s32 $0x800;
	v21 =	vld [tilespmem:s19+$0x1450];
	v13 =	vimm.f32 $0.0e+00;
	v6 =	vimm.f32 $0.0e+00;
	v3 =	vimm.f32 $0.0e+00  }
.LBB2_7:
0xfb: {  	p0 =	sne.s32 s21, $0x7C00;
	v2 =	vadd.f32 v20, v2;
	v20 =	vld [tilespmem:s19+$0x1460];
	s19 =	sor.u32 s23, s22  }
0xfc: {  	v22 =	vld [tilespmem:s19+$0x1470];
	v12 =	vadd.f32 v19, v12  }
0xfd: {  	v19 =	vld [tilespmem:s19+$0x1000];
	v5 =	vadd.f32 v17, v5  }
0xfe: {  	v17 =	vld [tilespmem:s19+$0x1010];
	v13 =	vadd.f32 v18, v13  }
0xff: {  	v18 =	vld [tilespmem:s19+$0x1020];
	v6 =	vadd.f32 v21, v6  }
0x100: {  	v21 =	vld [tilespmem:s19+$0x1030];
	v3 =	vadd.f32 v20, v3  }
0x101: {  	v20 =	vld [tilespmem:s19+$0x1040];
	v1 =	vadd.f32 v22, v1  }
0x102: {  	v16 =	vadd.f32 v19, v16;
	v19 =	vld [tilespmem:s19+$0x1050]  }
0x103: {  	v15 =	vadd.f32 v17, v15;
	v17 =	vld [tilespmem:s19+$0x1060]  }
0x104: {  	v14 =	vadd.f32 v18, v14;
	v18 =	vld [tilespmem:s19+$0x1070]  }
0x105: {  	v10 =	vadd.f32 v21, v10;
	v21 =	vld [tilespmem:s19+$0x1400]  }
.Ltmp4:
0x106: {  	v11 =	vadd.f32 v20, v11;
	v20 =	vld [tilespmem:s19+$0x1410];
	(pc) =	sbr.rel @p0 .LBB2_7-.Ltmp4, $4  }
0x107: {  	v7 =	vadd.f32 v19, v7;
	v19 =	vld [tilespmem:s19+$0x1420]  }
0x108: {  	v8 =	vadd.f32 v17, v8;
	v17 =	vld [tilespmem:s19+$0x1430]  }
0x109: {  	s20 =	sadd.s32 $0x80, s20;
	v4 =	vadd.f32 v18, v4;
	v18 =	vld [tilespmem:s19+$0x1440]  }
0x10a: {  	s22 =	sand.u32 $0x6000, s21;
	s21 =	sadd.s32 $0x400, s21;
	s23 =	sand.u32 $0x380, s20;
	v9 =	vadd.f32 v21, v9;
	v21 =	vld [tilespmem:s19+$0x1450]  }
0x10b: {  	s20 =	sor.u32 s23, s22;
	v22 =	vld [tilespmem:s19+$0x1460]  }
0x10c: {  	v23 =	vld [tilespmem:s20+$0x1470]  }
0x10d: {  	v24 =	vld [tilespmem:s20+$0x1000]  }
0x10e: {  	v25 =	vld [tilespmem:s20+$0x1010]  }
0x10f: {  	v26 =	vld [tilespmem:s20+$0x1020]  }
0x110: {  	v27 =	vld [tilespmem:s20+$0x1030]  }
0x111: {  	v28 =	vld [tilespmem:s20+$0x1040]  }
0x112: {  	v29 =	vld [tilespmem:s20+$0x1050]  }
0x113: {  	v30 =	vld [tilespmem:s20+$0x1060]  }
0x114: {  	v31 =	vld [tilespmem:s20+$0x1070]  }
0x115: {  	v32 =	vld [tilespmem:s20+$0x1400]  }
0x116: {  	v33 =	vld [tilespmem:s20+$0x1410]  }
0x117: {  	v34 =	vld [tilespmem:s20+$0x1420]  }
0x118: {  	v35 =	vld [tilespmem:s20+$0x1430]  }
0x119: {  	v36 =	vld [tilespmem:s20+$0x1440]  }
0x11a: {  	v62 =	vld [tilespmem:s20+$0x1450];
	v16 =	vadd.f32 v24, v16  }
0x11b: {  	s22 =	simm.s32 $0x10200;
	v63 =	vld [tilespmem:s20+$0x1460];
	v15 =	vadd.f32 v25, v15  }
0x11c: {  	s23 =	simm.s32 $0x10210;
	v14 =	vadd.f32 v26, v14;
	[tilespmem:s22+$0x0] =	vst.add.f32.msk $0xffff, v16  }
0x11d: {  	s24 =	simm.s32 $0x10220;
	v10 =	vadd.f32 v27, v10;
	[tilespmem:s23+$0x0] =	vst.add.f32.msk $0xffff, v15  }
0x11e: {  	s25 =	simm.s32 $0x10230;
	v11 =	vadd.f32 v28, v11;
	[tilespmem:s24+$0x0] =	vst.add.f32.msk $0xffff, v14  }
0x11f: {  	s26 =	simm.s32 $0x10240;
	v7 =	vadd.f32 v29, v7;
	[tilespmem:s25+$0x0] =	vst.add.f32.msk $0xffff, v10  }
0x120: {  	s28 =	simm.s32 $0x10250;
	v8 =	vadd.f32 v30, v8;
	[tilespmem:s26+$0x0] =	vst.add.f32.msk $0xffff, v11  }
0x121: {  	v2 =	vadd.f32 v20, v2;
	s29 =	simm.s32 $0x10260;
	v4 =	vadd.f32 v31, v4;
	[tilespmem:s28+$0x0] =	vst.add.f32.msk $0xffff, v7  }
0x122: {  	s30 =	simm.s32 $0x10270;
	v9 =	vadd.f32 v32, v9;
	v7 =	vadd.f32 v19, v12;
	[tilespmem:s29+$0x0] =	vst.add.f32.msk $0xffff, v8  }
0x123: {  	s31 =	simm.s32 $0x10280;
	v5 =	vadd.f32 v17, v5;
	v2 =	vadd.f32 v33, v2;
	[tilespmem:s30+$0x0] =	vst.add.f32.msk $0xffff, v4  }
0x124: {  	s20 =	simm.s32 $0x10290;
	v4 =	vadd.f32 v18, v13;
	v7 =	vadd.f32 v34, v7;
	[tilespmem:s31+$0x0] =	vst.add.f32.msk $0xffff, v9  }
0x125: {  	s21 =	simm.s32 $0x102A0;
	v6 =	vadd.f32 v21, v6;
	v5 =	vadd.f32 v35, v5;
	[tilespmem:s20+$0x0] =	vst.add.f32.msk $0xffff, v2  }
0x126: {  	s22 =	simm.s32 $0x102B0;
	v2 =	vadd.f32 v22, v3;
	v3 =	vadd.f32 v36, v4;
	[tilespmem:s21+$0x0] =	vst.add.f32.msk $0xffff, v7  }
0x127: {  	s23 =	simm.s32 $0x102C0;
	v4 =	vadd.f32 v62, v6;
	[tilespmem:s22+$0x0] =	vst.add.f32.msk $0xffff, v5  }
0x128: {  	s19 =	simm.s32 $0x0;
	s24 =	simm.s32 $0x102D0;
	s25 =	simm.s32 $0x0;
	v2 =	vadd.f32 v63, v2;
	[tilespmem:s23+$0x0] =	vst.add.f32.msk $0xffff, v3  }
0x129: {  	v1 =	vadd.f32 v23, v1;
	s26 =	simm.s32 $0x102E0;
	s28 =	sand.u32 $0x380, s19;
	s21 =	sand.u32 $0x7, s19;
	[tilespmem:s24+$0x0] =	vst.add.f32.msk $0xffff, v4  }
0x12a: {  	s29 =	simm.s32 $0x102F0;
	s20 =	sand.u32 $0x6000, s25;
	s21 =	sshll.u32 s21, $0x7;
	[tilespmem:s26+$0x0] =	vst.add.f32.msk $0xffff, v2  }
0x12b: {  	s20 =	sor.u32 s28, s20;
	s21 =	sadd.s32 $0x0, s21;
	[tilespmem:s29+$0x0] =	vst.add.f32.msk $0xffff, v1  }
0x12c: {  	s30 =	sor.u32 $0x1C70, s21;
	v1 =	vld [tilespmem:s20+$0x1870]  }
0x12d: {  	s31 =	sor.u32 $0x1C00, s21;
	v2 =	vld [tilespmem:s30+$0x0]  }
0x12e: {  	s24 =	sor.u32 $0x1C10, s21;
	v3 =	vld [tilespmem:s31+$0x0]  }
0x12f: {  	s25 =	sor.u32 $0x1C20, s21;
	v4 =	vld [tilespmem:s24+$0x0]  }
0x130: {  	s26 =	sor.u32 $0x1C30, s21;
	v5 =	vld [tilespmem:s25+$0x0]  }
0x131: {  	s28 =	sor.u32 $0x1C40, s21;
	v6 =	vld [tilespmem:s26+$0x0]  }
0x132: {  	s29 =	sor.u32 $0x1C50, s21;
	v9 =	vld [tilespmem:s28+$0x0]  }
0x133: {  	s21 =	sor.u32 $0x1C60, s21;
	v11 =	vld [tilespmem:s29+$0x0]  }
0x134: {  	v10 =	vimm.f32 $0.0e+00;
	v12 =	vld [tilespmem:s21+$0x0]  }
0x135: {  	v16 =	vimm.f32 $0.0e+00;
	v20 =	vld [tilespmem:s20+$0x1800];
	v7 =	vadd.f32 v1, v10;
	v1 =	vadd.f32 v2, v10  }
0x136: {  	v15 =	vimm.f32 $0.0e+00;
	v18 =	vld [tilespmem:s20+$0x1810];
	v8 =	vadd.f32 v3, v10;
	v3 =	vadd.f32 v4, v10  }
0x137: {  	v14 =	vimm.f32 $0.0e+00;
	s22 =	simm.s32 $0x1;
	s23 =	simm.s32 $0x100;
	v17 =	vld [tilespmem:s20+$0x1820];
	v4 =	vadd.f32 v5, v10;
	v5 =	vadd.f32 v6, v10  }
0x138: {  	v13 =	vimm.f32 $0.0e+00;
	s30 =	simm.s32 $0x80;
	s21 =	simm.s32 $0xFFFF8400;
	s31 =	simm.s32 $0x400;
	v19 =	vld [tilespmem:s20+$0x1830];
	v2 =	vadd.f32 v9, v10;
	v9 =	vadd.f32 v11, v10  }
0x139: {  	s26 =	sand.u32 $0x7, s22;
	v21 =	vld [tilespmem:s20+$0x1840];
	s24 =	sand.u32 $0x380, s30;
	s25 =	sand.u32 $0x6000, s31;
	v6 =	vadd.f32 v12, v10;
	v12 =	vimm.f32 $0.0e+00;
	v11 =	vimm.f32 $0.0e+00  }
.LBB2_9:
0x13a: {  	p0 =	sne.s32 s23, $0xF80;
	s26 =	sshll.u32 s26, $0x7;
	v10 =	vadd.f32 v20, v10;
	v20 =	vld [tilespmem:s20+$0x1850];
	s19 =	sadd.s32 $0x400, s19  }
0x13b: {  	s26 =	sadd.s32 s26, s19;
	v16 =	vadd.f32 v18, v16;
	v18 =	vld [tilespmem:s20+$0x1860];
	s20 =	sor.u32 s24, s25  }
0x13c: {  	v22 =	vld [tilespmem:s20+$0x1870];
	s24 =	sor.u32 $0x1C00, s26;
	s25 =	sor.u32 $0x1C10, s26;
	s28 =	sor.u32 $0x1C70, s26;
	v14 =	vadd.f32 v17, v14  }
0x13d: {  	s29 =	sor.u32 $0x1C20, s26;
	s30 =	sor.u32 $0x1C30, s26;
	s31 =	sor.u32 $0x1C40, s26;
	v17 =	vld [tilespmem:s28+$0x0];
	v12 =	vadd.f32 v19, v12  }
0x13e: {  	v19 =	vld [tilespmem:s24+$0x0];
	s24 =	sor.u32 $0x1C50, s26;
	s26 =	sor.u32 $0x1C60, s26;
	v15 =	vadd.f32 v21, v15  }
0x13f: {  	v21 =	vld [tilespmem:s25+$0x0];
	v13 =	vadd.f32 v20, v13  }
0x140: {  	v23 =	vld [tilespmem:s29+$0x0];
	v11 =	vadd.f32 v18, v11  }
0x141: {  	v24 =	vld [tilespmem:s30+$0x0]  }
0x142: {  	v7 =	vadd.f32 v22, v7;
	v22 =	vld [tilespmem:s31+$0x0];
	v1 =	vadd.f32 v17, v1  }
0x143: {  	v8 =	vadd.f32 v19, v8;
	v25 =	vld [tilespmem:s24+$0x0]  }
0x144: {  	v3 =	vadd.f32 v21, v3;
	v26 =	vld [tilespmem:s26+$0x0]  }
.Ltmp5:
0x145: {  	v20 =	vld [tilespmem:s20+$0x1800];
	v4 =	vadd.f32 v23, v4;
	(pc) =	sbr.rel @p0 .LBB2_9-.Ltmp5, $4  }
0x146: {  	v18 =	vld [tilespmem:s20+$0x1810];
	v5 =	vadd.f32 v24, v5  }
0x147: {  	s21 =	sadd.s32 $0x400, s21;
	v17 =	vld [tilespmem:s20+$0x1820];
	v2 =	vadd.f32 v22, v2  }
0x148: {  	s22 =	sadd.s32 $0x1, s22;
	s25 =	sadd.s32 $0x8000, s21;
	s24 =	sand.u32 $0x380, s23;
	v19 =	vld [tilespmem:s20+$0x1830];
	v9 =	vadd.f32 v25, v9  }
0x149: {  	s25 =	sand.u32 $0x6000, s25;
	s23 =	sadd.s32 $0x80, s23;
	s26 =	sand.u32 $0x7, s22;
	v21 =	vld [tilespmem:s20+$0x1840];
	v6 =	vadd.f32 v26, v6  }
0x14a: {  	v22 =	vld [tilespmem:s20+$0x1850]  }
0x14b: {  	s30 =	sor.u32 s24, s25;
	v23 =	vld [tilespmem:s20+$0x1860]  }
0x14c: {  	v24 =	vld [tilespmem:s30+$0x1870]  }
0x14d: {  	v33 =	vld [tilespmem:s30+$0x1800]  }
0x14e: {  	v34 =	vld [tilespmem:s30+$0x1810]  }
0x14f: {  	v35 =	vld [tilespmem:s30+$0x1820]  }
0x150: {  	s21 =	sshll.u32 s26, $0x7;
	s19 =	sadd.s32 $0x400, s19;
	v10 =	vadd.f32 v20, v10;
	v20 =	vld [tilespmem:s30+$0x1830]  }
0x151: {  	s19 =	sadd.s32 s21, s19;
	v16 =	vadd.f32 v18, v16;
	v18 =	vld [tilespmem:s30+$0x1840]  }
0x152: {  	s31 =	sor.u32 $0x1C70, s19;
	v14 =	vadd.f32 v17, v14;
	v17 =	vld [tilespmem:s30+$0x1850]  }
0x153: {  	s22 =	sor.u32 $0x1C00, s19;
	v25 =	vld [tilespmem:s31+$0x0]  }
0x154: {  	s23 =	sor.u32 $0x1C10, s19;
	v26 =	vld [tilespmem:s22+$0x0]  }
0x155: {  	s24 =	sor.u32 $0x1C20, s19;
	v27 =	vld [tilespmem:s23+$0x0]  }
0x156: {  	s25 =	sor.u32 $0x1C30, s19;
	v28 =	vld [tilespmem:s24+$0x0]  }
0x157: {  	s26 =	sor.u32 $0x1C40, s19;
	v29 =	vld [tilespmem:s25+$0x0]  }
0x158: {  	s28 =	sor.u32 $0x1C50, s19;
	v30 =	vld [tilespmem:s26+$0x0]  }
0x159: {  	s19 =	sor.u32 $0x1C60, s19;
	v31 =	vld [tilespmem:s28+$0x0]  }
0x15a: {  	v32 =	vld [tilespmem:s19+$0x0];
	v10 =	vadd.f32 v33, v10  }
0x15b: {  	v12 =	vadd.f32 v19, v12;
	v19 =	vld [tilespmem:s30+$0x1860];
	v16 =	vadd.f32 v34, v16  }
0x15c: {  	v15 =	vadd.f32 v21, v15;
	v14 =	vadd.f32 v35, v14;
	[tilespmem:s0+$0x0] =	vst.add.f32.msk $0xffff, v10  }
0x15d: {  	v12 =	vadd.f32 v20, v12;
	v10 =	vadd.f32 v22, v13;
	[tilespmem:s2+$0x0] =	vst.add.f32.msk $0xffff, v16  }
0x15e: {  	v11 =	vadd.f32 v23, v11;
	v13 =	vadd.f32 v18, v15;
	[tilespmem:s4+$0x0] =	vst.add.f32.msk $0xffff, v14  }
0x15f: {  	v10 =	vadd.f32 v17, v10;
	[tilespmem:s5+$0x0] =	vst.add.f32.msk $0xffff, v12  }
0x160: {  	v11 =	vadd.f32 v19, v11;
	[tilespmem:s12+$0x0] =	vst.add.f32.msk $0xffff, v13  }
0x161: {  	v7 =	vadd.f32 v24, v7;
	[tilespmem:s8+$0x0] =	vst.add.f32.msk $0xffff, v10  }
0x162: {  	v8 =	vadd.f32 v26, v8;
	[tilespmem:s9+$0x0] =	vst.add.f32.msk $0xffff, v11  }
0x163: {  	v3 =	vadd.f32 v27, v3;
	[tilespmem:s10+$0x0] =	vst.add.f32.msk $0xffff, v7  }
0x164: {  	v4 =	vadd.f32 v28, v4;
	[tilespmem:s3+$0x0] =	vst.add.f32.msk $0xffff, v8  }
0x165: {  	v5 =	vadd.f32 v29, v5;
	[tilespmem:s1+$0x0] =	vst.add.f32.msk $0xffff, v3  }
0x166: {  	v2 =	vadd.f32 v30, v2;
	[tilespmem:s7+$0x0] =	vst.add.f32.msk $0xffff, v4  }
0x167: {  	v3 =	vadd.f32 v31, v9;
	[tilespmem:s6+$0x0] =	vst.add.f32.msk $0xffff, v5  }
0x168: {  	p0 =	seq.s32 s18, $0x5;
	s20 =	rddreg [dreg:$0x5];
	s19 =	sshll.u32 s18, $0x10;
	v4 =	vadd.f32 v32, v6;
	[tilespmem:s13+$0x0] =	vst.add.f32.msk $0xffff, v2  }
0x169: {  	s20 =	sadd.s32 @!p0 s19, s20;
	v1 =	vadd.f32 v25, v1;
	[tilespmem:s14+$0x0] =	vst.add.f32.msk $0xffff, v3  }
0x16a: {  	s21 =	rddreg [dreg:$0x0];
	s20 =	sshrl.u32 @!p0 s20, $0x3;
	[tilespmem:s15+$0x0] =	vst.add.f32.msk $0xffff, v4  }
0x16b: {  	s20 =	sadd.s32 @!p0 s21, s20;
	s21 =	simm.s32 @!p0 $0x0;
	[tilespmem:s16+$0x0] =	vst.add.f32.msk $0xffff, v1  }
0x16c: {  	[tilespmem:s21], [sflag:$0x1] =	stream.linear.gather @!p0 [hbm4b:s20+s21], $0x8000, $0x38;
	[tilespmem:$0x10400] =	vst v63  }
0x16d: {  	s29 =	simm.s32 $0x0;
	_ =	swait.ge [sflag:s17], $0x8000  }
0x16e: {  	s30 =	sand.u32 $0x6000, s29;
	s20 =	sand.u32 $0x380, s29;
	[sflag:s17] =	ssyncset.done $0x0  }
0x16f: {  	s20 =	sor.u32 s20, s30;
	[sflag:s17] =	ssyncadd.s32 $0xFFFF8000  }
0x170: {  	v1 =	vld [tilespmem:s20+$0x8470]  }
0x171: {  	v3 =	vld [tilespmem:s20+$0x8000]  }
0x172: {  	v4 =	vld [tilespmem:s20+$0x8010]  }
0x173: {  	v5 =	vld [tilespmem:s20+$0x8020]  }
0x174: {  	v6 =	vld [tilespmem:s20+$0x8030]  }
0x175: {  	v7 =	vld [tilespmem:s20+$0x8040]  }
0x176: {  	v8 =	vld [tilespmem:s20+$0x8050]  }
0x177: {  	v9 =	vld [tilespmem:s20+$0x8060]  }
0x178: {  	v2 =	vimm.f32 $0.0e+00;
	v12 =	vld [tilespmem:s20+$0x8070]  }
0x179: {  	v13 =	vld [tilespmem:s20+$0x8400];
	v1 =	vadd.f32 v1, v2  }
0x17a: {  	v16 =	vadd.f32 v3, v2;
	v15 =	vadd.f32 v4, v2  }
0x17b: {  	v20 =	vld [tilespmem:s20+$0x8410];
	v14 =	vadd.f32 v5, v2;
	v10 =	vadd.f32 v6, v2  }
0x17c: {  	v19 =	vld [tilespmem:s20+$0x8420];
	v11 =	vadd.f32 v7, v2;
	v7 =	vadd.f32 v8, v2  }
0x17d: {  	v17 =	vld [tilespmem:s20+$0x8430];
	v8 =	vadd.f32 v9, v2;
	v4 =	vadd.f32 v12, v2  }
0x17e: {  	s31 =	simm.s32 $0x400;
	s21 =	simm.s32 $0x80;
	v18 =	vld [tilespmem:s20+$0x8440];
	v9 =	vadd.f32 v13, v2;
	v12 =	vimm.f32 $0.0e+00;
	v5 =	vimm.f32 $0.0e+00  }
0x17f: {  	s22 =	simm.s32 $0x800;
	s23 =	sand.u32 $0x6000, s31;
	s24 =	sand.u32 $0x380, s21;
	v21 =	vld [tilespmem:s20+$0x8450];
	v13 =	vimm.f32 $0.0e+00;
	v6 =	vimm.f32 $0.0e+00;
	v3 =	vimm.f32 $0.0e+00  }
.LBB2_11:
0x180: {  	p1 =	sne.s32 s22, $0x7C00;
	v2 =	vadd.f32 v20, v2;
	v20 =	vld [tilespmem:s20+$0x8460];
	s20 =	sor.u32 s24, s23  }
0x181: {  	v22 =	vld [tilespmem:s20+$0x8470];
	v12 =	vadd.f32 v19, v12  }
0x182: {  	v19 =	vld [tilespmem:s20+$0x8000];
	v5 =	vadd.f32 v17, v5  }
0x183: {  	v17 =	vld [tilespmem:s20+$0x8010];
	v13 =	vadd.f32 v18, v13  }
0x184: {  	v18 =	vld [tilespmem:s20+$0x8020];
	v6 =	vadd.f32 v21, v6  }
0x185: {  	v21 =	vld [tilespmem:s20+$0x8030];
	v3 =	vadd.f32 v20, v3  }
0x186: {  	v20 =	vld [tilespmem:s20+$0x8040];
	v1 =	vadd.f32 v22, v1  }
0x187: {  	v16 =	vadd.f32 v19, v16;
	v19 =	vld [tilespmem:s20+$0x8050]  }
0x188: {  	v15 =	vadd.f32 v17, v15;
	v17 =	vld [tilespmem:s20+$0x8060]  }
0x189: {  	v14 =	vadd.f32 v18, v14;
	v18 =	vld [tilespmem:s20+$0x8070]  }
0x18a: {  	v10 =	vadd.f32 v21, v10;
	v21 =	vld [tilespmem:s20+$0x8400]  }
.Ltmp6:
0x18b: {  	v11 =	vadd.f32 v20, v11;
	v20 =	vld [tilespmem:s20+$0x8410];
	(pc) =	sbr.rel @p1 .LBB2_11-.Ltmp6, $4  }
0x18c: {  	v7 =	vadd.f32 v19, v7;
	v19 =	vld [tilespmem:s20+$0x8420]  }
0x18d: {  	v8 =	vadd.f32 v17, v8;
	v17 =	vld [tilespmem:s20+$0x8430]  }
0x18e: {  	s21 =	sadd.s32 $0x80, s21;
	v4 =	vadd.f32 v18, v4;
	v18 =	vld [tilespmem:s20+$0x8440]  }
0x18f: {  	s23 =	sand.u32 $0x6000, s22;
	s22 =	sadd.s32 $0x400, s22;
	s24 =	sand.u32 $0x380, s21;
	v9 =	vadd.f32 v21, v9;
	v21 =	vld [tilespmem:s20+$0x8450]  }
0x190: {  	s21 =	sor.u32 s24, s23;
	v22 =	vld [tilespmem:s20+$0x8460]  }
0x191: {  	v23 =	vld [tilespmem:s21+$0x8470]  }
0x192: {  	v24 =	vld [tilespmem:s21+$0x8000]  }
0x193: {  	v25 =	vld [tilespmem:s21+$0x8010]  }
0x194: {  	v26 =	vld [tilespmem:s21+$0x8020]  }
0x195: {  	v27 =	vld [tilespmem:s21+$0x8030]  }
0x196: {  	v28 =	vld [tilespmem:s21+$0x8040]  }
0x197: {  	v29 =	vld [tilespmem:s21+$0x8050]  }
0x198: {  	v30 =	vld [tilespmem:s21+$0x8060]  }
0x199: {  	v31 =	vld [tilespmem:s21+$0x8070]  }
0x19a: {  	v32 =	vld [tilespmem:s21+$0x8400]  }
0x19b: {  	v33 =	vld [tilespmem:s21+$0x8410]  }
0x19c: {  	v34 =	vld [tilespmem:s21+$0x8420]  }
0x19d: {  	v35 =	vld [tilespmem:s21+$0x8430]  }
0x19e: {  	v36 =	vld [tilespmem:s21+$0x8440]  }
0x19f: {  	v62 =	vld [tilespmem:s21+$0x8450];
	v16 =	vadd.f32 v24, v16  }
0x1a0: {  	s26 =	simm.s32 $0x10000;
	v63 =	vld [tilespmem:s21+$0x8460];
	v15 =	vadd.f32 v25, v15  }
0x1a1: {  	s28 =	simm.s32 $0x10010;
	v14 =	vadd.f32 v26, v14;
	[tilespmem:s26+$0x0] =	vst.add.f32.msk $0xffff, v16  }
0x1a2: {  	s29 =	simm.s32 $0x10020;
	v10 =	vadd.f32 v27, v10;
	[tilespmem:s28+$0x0] =	vst.add.f32.msk $0xffff, v15  }
0x1a3: {  	s30 =	simm.s32 $0x10030;
	v11 =	vadd.f32 v28, v11;
	[tilespmem:s29+$0x0] =	vst.add.f32.msk $0xffff, v14  }
0x1a4: {  	s31 =	simm.s32 $0x10040;
	v7 =	vadd.f32 v29, v7;
	[tilespmem:s30+$0x0] =	vst.add.f32.msk $0xffff, v10  }
0x1a5: {  	s21 =	simm.s32 $0x10050;
	v8 =	vadd.f32 v30, v8;
	[tilespmem:s31+$0x0] =	vst.add.f32.msk $0xffff, v11  }
0x1a6: {  	v2 =	vadd.f32 v20, v2;
	s22 =	simm.s32 $0x10060;
	v4 =	vadd.f32 v31, v4;
	[tilespmem:s21+$0x0] =	vst.add.f32.msk $0xffff, v7  }
0x1a7: {  	s23 =	simm.s32 $0x10070;
	v9 =	vadd.f32 v32, v9;
	v7 =	vadd.f32 v19, v12;
	[tilespmem:s22+$0x0] =	vst.add.f32.msk $0xffff, v8  }
0x1a8: {  	s24 =	simm.s32 $0x10080;
	v5 =	vadd.f32 v17, v5;
	v2 =	vadd.f32 v33, v2;
	[tilespmem:s23+$0x0] =	vst.add.f32.msk $0xffff, v4  }
0x1a9: {  	s25 =	simm.s32 $0x10090;
	v4 =	vadd.f32 v18, v13;
	v7 =	vadd.f32 v34, v7;
	[tilespmem:s24+$0x0] =	vst.add.f32.msk $0xffff, v9  }
0x1aa: {  	v6 =	vadd.f32 v21, v6;
	v5 =	vadd.f32 v35, v5;
	s21 =	simm.s32 $0x100A0;
	[tilespmem:s25+$0x0] =	vst.add.f32.msk $0xffff, v2  }
0x1ab: {  	s22 =	simm.s32 $0x100B0;
	v2 =	vadd.f32 v22, v3;
	v3 =	vadd.f32 v36, v4;
	[tilespmem:s21+$0x0] =	vst.add.f32.msk $0xffff, v7  }
0x1ac: {  	s23 =	simm.s32 $0x100C0;
	v4 =	vadd.f32 v62, v6;
	[tilespmem:s22+$0x0] =	vst.add.f32.msk $0xffff, v5  }
0x1ad: {  	s20 =	simm.s32 $0x0;
	s24 =	simm.s32 $0x100D0;
	v2 =	vadd.f32 v63, v2;
	[tilespmem:s23+$0x0] =	vst.add.f32.msk $0xffff, v3  }
0x1ae: {  	v1 =	vadd.f32 v23, v1;
	s21 =	sand.u32 $0x6000, s20;
	s22 =	simm.s32 $0x100E0;
	[tilespmem:s24+$0x0] =	vst.add.f32.msk $0xffff, v4  }
0x1af: {  	s25 =	sor.u32 s21, s20;
	s24 =	simm.s32 $0x100F0;
	[tilespmem:s22+$0x0] =	vst.add.f32.msk $0xffff, v2  }
0x1b0: {  	s22 =	sor.u32 $0x8C00, s25;
	[tilespmem:s24+$0x0] =	vst.add.f32.msk $0xffff, v1  }
0x1b1: {  	v1 =	vld [tilespmem:s22+$0x70]  }
0x1b2: {  	v2 =	vld [tilespmem:s22+$0x0]  }
0x1b3: {  	v3 =	vld [tilespmem:s22+$0x10]  }
0x1b4: {  	v4 =	vld [tilespmem:s22+$0x20]  }
0x1b5: {  	v5 =	vld [tilespmem:s22+$0x30]  }
0x1b6: {  	v6 =	vld [tilespmem:s22+$0x40]  }
0x1b7: {  	s20 =	sand.u32 $0x380, s20;
	v10 =	vld [tilespmem:s22+$0x50]  }
0x1b8: {  	s20 =	sor.u32 s20, s21;
	v11 =	vld [tilespmem:s22+$0x60]  }
0x1b9: {  	v9 =	vimm.f32 $0.0e+00;
	v12 =	vld [tilespmem:s20+$0x8800]  }
0x1ba: {  	v1 =	vadd.f32 v1, v9  }
0x1bb: {  	v20 =	vld [tilespmem:s20+$0x8810];
	v8 =	vadd.f32 v2, v9;
	v7 =	vadd.f32 v3, v9  }
0x1bc: {  	v16 =	vimm.f32 $0.0e+00;
	v19 =	vld [tilespmem:s20+$0x8820];
	v4 =	vadd.f32 v4, v9;
	v5 =	vadd.f32 v5, v9  }
0x1bd: {  	v15 =	vimm.f32 $0.0e+00;
	v17 =	vld [tilespmem:s20+$0x8830];
	v6 =	vadd.f32 v6, v9;
	v2 =	vadd.f32 v10, v9  }
0x1be: {  	v14 =	vimm.f32 $0.0e+00;
	s25 =	simm.s32 $0x400;
	v18 =	vld [tilespmem:s20+$0x8840];
	v3 =	vadd.f32 v11, v9;
	v13 =	vadd.f32 v12, v9  }
0x1bf: {  	s21 =	simm.s32 $0x80;
	s23 =	sand.u32 $0x6000, s25;
	s22 =	simm.s32 $0x800;
	v21 =	vld [tilespmem:s20+$0x8850];
	v11 =	vimm.f32 $0.0e+00;
	v12 =	vimm.f32 $0.0e+00;
	v10 =	vimm.f32 $0.0e+00  }
.LBB2_13:
0x1c0: {  	p1 =	sne.s32 s22, $0x7C00;
	s24 =	sand.u32 $0x380, s21;
	s25 =	sor.u32 s23, s21;
	v9 =	vadd.f32 v20, v9;
	v20 =	vld [tilespmem:s20+$0x8860]  }
0x1c1: {  	s25 =	sor.u32 $0x8C00, s25;
	v16 =	vadd.f32 v19, v16;
	v19 =	vld [tilespmem:s20+$0x8870];
	s20 =	sor.u32 s24, s23  }
0x1c2: {  	v22 =	vld [tilespmem:s25+$0x70];
	v14 =	vadd.f32 v17, v14  }
0x1c3: {  	v17 =	vld [tilespmem:s25+$0x0];
	v11 =	vadd.f32 v18, v11  }
0x1c4: {  	v18 =	vld [tilespmem:s25+$0x10];
	v15 =	vadd.f32 v21, v15  }
0x1c5: {  	v21 =	vld [tilespmem:s25+$0x20];
	v12 =	vadd.f32 v20, v12  }
0x1c6: {  	v23 =	vld [tilespmem:s25+$0x30];
	v10 =	vadd.f32 v19, v10  }
0x1c7: {  	v24 =	vld [tilespmem:s25+$0x40];
	v1 =	vadd.f32 v22, v1  }
0x1c8: {  	v8 =	vadd.f32 v17, v8;
	v22 =	vld [tilespmem:s25+$0x50]  }
0x1c9: {  	v7 =	vadd.f32 v18, v7;
	v25 =	vld [tilespmem:s25+$0x60]  }
0x1ca: {  	v26 =	vld [tilespmem:s20+$0x8800];
	v4 =	vadd.f32 v21, v4  }
.Ltmp7:
0x1cb: {  	v20 =	vld [tilespmem:s20+$0x8810];
	v5 =	vadd.f32 v23, v5;
	(pc) =	sbr.rel @p1 .LBB2_13-.Ltmp7, $4  }
0x1cc: {  	v19 =	vld [tilespmem:s20+$0x8820];
	v6 =	vadd.f32 v24, v6  }
0x1cd: {  	v17 =	vld [tilespmem:s20+$0x8830];
	v2 =	vadd.f32 v22, v2  }
0x1ce: {  	v18 =	vld [tilespmem:s20+$0x8840];
	v3 =	vadd.f32 v25, v3  }
0x1cf: {  	s21 =	sadd.s32 $0x80, s21;
	s23 =	sand.u32 $0x6000, s22;
	s22 =	sadd.s32 $0x400, s22;
	v13 =	vadd.f32 v26, v13;
	v21 =	vld [tilespmem:s20+$0x8850]  }
0x1d0: {  	s22 =	sor.u32 s23, s21;
	v22 =	vld [tilespmem:s20+$0x8860]  }
0x1d1: {  	v23 =	vld [tilespmem:s20+$0x8870];
	s22 =	sor.u32 $0x8C00, s22  }
0x1d2: {  	v24 =	vld [tilespmem:s22+$0x70]  }
0x1d3: {  	v25 =	vld [tilespmem:s22+$0x0]  }
0x1d4: {  	v26 =	vld [tilespmem:s22+$0x10]  }
0x1d5: {  	v27 =	vld [tilespmem:s22+$0x20]  }
0x1d6: {  	v28 =	vld [tilespmem:s22+$0x30]  }
0x1d7: {  	v29 =	vld [tilespmem:s22+$0x40]  }
0x1d8: {  	s25 =	sand.u32 $0x380, s21;
	v30 =	vld [tilespmem:s22+$0x50]  }
0x1d9: {  	s20 =	sor.u32 s25, s23;
	v31 =	vld [tilespmem:s22+$0x60]  }
0x1da: {  	v32 =	vld [tilespmem:s20+$0x8800]  }
0x1db: {  	v33 =	vld [tilespmem:s20+$0x8810]  }
0x1dc: {  	v34 =	vld [tilespmem:s20+$0x8820]  }
0x1dd: {  	v35 =	vld [tilespmem:s20+$0x8830]  }
0x1de: {  	v36 =	vld [tilespmem:s20+$0x8840]  }
0x1df: {  	v9 =	vadd.f32 v20, v9;
	v20 =	vld [tilespmem:s20+$0x8850]  }
0x1e0: {  	v16 =	vadd.f32 v19, v16;
	v19 =	vld [tilespmem:s20+$0x8860];
	v13 =	vadd.f32 v32, v13  }
0x1e1: {  	s21 =	simm.s32 $0x10100;
	v14 =	vadd.f32 v17, v14;
	v17 =	vld [tilespmem:s20+$0x8870];
	v9 =	vadd.f32 v33, v9  }
0x1e2: {  	s22 =	simm.s32 $0x10110;
	v11 =	vadd.f32 v18, v11;
	v16 =	vadd.f32 v34, v16;
	[tilespmem:s21+$0x0] =	vst.add.f32.msk $0xffff, v13  }
0x1e3: {  	s23 =	simm.s32 $0x10120;
	v14 =	vadd.f32 v35, v14;
	v13 =	vadd.f32 v21, v15;
	[tilespmem:s22+$0x0] =	vst.add.f32.msk $0xffff, v9  }
0x1e4: {  	s24 =	simm.s32 $0x10130;
	v11 =	vadd.f32 v36, v11;
	v9 =	vadd.f32 v22, v12;
	[tilespmem:s23+$0x0] =	vst.add.f32.msk $0xffff, v16  }
0x1e5: {  	s25 =	simm.s32 $0x10140;
	v10 =	vadd.f32 v23, v10;
	v12 =	vadd.f32 v20, v13;
	[tilespmem:s24+$0x0] =	vst.add.f32.msk $0xffff, v14  }
0x1e6: {  	s21 =	simm.s32 $0x10150;
	v9 =	vadd.f32 v19, v9;
	[tilespmem:s25+$0x0] =	vst.add.f32.msk $0xffff, v11  }
0x1e7: {  	v10 =	vadd.f32 v17, v10;
	s22 =	simm.s32 $0x10160;
	[tilespmem:s21+$0x0] =	vst.add.f32.msk $0xffff, v12  }
0x1e8: {  	v8 =	vadd.f32 v25, v8;
	s23 =	simm.s32 $0x10170;
	[tilespmem:s22+$0x0] =	vst.add.f32.msk $0xffff, v9  }
0x1e9: {  	v7 =	vadd.f32 v26, v7;
	s24 =	simm.s32 $0x10180;
	[tilespmem:s23+$0x0] =	vst.add.f32.msk $0xffff, v10  }
0x1ea: {  	v4 =	vadd.f32 v27, v4;
	s25 =	simm.s32 $0x10190;
	[tilespmem:s24+$0x0] =	vst.add.f32.msk $0xffff, v8  }
0x1eb: {  	v5 =	vadd.f32 v28, v5;
	s21 =	simm.s32 $0x101A0;
	[tilespmem:s25+$0x0] =	vst.add.f32.msk $0xffff, v7  }
0x1ec: {  	v6 =	vadd.f32 v29, v6;
	s22 =	simm.s32 $0x101B0;
	[tilespmem:s21+$0x0] =	vst.add.f32.msk $0xffff, v4  }
0x1ed: {  	v2 =	vadd.f32 v30, v2;
	s23 =	simm.s32 $0x101C0;
	[tilespmem:s22+$0x0] =	vst.add.f32.msk $0xffff, v5  }
0x1ee: {  	v3 =	vadd.f32 v31, v3;
	s24 =	simm.s32 $0x101D0;
	[tilespmem:s23+$0x0] =	vst.add.f32.msk $0xffff, v6  }
0x1ef: {  	v1 =	vadd.f32 v24, v1;
	s25 =	simm.s32 $0x0;
	s22 =	simm.s32 $0x101E0;
	[tilespmem:s24+$0x0] =	vst.add.f32.msk $0xffff, v2  }
0x1f0: {  	s20 =	sand.u32 $0x380, s25;
	s23 =	sand.u32 $0x6000, s25;
	s24 =	simm.s32 $0x101F0;
	[tilespmem:s22+$0x0] =	vst.add.f32.msk $0xffff, v3  }
0x1f1: {  	s20 =	sor.u32 s20, s23;
	[tilespmem:s24+$0x0] =	vst.add.f32.msk $0xffff, v1  }
0x1f2: {  	v1 =	vld [tilespmem:s20+$0x9470]  }
0x1f3: {  	v3 =	vld [tilespmem:s20+$0x9000]  }
0x1f4: {  	v4 =	vld [tilespmem:s20+$0x9010]  }
0x1f5: {  	v5 =	vld [tilespmem:s20+$0x9020]  }
0x1f6: {  	v6 =	vld [tilespmem:s20+$0x9030]  }
0x1f7: {  	v7 =	vld [tilespmem:s20+$0x9040]  }
0x1f8: {  	v8 =	vld [tilespmem:s20+$0x9050]  }
0x1f9: {  	v9 =	vld [tilespmem:s20+$0x9060]  }
0x1fa: {  	v2 =	vimm.f32 $0.0e+00;
	v12 =	vld [tilespmem:s20+$0x9070]  }
0x1fb: {  	v13 =	vld [tilespmem:s20+$0x9400];
	v1 =	vadd.f32 v1, v2  }
0x1fc: {  	v16 =	vadd.f32 v3, v2;
	v15 =	vadd.f32 v4, v2  }
0x1fd: {  	v20 =	vld [tilespmem:s20+$0x9410];
	v14 =	vadd.f32 v5, v2;
	v10 =	vadd.f32 v6, v2  }
0x1fe: {  	v19 =	vld [tilespmem:s20+$0x9420];
	v11 =	vadd.f32 v7, v2;
	v7 =	vadd.f32 v8, v2  }
0x1ff: {  	v17 =	vld [tilespmem:s20+$0x9430];
	v8 =	vadd.f32 v9, v2;
	v4 =	vadd.f32 v12, v2  }
0x200: {  	s21 =	simm.s32 $0x80;
	s25 =	simm.s32 $0x400;
	v18 =	vld [tilespmem:s20+$0x9440];
	v9 =	vadd.f32 v13, v2;
	v12 =	vimm.f32 $0.0e+00;
	v5 =	vimm.f32 $0.0e+00  }
0x201: {  	s23 =	sand.u32 $0x6000, s25;
	s22 =	simm.s32 $0x800;
	s24 =	sand.u32 $0x380, s21;
	v21 =	vld [tilespmem:s20+$0x9450];
	v13 =	vimm.f32 $0.0e+00;
	v6 =	vimm.f32 $0.0e+00;
	v3 =	vimm.f32 $0.0e+00  }
.LBB2_15:
0x202: {  	p1 =	sne.s32 s22, $0x7C00;
	v2 =	vadd.f32 v20, v2;
	v20 =	vld [tilespmem:s20+$0x9460];
	s20 =	sor.u32 s24, s23  }
0x203: {  	v22 =	vld [tilespmem:s20+$0x9470];
	v12 =	vadd.f32 v19, v12  }
0x204: {  	v19 =	vld [tilespmem:s20+$0x9000];
	v5 =	vadd.f32 v17, v5  }
0x205: {  	v17 =	vld [tilespmem:s20+$0x9010];
	v13 =	vadd.f32 v18, v13  }
0x206: {  	v18 =	vld [tilespmem:s20+$0x9020];
	v6 =	vadd.f32 v21, v6  }
0x207: {  	v21 =	vld [tilespmem:s20+$0x9030];
	v3 =	vadd.f32 v20, v3  }
0x208: {  	v20 =	vld [tilespmem:s20+$0x9040];
	v1 =	vadd.f32 v22, v1  }
0x209: {  	v16 =	vadd.f32 v19, v16;
	v19 =	vld [tilespmem:s20+$0x9050]  }
0x20a: {  	v15 =	vadd.f32 v17, v15;
	v17 =	vld [tilespmem:s20+$0x9060]  }
0x20b: {  	v14 =	vadd.f32 v18, v14;
	v18 =	vld [tilespmem:s20+$0x9070]  }
0x20c: {  	v10 =	vadd.f32 v21, v10;
	v21 =	vld [tilespmem:s20+$0x9400]  }
.Ltmp8:
0x20d: {  	v11 =	vadd.f32 v20, v11;
	v20 =	vld [tilespmem:s20+$0x9410];
	(pc) =	sbr.rel @p1 .LBB2_15-.Ltmp8, $4  }
0x20e: {  	v7 =	vadd.f32 v19, v7;
	v19 =	vld [tilespmem:s20+$0x9420]  }
0x20f: {  	v8 =	vadd.f32 v17, v8;
	v17 =	vld [tilespmem:s20+$0x9430]  }
0x210: {  	s21 =	sadd.s32 $0x80, s21;
	v4 =	vadd.f32 v18, v4;
	v18 =	vld [tilespmem:s20+$0x9440]  }
0x211: {  	s23 =	sand.u32 $0x6000, s22;
	s22 =	sadd.s32 $0x400, s22;
	s24 =	sand.u32 $0x380, s21;
	v9 =	vadd.f32 v21, v9;
	v21 =	vld [tilespmem:s20+$0x9450]  }
0x212: {  	s21 =	sor.u32 s24, s23;
	v22 =	vld [tilespmem:s20+$0x9460]  }
0x213: {  	v23 =	vld [tilespmem:s21+$0x9470]  }
0x214: {  	v24 =	vld [tilespmem:s21+$0x9000]  }
0x215: {  	v25 =	vld [tilespmem:s21+$0x9010]  }
0x216: {  	v26 =	vld [tilespmem:s21+$0x9020]  }
0x217: {  	v27 =	vld [tilespmem:s21+$0x9030]  }
0x218: {  	v28 =	vld [tilespmem:s21+$0x9040]  }
0x219: {  	v29 =	vld [tilespmem:s21+$0x9050]  }
0x21a: {  	v30 =	vld [tilespmem:s21+$0x9060]  }
0x21b: {  	v31 =	vld [tilespmem:s21+$0x9070]  }
0x21c: {  	v32 =	vld [tilespmem:s21+$0x9400]  }
0x21d: {  	v33 =	vld [tilespmem:s21+$0x9410]  }
0x21e: {  	v34 =	vld [tilespmem:s21+$0x9420]  }
0x21f: {  	v35 =	vld [tilespmem:s21+$0x9430]  }
0x220: {  	v36 =	vld [tilespmem:s21+$0x9440]  }
0x221: {  	v62 =	vld [tilespmem:s21+$0x9450];
	v16 =	vadd.f32 v24, v16  }
0x222: {  	v63 =	vld [tilespmem:s21+$0x9460];
	s21 =	simm.s32 $0x10200;
	v15 =	vadd.f32 v25, v15  }
0x223: {  	s22 =	simm.s32 $0x10210;
	v14 =	vadd.f32 v26, v14;
	[tilespmem:s21+$0x0] =	vst.add.f32.msk $0xffff, v16  }
0x224: {  	s23 =	simm.s32 $0x10220;
	v10 =	vadd.f32 v27, v10;
	[tilespmem:s22+$0x0] =	vst.add.f32.msk $0xffff, v15  }
0x225: {  	s24 =	simm.s32 $0x10230;
	v11 =	vadd.f32 v28, v11;
	[tilespmem:s23+$0x0] =	vst.add.f32.msk $0xffff, v14  }
0x226: {  	s25 =	simm.s32 $0x10240;
	v7 =	vadd.f32 v29, v7;
	[tilespmem:s24+$0x0] =	vst.add.f32.msk $0xffff, v10  }
0x227: {  	v8 =	vadd.f32 v30, v8;
	s21 =	simm.s32 $0x10250;
	[tilespmem:s25+$0x0] =	vst.add.f32.msk $0xffff, v11  }
0x228: {  	v2 =	vadd.f32 v20, v2;
	v4 =	vadd.f32 v31, v4;
	s22 =	simm.s32 $0x10260;
	[tilespmem:s21+$0x0] =	vst.add.f32.msk $0xffff, v7  }
0x229: {  	v9 =	vadd.f32 v32, v9;
	s23 =	simm.s32 $0x10270;
	v7 =	vadd.f32 v19, v12;
	[tilespmem:s22+$0x0] =	vst.add.f32.msk $0xffff, v8  }
0x22a: {  	v5 =	vadd.f32 v17, v5;
	v2 =	vadd.f32 v33, v2;
	s24 =	simm.s32 $0x10280;
	[tilespmem:s23+$0x0] =	vst.add.f32.msk $0xffff, v4  }
0x22b: {  	s25 =	simm.s32 $0x10290;
	v4 =	vadd.f32 v18, v13;
	v7 =	vadd.f32 v34, v7;
	[tilespmem:s24+$0x0] =	vst.add.f32.msk $0xffff, v9  }
0x22c: {  	v6 =	vadd.f32 v21, v6;
	v5 =	vadd.f32 v35, v5;
	s21 =	simm.s32 $0x102A0;
	[tilespmem:s25+$0x0] =	vst.add.f32.msk $0xffff, v2  }
0x22d: {  	s22 =	simm.s32 $0x102B0;
	v2 =	vadd.f32 v22, v3;
	v3 =	vadd.f32 v36, v4;
	[tilespmem:s21+$0x0] =	vst.add.f32.msk $0xffff, v7  }
0x22e: {  	s23 =	simm.s32 $0x102C0;
	v4 =	vadd.f32 v62, v6;
	[tilespmem:s22+$0x0] =	vst.add.f32.msk $0xffff, v5  }
0x22f: {  	s24 =	simm.s32 $0x102D0;
	v2 =	vadd.f32 v63, v2;
	[tilespmem:s23+$0x0] =	vst.add.f32.msk $0xffff, v3  }
0x230: {  	v1 =	vadd.f32 v23, v1;
	s25 =	simm.s32 $0x0;
	s22 =	simm.s32 $0x102E0;
	[tilespmem:s24+$0x0] =	vst.add.f32.msk $0xffff, v4  }
0x231: {  	s23 =	sor.u32 s25, s25;
	[tilespmem:s22+$0x0] =	vst.add.f32.msk $0xffff, v2;
	s22 =	simm.s32 $0x102F0  }
0x232: {  	s24 =	sand.u32 $0x6000, s25;
	s25 =	sand.u32 $0x380, s25;
	s20 =	sor.u32 $0x9C00, s23;
	[tilespmem:s22+$0x0] =	vst.add.f32.msk $0xffff, v1  }
0x233: {  	s24 =	sor.u32 s25, s24;
	v1 =	vld [tilespmem:s20+$0x70]  }
0x234: {  	v3 =	vld [tilespmem:s24+$0x9800]  }
0x235: {  	v4 =	vld [tilespmem:s24+$0x9810]  }
0x236: {  	v5 =	vld [tilespmem:s24+$0x9820]  }
0x237: {  	v6 =	vld [tilespmem:s24+$0x9830]  }
0x238: {  	v7 =	vld [tilespmem:s24+$0x9840]  }
0x239: {  	v10 =	vld [tilespmem:s24+$0x9850]  }
0x23a: {  	v11 =	vld [tilespmem:s24+$0x9860]  }
0x23b: {  	v2 =	vimm.f32 $0.0e+00;
	v13 =	vld [tilespmem:s24+$0x9870]  }
0x23c: {  	v14 =	vld [tilespmem:s20+$0x0];
	v1 =	vadd.f32 v1, v2  }
0x23d: {  	v16 =	vadd.f32 v3, v2;
	v15 =	vadd.f32 v4, v2  }
0x23e: {  	v20 =	vld [tilespmem:s20+$0x10];
	v12 =	vadd.f32 v5, v2;
	v8 =	vadd.f32 v6, v2  }
0x23f: {  	v17 =	vld [tilespmem:s20+$0x20];
	v9 =	vadd.f32 v7, v2;
	v4 =	vadd.f32 v10, v2  }
0x240: {  	s25 =	simm.s32 $0x400;
	v18 =	vld [tilespmem:s20+$0x30];
	v10 =	vadd.f32 v11, v2;
	v5 =	vadd.f32 v13, v2  }
0x241: {  	s21 =	simm.s32 $0x80;
	s23 =	sand.u32 $0x6000, s25;
	v19 =	vld [tilespmem:s20+$0x40];
	v11 =	vadd.f32 v14, v2;
	v13 =	vimm.f32 $0.0e+00;
	v6 =	vimm.f32 $0.0e+00  }
0x242: {  	s25 =	sor.u32 s25, s21;
	s22 =	simm.s32 $0x800;
	s24 =	sand.u32 $0x380, s21;
	v21 =	vld [tilespmem:s20+$0x50];
	v14 =	vimm.f32 $0.0e+00;
	v7 =	vimm.f32 $0.0e+00;
	v3 =	vimm.f32 $0.0e+00  }
.LBB2_17:
0x243: {  	p1 =	sne.s32 s22, $0x7C00;
	s23 =	sor.u32 s24, s23;
	v2 =	vadd.f32 v20, v2;
	v20 =	vld [tilespmem:s20+$0x60];
	s20 =	sor.u32 $0x9C00, s25  }
0x244: {  	v22 =	vld [tilespmem:s20+$0x70];
	v13 =	vadd.f32 v17, v13  }
0x245: {  	v17 =	vld [tilespmem:s23+$0x9800];
	v6 =	vadd.f32 v18, v6  }
0x246: {  	v18 =	vld [tilespmem:s23+$0x9810];
	v14 =	vadd.f32 v19, v14  }
0x247: {  	v19 =	vld [tilespmem:s23+$0x9820];
	v7 =	vadd.f32 v21, v7  }
0x248: {  	v21 =	vld [tilespmem:s23+$0x9830];
	v3 =	vadd.f32 v20, v3  }
0x249: {  	v20 =	vld [tilespmem:s23+$0x9840];
	v1 =	vadd.f32 v22, v1  }
0x24a: {  	v16 =	vadd.f32 v17, v16;
	v17 =	vld [tilespmem:s23+$0x9850]  }
0x24b: {  	v15 =	vadd.f32 v18, v15;
	v18 =	vld [tilespmem:s23+$0x9860]  }
0x24c: {  	v12 =	vadd.f32 v19, v12;
	v19 =	vld [tilespmem:s23+$0x9870]  }
0x24d: {  	v8 =	vadd.f32 v21, v8;
	v21 =	vld [tilespmem:s20+$0x0]  }
.Ltmp9:
0x24e: {  	v9 =	vadd.f32 v20, v9;
	v20 =	vld [tilespmem:s20+$0x10];
	(pc) =	sbr.rel @p1 .LBB2_17-.Ltmp9, $4  }
0x24f: {  	v4 =	vadd.f32 v17, v4;
	v17 =	vld [tilespmem:s20+$0x20]  }
0x250: {  	v10 =	vadd.f32 v18, v10;
	v18 =	vld [tilespmem:s20+$0x30]  }
0x251: {  	s21 =	sadd.s32 $0x80, s21;
	s23 =	sand.u32 $0x6000, s22;
	v5 =	vadd.f32 v19, v5;
	v19 =	vld [tilespmem:s20+$0x40]  }
0x252: {  	s24 =	sand.u32 $0x380, s21;
	s25 =	sor.u32 s22, s21;
	s22 =	sadd.s32 $0x400, s22;
	v11 =	vadd.f32 v21, v11;
	v21 =	vld [tilespmem:s20+$0x50]  }
0x253: {  	s21 =	sor.u32 $0x9C00, s25;
	v22 =	vld [tilespmem:s20+$0x60]  }
0x254: {  	s25 =	sor.u32 s24, s23;
	v23 =	vld [tilespmem:s21+$0x70]  }
0x255: {  	v24 =	vld [tilespmem:s25+$0x9800]  }
0x256: {  	v25 =	vld [tilespmem:s25+$0x9810]  }
0x257: {  	v26 =	vld [tilespmem:s25+$0x9820]  }
0x258: {  	v27 =	vld [tilespmem:s25+$0x9830]  }
0x259: {  	v28 =	vld [tilespmem:s25+$0x9840]  }
0x25a: {  	v29 =	vld [tilespmem:s25+$0x9850]  }
0x25b: {  	v30 =	vld [tilespmem:s25+$0x9860]  }
0x25c: {  	v31 =	vld [tilespmem:s25+$0x9870]  }
0x25d: {  	v32 =	vld [tilespmem:s21+$0x0]  }
0x25e: {  	v33 =	vld [tilespmem:s21+$0x10]  }
0x25f: {  	v34 =	vld [tilespmem:s21+$0x20]  }
0x260: {  	v35 =	vld [tilespmem:s21+$0x30]  }
0x261: {  	v36 =	vld [tilespmem:s21+$0x40]  }
0x262: {  	v57 =	vld [tilespmem:s21+$0x50];
	v16 =	vadd.f32 v24, v16  }
0x263: {  	v58 =	vld [tilespmem:s21+$0x60];
	v15 =	vadd.f32 v25, v15  }
0x264: {  	v12 =	vadd.f32 v26, v12;
	[tilespmem:s0+$0x0] =	vst.add.f32.msk $0xffff, v16  }
0x265: {  	v8 =	vadd.f32 v27, v8;
	[tilespmem:s2+$0x0] =	vst.add.f32.msk $0xffff, v15  }
0x266: {  	v9 =	vadd.f32 v28, v9;
	[tilespmem:s4+$0x0] =	vst.add.f32.msk $0xffff, v12  }
0x267: {  	v4 =	vadd.f32 v29, v4;
	[tilespmem:s5+$0x0] =	vst.add.f32.msk $0xffff, v8  }
0x268: {  	v59 =	vadd.f32 v30, v10;
	[tilespmem:s12+$0x0] =	vst.add.f32.msk $0xffff, v9  }
0x269: {  	v2 =	vadd.f32 v20, v2;
	v5 =	vadd.f32 v31, v5;
	[tilespmem:s8+$0x0] =	vst.add.f32.msk $0xffff, v4  }
0x26a: {  	v60 =	vadd.f32 v17, v13;
	v61 =	vadd.f32 v32, v11;
	[tilespmem:s9+$0x0] =	vst.add.f32.msk $0xffff, v59  }
0x26b: {  	v6 =	vadd.f32 v18, v6;
	v2 =	vadd.f32 v33, v2;
	[tilespmem:s10+$0x0] =	vst.add.f32.msk $0xffff, v5  }
0x26c: {  	v62 =	vadd.f32 v19, v14;
	v4 =	vadd.f32 v34, v60;
	[tilespmem:s3+$0x0] =	vst.add.f32.msk $0xffff, v61  }
0x26d: {  	v7 =	vadd.f32 v21, v7;
	v6 =	vadd.f32 v35, v6;
	[tilespmem:s1+$0x0] =	vst.add.f32.msk $0xffff, v2  }
0x26e: {  	v2 =	vadd.f32 v22, v3;
	v3 =	vadd.f32 v36, v62;
	[tilespmem:s7+$0x0] =	vst.add.f32.msk $0xffff, v4  }
.Ltmp10:
0x26f: {  	v63 =	vadd.f32 v57, v7;
	[tilespmem:s6+$0x0] =	vst.add.f32.msk $0xffff, v6;
	(pc) =	sbr.rel @p0 .LBB2_20-.Ltmp10, $4  }
0x270: {  	v2 =	vadd.f32 v58, v2;
	[tilespmem:s13+$0x0] =	vst.add.f32.msk $0xffff, v3  }
0x271: {  	v1 =	vadd.f32 v23, v1;
	[tilespmem:s14+$0x0] =	vst.add.f32.msk $0xffff, v63  }
0x272: {  	[tilespmem:s15+$0x0] =	vst.add.f32.msk $0xffff, v2  }
0x273: {  	[tilespmem:s16+$0x0] =	vst.add.f32.msk $0xffff, v1  }
.Ltmp11:
0x274: {  	s20 =	rddreg [dreg:$0x6];
	(pc) =	sbr.rel .LBB2_2-.Ltmp11, $4  }
0x275: {  	s19 =	sadd.s32 s19, s20  }
0x276: {  	s24 =	rddreg [dreg:$0x0];
	s25 =	simm.s32 $0x0;
	s19 =	sshrl.u32 s19, $0x3  }
0x277: {  	s21 =	simm.s32 $0x8000;
	s18 =	sadd.s32 $0x1, s18;
	s19 =	sadd.s32 s24, s19  }
0x278: {  	[tilespmem:s21], [sflag:$0x2] =	stream.linear.gather [hbm4b:s19+s25], $0x8000, $0x38;
	[tilespmem:$0x10400] =	vst v63  }
.LBB2_21:
0x279: {  	_ =	sfence.sel $0x180000  }
0x27a: {  	[bflag:$0x0] =	sbarrier.arrive $0xFFFF  }
0x27b: {  	_ =	strace $0x90000047  }
0x27c: {  	s0 =	stileid.u32;
	[bflag:$0x2] =	sbarrier.arrive $0xFFFF  }
0x27d: {  	p0 =	sne.s32 s0, $0x0;
	s0 =	rddreg [dreg:$0x2]  }
0x27e: {  	s0 =	sadd.s32 @!p0 $0x100000, s0  }
0x27f: {  	[sflag:s0] =	ssyncadd.tile.s32 @!p0 $0x1;
	_ =	shalt  }
.Lfunc_end2:
_tile_overlayer_lowered:
.L_overlay_start_2:
0x280: {  	(tag) =	ssettag $0x2  }
0x281: {  	s0 =	rddreg [dreg:$0x0];
	s2 =	stileid.u32  }
0x282: {  	s1 =	rddreg [dreg:$0x1];
	p0 =	sne.s32 s2, $0x0  }
0x283: {  	s3 =	rddreg [dreg:$0x2];
	[bflag:$0x3] =	sbarrier.arrive $0xFFFF;
	s2 =	simm.s32 @!p0 $0x1C03  }
0x284: {  	[timem:s3], [sflag:s2] =	dma.local @!p0 [hbm:s0], s1  }
0x285: {  	s0 =	simm.s32 @!p0 $0x3  }
0x286: {  	_ =	swait.ge @!p0 [sflag:s0], s1  }
0x287: {  	s1 =	ssub.s32 @!p0 $0x0, s1;
	[sflag:s0] =	ssyncset.done @!p0 $0x0  }
0x288: {  	[sflag:s0] =	ssyncadd.s32 @!p0 s1  }
0x289: {  	[bflag:$0x3] =	sbarrier.arrive $0xFFFF  }
0x28a: {  	_ =	shalt  }

</sc_bundles>
